<compile_context>
chip_gen: v7x
topology: tpu7x:2x2x1
jax: 0.10.2.dev20260603
libtpu: 0.0.44.dev20260713+nightly
codegen_flags: <defaults>
</compile_context>

<pallas_src>
import functools

import jax
import jax.numpy as jnp
from jax import lax
from jax.experimental import pallas as pl
from jax.experimental.pallas import tpu as pltpu
from jax.experimental.pallas import tpu_sc as plsc

N = 4096
D = 512
K = 2048
NC, NS = 2, 16
NW = NC * NS
RPW = K // NW
GCHUNK = 8
L = 16


def _scores_body(h_ref, w_ref, b_ref, s_ref):
    w = lax.dot_general(w_ref[...], h_ref[...], (((1,), (1,)), ((), ())),
                        preferred_element_type=jnp.float32)
    s_ref[...] = jax.nn.sigmoid(w + b_ref[...])


_scores_call = pl.pallas_call(
    _scores_body,
    out_shape=jax.ShapeDtypeStruct((1, N), jnp.float32),
)


def _rank_body(s_col_ref, s_row_ref, idx_ref):
    s_col = s_col_ref[...]
    CH = 512
    tri = (lax.broadcasted_iota(jnp.int32, (CH, CH), 1)
           < lax.broadcasted_iota(jnp.int32, (CH, CH), 0))
    rank = jnp.zeros((N, 1), jnp.float32)
    for c in range(N // CH):
        s_chunk = s_row_ref[:, c * CH:(c + 1) * CH]
        lo, hi = c * CH, (c + 1) * CH
        parts = []
        if lo > 0:
            parts.append(jnp.sum(
                jnp.where(s_chunk > s_col[:lo], 1.0, 0.0),
                axis=1, keepdims=True))
        sm = s_col[lo:hi]
        f = jnp.logical_or(s_chunk > sm,
                           jnp.logical_and(s_chunk == sm, tri))
        parts.append(jnp.sum(jnp.where(f, 1.0, 0.0), axis=1, keepdims=True))
        if hi < N:
            parts.append(jnp.sum(
                jnp.where(s_chunk >= s_col[hi:], 1.0, 0.0),
                axis=1, keepdims=True))
        part = parts[0] if len(parts) == 1 else jnp.concatenate(parts, axis=0)
        rank = rank + part
    i_colf = lax.broadcasted_iota(jnp.int32, (N, 1), 0).astype(jnp.float32)
    for pc in range(K // CH):
        p_iota = (lax.broadcasted_iota(jnp.int32, (N, CH), 1)
                  + pc * CH).astype(jnp.float32)
        m = rank == p_iota
        sel = jnp.sum(jnp.where(m, i_colf, 0.0), axis=0, keepdims=True)
        idx_ref[:, pc * CH:(pc + 1) * CH] = sel.astype(jnp.int32)


_rank_call = pl.pallas_call(
    _rank_body,
    out_shape=jax.ShapeDtypeStruct((1, K), jnp.int32),
)


NCHUNK = RPW // GCHUNK
UNROLL = 2


def _sc_pool_impl(g_hbm, h_hbm, idx_hbm, idxr_hbm, lut_hbm, gnew_hbm,
                  newh_hbm, idx_v, cidx_v, hrows_v, g0_v, g1_v, obuf_v, lut_v,
                  sem_h, sem_g0, sem_g1, sem_o):
    wid = lax.axis_index("s") * NC + lax.axis_index("c")
    base = wid * RPW
    pltpu.sync_copy(idx_hbm, idx_v)
    pltpu.sync_copy(lut_hbm, lut_v)
    pltpu.sync_copy(idxr_hbm.at[pl.ds(wid * NCHUNK, NCHUNK)], cidx_v)
    cp_h = pltpu.async_copy(h_hbm.at[idx_v.at[pl.ds(base, RPW)]], hrows_v,
                            sem_h)
    gbufs = (g0_v, g1_v)
    sems = (sem_g0, sem_g1)
    splats = [jnp.full((L,), r, jnp.int32) for r in range(GCHUNK)]
    pltpu.async_copy(g_hbm.at[cidx_v.at[0]], g0_v, sem_g0)

    def outer(t, _):
        for b in range(2):
            c = t * 2 + b
            nxt = c + 1

            @pl.when(nxt < NCHUNK)
            def _():
                pltpu.async_copy(g_hbm.at[cidx_v.at[nxt]], gbufs[1 - b],
                                 sems[1 - b])

            pltpu.make_async_copy(g_hbm.at[pl.ds(0, GCHUNK)], gbufs[b],
                                  sems[b]).wait()
            gbuf = gbufs[b]
            zeros = jnp.zeros((L,), jnp.int32)

            @plsc.parallel_loop(0, K // L, unroll=UNROLL,
                                carry=(zeros,) * GCHUNK)
            def counts(k, accs):
                colv = idx_v[pl.ds(k * L, L)]
                return tuple(
                    accs[r] + plsc.all_reduce_population_count(
                        plsc.load_gather(gbuf, [splats[r], colv]) != 0.0)
                    for r in range(GCHUNK))

            invs = [plsc.load_gather(lut_v, [counts[r]])
                    for r in range(GCHUNK)]

            @pl.when(c > 0)
            def _():
                pltpu.make_async_copy(
                    gnew_hbm.at[pl.ds(0, GCHUNK)], obuf_v, sem_o).wait()

            @plsc.parallel_loop(0, K // L, unroll=UNROLL)
            def _(k):
                colv = idx_v[pl.ds(k * L, L)]
                for r in range(GCHUNK):
                    vals = plsc.load_gather(gbuf, [splats[r], colv])
                    obuf_v[r, pl.ds(k * L, L)] = jnp.where(
                        vals != 0.0, invs[r], 0.0)

            pltpu.async_copy(obuf_v,
                             gnew_hbm.at[pl.ds(base + c * GCHUNK, GCHUNK)],
                             sem_o)
        return 0

    lax.fori_loop(0, NCHUNK // 2, outer, 0)
    pltpu.make_async_copy(gnew_hbm.at[pl.ds(0, GCHUNK)], obuf_v, sem_o).wait()
    cp_h.wait()
    pltpu.sync_copy(hrows_v, newh_hbm.at[pl.ds(base, RPW)])


@functools.lru_cache(maxsize=1)
def _get_sc_pool():
    mesh = plsc.VectorSubcoreMesh(core_axis_name="c", subcore_axis_name="s",
                                  num_cores=NC, num_subcores=NS)
    return pl.kernel(
        _sc_pool_impl,
        out_type=(jax.ShapeDtypeStruct((K, K), jnp.float32),
                  jax.ShapeDtypeStruct((K, D), jnp.float32)),
        mesh=mesh,
        compiler_params=pltpu.CompilerParams(needs_layout_passes=False),
        scratch_types=[pltpu.VMEM((K,), jnp.int32),
                       pltpu.VMEM((NCHUNK, GCHUNK), jnp.int32),
                       pltpu.VMEM((RPW, D), jnp.float32),
                       pltpu.VMEM((GCHUNK, N), jnp.float32),
                       pltpu.VMEM((GCHUNK, N), jnp.float32),
                       pltpu.VMEM((GCHUNK, K), jnp.float32),
                       pltpu.VMEM((K + 1,), jnp.float32),
                       pltpu.SemaphoreType.DMA,
                       pltpu.SemaphoreType.DMA,
                       pltpu.SemaphoreType.DMA,
                       pltpu.SemaphoreType.DMA],
    )


def kernel(g, h, W, b):
    scores2d = _scores_call(h, W, b.reshape(1, 1))
    idx2d = _rank_call(scores2d.reshape(N, 1), scores2d)
    idx = idx2d.reshape(K)
    lut = 1.0 / jnp.arange(K + 1, dtype=jnp.float32)
    g_new, new_h = _get_sc_pool()(g, h, idx, idx.reshape(K // GCHUNK, GCHUNK),
                                  lut)
    return (g_new, new_h, idx, scores2d.reshape(N))

# --- scband reference (transcript-rebuilt; emitter-appended) ---
"""Pipeline reference for scband-pool-47132971106804 (READ-ONLY COPY).

The authoritative reference and input builder live on the scoring server;
editing this copy changes nothing except your own understanding.
"""

import jax, jax.numpy as jnp
import numpy as np

K_RATIO = 0.5


def setup_inputs(seed: int = 0) -> dict:
    key = jax.random.key(seed)
    k1, k2, k3 = jax.random.split(key, 3)
    N, D = 4096, 512
    g = jax.random.uniform(k1, (N, N), dtype=jnp.float32)
    h = jax.random.normal(k2, (N, D), dtype=jnp.float32)
    # proj = nn.Linear(in_dim, 1): weight [1, D], bias [1]
    bound = 1.0 / np.sqrt(D)
    W = jax.random.uniform(k3, (1, D), dtype=jnp.float32, minval=-bound, maxval=bound)
    b = jnp.zeros((1,), dtype=jnp.float32)
    return {"g": g, "h": h, "W": W, "b": b}


def norm_g(g):
    # torch: degrees = sum(g, 1) -> [K]; g / degrees broadcasts over last axis
    degrees = jnp.sum(g, axis=1)
    return g / degrees


def reference(g, h, W, b):
    # weights = self.proj(h).squeeze()
    weights = (h @ W.T + b).reshape(-1)
    scores = jax.nn.sigmoid(weights)
    num_nodes = g.shape[0]
    kk = max(2, int(K_RATIO * num_nodes))
    values, idx = jax.lax.top_k(scores, kk)
    new_h = jnp.take(h, idx, axis=0)
    un_g = jnp.where(g != 0, 1.0, 0.0).astype(jnp.float32)  # g.bool().float()
    un_g = jnp.take(un_g, idx, axis=0)
    un_g = jnp.take(un_g, idx, axis=1)
    g_new = norm_g(un_g)
    return (g_new, new_h, idx, scores)

if __name__ == "__main__":
    import jax
    _d = setup_inputs()
    print(jax.jit(kernel)(*tuple(_d.values())))

</pallas_src>

<mosaic_0001>
#map = affine_map<(d0, d1) -> (0, 0)>
#map1 = affine_map<(d0, d1) -> (0)>
module attributes {stable_mosaic.version = 14 : i64} {
  func.func @_sc_pool_impl(%arg0: i32, %arg1: i32, %arg2: memref<4096x4096xf32, #tpu.memory_space<hbm>>, %arg3: memref<4096x512xf32, #tpu.memory_space<hbm>>, %arg4: memref<2048xi32, #tpu.memory_space<hbm>>, %arg5: memref<256x8xi32, #tpu.memory_space<hbm>>, %arg6: memref<2049xf32, #tpu.memory_space<hbm>>, %arg7: memref<2048x2048xf32, #tpu.memory_space<hbm>>, %arg8: memref<2048x512xf32, #tpu.memory_space<hbm>>, %arg9: memref<2048xi32, #tpu.memory_space<vmem>>, %arg10: memref<8x8xi32, #tpu.memory_space<vmem>>, %arg11: memref<64x512xf32, #tpu.memory_space<vmem>>, %arg12: memref<8x4096xf32, #tpu.memory_space<vmem>>, %arg13: memref<8x4096xf32, #tpu.memory_space<vmem>>, %arg14: memref<8x2048xf32, #tpu.memory_space<vmem>>, %arg15: memref<2049xf32, #tpu.memory_space<vmem>>, %arg16: memref<!tpu.dma_semaphore, #tpu.memory_space<semaphore_mem>>, %arg17: memref<!tpu.dma_semaphore, #tpu.memory_space<semaphore_mem>>, %arg18: memref<!tpu.dma_semaphore, #tpu.memory_space<semaphore_mem>>, %arg19: memref<!tpu.dma_semaphore, #tpu.memory_space<semaphore_mem>>) attributes {dimension_semantics = [#tpu.dimension_semantics<core_parallel>, #tpu.dimension_semantics<subcore_parallel>], iteration_bounds = array<i64: 2, 16>, scalar_prefetch = 0 : i64, scratch_operands = 11 : i64, tpu.core_type = #tpu.core_type<sc_vector_subcore>, window_params = [{transform_indices = #map}, {transform_indices = #map}, {transform_indices = #map1}, {transform_indices = #map}, {transform_indices = #map1}, {transform_indices = #map}, {transform_indices = #map}]} {
    %mul3A = arith.constant 2 : i32
    %mul3A_0 = arith.muli %arg1, %mul3A : i32
    %add3A = arith.addi %mul3A_0, %arg0 : i32
    %mul3A_1 = arith.constant 64 : i32
    %mul3A_2 = arith.muli %add3A, %mul3A_1 : i32
    "tpu.region"() ({
      %run_scoped3A = tpu.sem_alloc : memref<!tpu.dma_semaphore, #tpu.memory_space<semaphore_mem>>
      tpu.enqueue_dma source(%arg4 : memref<2048xi32, #tpu.memory_space<hbm>>) target(%arg9 : memref<2048xi32, #tpu.memory_space<vmem>>) target_semaphore(%run_scoped3A : memref<!tpu.dma_semaphore, #tpu.memory_space<semaphore_mem>>)
      tpu.wait_dma2 semaphore(%run_scoped3A : memref<!tpu.dma_semaphore, #tpu.memory_space<semaphore_mem>>) src(%arg4 : memref<2048xi32, #tpu.memory_space<hbm>>) dst(%arg9 : memref<2048xi32, #tpu.memory_space<vmem>>)
      tpu.yield
    }) : () -> ()
    "tpu.region"() ({
      %run_scoped3A = tpu.sem_alloc : memref<!tpu.dma_semaphore, #tpu.memory_space<semaphore_mem>>
      tpu.enqueue_dma source(%arg6 : memref<2049xf32, #tpu.memory_space<hbm>>) target(%arg15 : memref<2049xf32, #tpu.memory_space<vmem>>) target_semaphore(%run_scoped3A : memref<!tpu.dma_semaphore, #tpu.memory_space<semaphore_mem>>)
      tpu.wait_dma2 semaphore(%run_scoped3A : memref<!tpu.dma_semaphore, #tpu.memory_space<semaphore_mem>>) src(%arg6 : memref<2049xf32, #tpu.memory_space<hbm>>) dst(%arg15 : memref<2049xf32, #tpu.memory_space<vmem>>)
      tpu.yield
    }) : () -> ()
    %mul3A_3 = arith.constant 8 : i32
    %mul3A_4 = arith.muli %add3A, %mul3A_3 : i32
    "tpu.region"() ({
      %run_scoped3A = tpu.sem_alloc : memref<!tpu.dma_semaphore, #tpu.memory_space<semaphore_mem>>
      %dma_start3A_45 = arith.constant 0 : i32
      %dma_start3A_46 = tpu.memref_slice %arg5[%mul3A_4, %dma_start3A_45] : memref<256x8xi32, #tpu.memory_space<hbm>> -> memref<8x8xi32, #tpu.memory_space<hbm>>
      %dma_start3A_47 = arith.constant 0 : i32
      %dma_start3A_48 = tpu.memref_slice %arg5[%mul3A_4, %dma_start3A_47] : memref<256x8xi32, #tpu.memory_space<hbm>> -> memref<8x8xi32, #tpu.memory_space<hbm>>
      tpu.enqueue_dma source(%dma_start3A_48 : memref<8x8xi32, #tpu.memory_space<hbm>>) target(%arg10 : memref<8x8xi32, #tpu.memory_space<vmem>>) target_semaphore(%run_scoped3A : memref<!tpu.dma_semaphore, #tpu.memory_space<semaphore_mem>>)
      %dma_wait3A_49 = arith.constant 0 : i32
      %dma_wait3A_50 = tpu.memref_slice %arg5[%mul3A_4, %dma_wait3A_49] : memref<256x8xi32, #tpu.memory_space<hbm>> -> memref<8x8xi32, #tpu.memory_space<hbm>>
      %dma_wait3A_51 = arith.constant 0 : i32
      %dma_wait3A_52 = tpu.memref_slice %arg5[%mul3A_4, %dma_wait3A_51] : memref<256x8xi32, #tpu.memory_space<hbm>> -> memref<8x8xi32, #tpu.memory_space<hbm>>
      tpu.wait_dma2 semaphore(%run_scoped3A : memref<!tpu.dma_semaphore, #tpu.memory_space<semaphore_mem>>) src(%dma_wait3A_52 : memref<8x8xi32, #tpu.memory_space<hbm>>) dst(%arg10 : memref<8x8xi32, #tpu.memory_space<vmem>>)
      tpu.yield
    }) : () -> ()
    %dma_start3A = tpu.memref_slice %arg9[%mul3A_2] : memref<2048xi32, #tpu.memory_space<vmem>> -> memref<64xi32, #tpu.memory_space<vmem>>
    %dma_start3A_5 = arith.constant 0 : i32
    %dma_start3A_6 = arith.constant 0 : i32
    %dma_start3A_7 = tpu.memref_slice %arg3[%dma_start3A_5, %dma_start3A_6] : memref<4096x512xf32, #tpu.memory_space<hbm>> -> memref<4096x512xf32, #tpu.memory_space<hbm>>
    tpu.enqueue_indirect_dma source(%dma_start3A_7 : memref<4096x512xf32, #tpu.memory_space<hbm>>) target(%arg11 : memref<64x512xf32, #tpu.memory_space<vmem>>) offsets(%dma_start3A : memref<64xi32, #tpu.memory_space<vmem>>) semaphore(%arg16 : memref<!tpu.dma_semaphore, #tpu.memory_space<semaphore_mem>>)
    %broadcast_in_dim3A = arith.constant 0 : i32
    %broadcast_in_dim3A_8 = vector.broadcast %broadcast_in_dim3A : i32 to vector<16xi32>
    %broadcast_in_dim3A_9 = arith.constant 1 : i32
    %broadcast_in_dim3A_10 = vector.broadcast %broadcast_in_dim3A_9 : i32 to vector<16xi32>
    %broadcast_in_dim3A_11 = arith.constant 2 : i32
    %broadcast_in_dim3A_12 = vector.broadcast %broadcast_in_dim3A_11 : i32 to vector<16xi32>
    %broadcast_in_dim3A_13 = arith.constant 3 : i32
    %broadcast_in_dim3A_14 = vector.broadcast %broadcast_in_dim3A_13 : i32 to vector<16xi32>
    %broadcast_in_dim3A_15 = arith.constant 4 : i32
    %broadcast_in_dim3A_16 = vector.broadcast %broadcast_in_dim3A_15 : i32 to vector<16xi32>
    %broadcast_in_dim3A_17 = arith.constant 5 : i32
    %broadcast_in_dim3A_18 = vector.broadcast %broadcast_in_dim3A_17 : i32 to vector<16xi32>
    %broadcast_in_dim3A_19 = arith.constant 6 : i32
    %broadcast_in_dim3A_20 = vector.broadcast %broadcast_in_dim3A_19 : i32 to vector<16xi32>
    %broadcast_in_dim3A_21 = arith.constant 7 : i32
    %broadcast_in_dim3A_22 = vector.broadcast %broadcast_in_dim3A_21 : i32 to vector<16xi32>
    %dma_start3A_23 = arith.constant 0 : i32
    %dma_start3A_24 = arith.constant 0 : i32
    %dma_start3A_25 = tpu.memref_slice %arg10[%dma_start3A_23, %dma_start3A_24] : memref<8x8xi32, #tpu.memory_space<vmem>> -> memref<1x8xi32, #tpu.memory_space<vmem>>
    %dma_start3A_26 = tpu.memref_squeeze %dma_start3A_25 : memref<1x8xi32, #tpu.memory_space<vmem>> -> memref<8xi32, #tpu.memory_space<vmem>>
    %dma_start3A_27 = arith.constant 0 : i32
    %dma_start3A_28 = arith.constant 0 : i32
    %dma_start3A_29 = tpu.memref_slice %arg2[%dma_start3A_27, %dma_start3A_28] : memref<4096x4096xf32, #tpu.memory_space<hbm>> -> memref<4096x4096xf32, #tpu.memory_space<hbm>>
    tpu.enqueue_indirect_dma source(%dma_start3A_29 : memref<4096x4096xf32, #tpu.memory_space<hbm>>) target(%arg12 : memref<8x4096xf32, #tpu.memory_space<vmem>>) offsets(%dma_start3A_26 : memref<8xi32, #tpu.memory_space<vmem>>) semaphore(%arg17 : memref<!tpu.dma_semaphore, #tpu.memory_space<semaphore_mem>>)
    %scan3A = arith.constant 0 : i32
    %scan3A_30 = arith.constant 0 : i32
    %scan3A_31 = arith.constant 4 : i32
    %scan3A_32 = arith.addi %scan3A_30, %scan3A_31 : i32
    %scan3A_33 = arith.constant 1 : i32
    %scan3A_34 = scf.for %scan3A_45 = %scan3A_30 to %scan3A_32 step %scan3A_33 iter_args(%scan3A_46 = %scan3A) -> (i32)  : i32 {
      %mul3A_47 = arith.constant 2 : i32
      %mul3A_48 = arith.muli %scan3A_45, %mul3A_47 : i32
      %add3A_49 = arith.constant 0 : i32
      %add3A_50 = arith.addi %mul3A_48, %add3A_49 : i32
      %add3A_51 = arith.constant 1 : i32
      %add3A_52 = arith.addi %add3A_50, %add3A_51 : i32
      %lt3A = arith.constant 8 : i32
      %lt3A_53 = arith.cmpi slt, %add3A_52, %lt3A : i32
      %convert_element_type3A = arith.extui %lt3A_53 : i1 to i32
      %cond3A = arith.constant 0 : i32
      %cond3A_54 = arith.cmpi ne, %convert_element_type3A, %cond3A : i32
      scf.if %cond3A_54 {
        %dma_start3A_134 = arith.constant 0 : i32
        %dma_start3A_135 = tpu.memref_slice %arg10[%add3A_52, %dma_start3A_134] : memref<8x8xi32, #tpu.memory_space<vmem>> -> memref<1x8xi32, #tpu.memory_space<vmem>>
        %dma_start3A_136 = tpu.memref_squeeze %dma_start3A_135 : memref<1x8xi32, #tpu.memory_space<vmem>> -> memref<8xi32, #tpu.memory_space<vmem>>
        %dma_start3A_137 = arith.constant 0 : i32
        %dma_start3A_138 = arith.constant 0 : i32
        %dma_start3A_139 = tpu.memref_slice %arg2[%dma_start3A_137, %dma_start3A_138] : memref<4096x4096xf32, #tpu.memory_space<hbm>> -> memref<4096x4096xf32, #tpu.memory_space<hbm>>
        tpu.enqueue_indirect_dma source(%dma_start3A_139 : memref<4096x4096xf32, #tpu.memory_space<hbm>>) target(%arg13 : memref<8x4096xf32, #tpu.memory_space<vmem>>) offsets(%dma_start3A_136 : memref<8xi32, #tpu.memory_space<vmem>>) semaphore(%arg18 : memref<!tpu.dma_semaphore, #tpu.memory_space<semaphore_mem>>)
      } else {
      }
      %dma_wait3A_55 = arith.constant 0 : i32
      %dma_wait3A_56 = arith.constant 0 : i32
      %dma_wait3A_57 = tpu.memref_slice %arg2[%dma_wait3A_55, %dma_wait3A_56] : memref<4096x4096xf32, #tpu.memory_space<hbm>> -> memref<8x4096xf32, #tpu.memory_space<hbm>>
      %dma_wait3A_58 = arith.constant 0 : i32
      %dma_wait3A_59 = arith.constant 0 : i32
      %dma_wait3A_60 = tpu.memref_slice %arg2[%dma_wait3A_58, %dma_wait3A_59] : memref<4096x4096xf32, #tpu.memory_space<hbm>> -> memref<8x4096xf32, #tpu.memory_space<hbm>>
      tpu.wait_dma2 semaphore(%arg17 : memref<!tpu.dma_semaphore, #tpu.memory_space<semaphore_mem>>) src(%dma_wait3A_60 : memref<8x4096xf32, #tpu.memory_space<hbm>>) dst(%arg12 : memref<8x4096xf32, #tpu.memory_space<vmem>>)
      %broadcast_in_dim3A_61 = arith.constant 0 : i32
      %broadcast_in_dim3A_62 = vector.broadcast %broadcast_in_dim3A_61 : i32 to vector<16xi32>
      %parallel_loop3A = arith.constant 0 : i32
      %parallel_loop3A_63 = arith.constant 128 : i32
      %parallel_loop3A_64 = arith.constant 1 : i32
      %parallel_loop3A_65:8 = scf.for %parallel_loop3A_134 = %parallel_loop3A to %parallel_loop3A_63 step %parallel_loop3A_64 iter_args(%parallel_loop3A_135 = %broadcast_in_dim3A_62, %parallel_loop3A_136 = %broadcast_in_dim3A_62, %parallel_loop3A_137 = %broadcast_in_dim3A_62, %parallel_loop3A_138 = %broadcast_in_dim3A_62, %parallel_loop3A_139 = %broadcast_in_dim3A_62, %parallel_loop3A_140 = %broadcast_in_dim3A_62, %parallel_loop3A_141 = %broadcast_in_dim3A_62, %parallel_loop3A_142 = %broadcast_in_dim3A_62) -> (vector<16xi32>, vector<16xi32>, vector<16xi32>, vector<16xi32>, vector<16xi32>, vector<16xi32>, vector<16xi32>, vector<16xi32>)  : i32 {
        %parallel_loop3A_143 = arith.constant 16 : i32
        %parallel_loop3A_144 = arith.muli %parallel_loop3A_134, %parallel_loop3A_143 : i32
        %parallel_loop3A_145 = arith.index_cast %parallel_loop3A_144 : i32 to index
        %parallel_loop3A_146 = tpu.vector_load %arg9[%parallel_loop3A_145] {strides = array<i32>} : memref<2048xi32, #tpu.memory_space<vmem>>, vector<16xi32>,
        %parallel_loop3A_147 = tpu.vector_load_idx %arg12[%broadcast_in_dim3A_8, %parallel_loop3A_146] : memref<8x4096xf32, #tpu.memory_space<vmem>>[vector<16xi32>, vector<16xi32>], vector<16xf32>,
        %parallel_loop3A_148 = arith.constant 0.000000e+00 : f32
        %parallel_loop3A_149 = vector.broadcast %parallel_loop3A_148 : f32 to vector<16xf32>
        %parallel_loop3A_150 = arith.cmpf one, %parallel_loop3A_147, %parallel_loop3A_149 : vector<16xf32>
        %parallel_loop3A_151 = tpu.all_reduce %parallel_loop3A_150 {dim = 0 : i64, kind = #tpu.reduction_kind<sum>} : vector<16xi1> -> vector<16xi32>
        %parallel_loop3A_152 = arith.addi %parallel_loop3A_135, %parallel_loop3A_151 : vector<16xi32>
        %parallel_loop3A_153 = tpu.vector_load_idx %arg12[%broadcast_in_dim3A_10, %parallel_loop3A_146] : memref<8x4096xf32, #tpu.memory_space<vmem>>[vector<16xi32>, vector<16xi32>], vector<16xf32>,
        %parallel_loop3A_154 = arith.constant 0.000000e+00 : f32
        %parallel_loop3A_155 = vector.broadcast %parallel_loop3A_154 : f32 to vector<16xf32>
        %parallel_loop3A_156 = arith.cmpf one, %parallel_loop3A_153, %parallel_loop3A_155 : vector<16xf32>
        %parallel_loop3A_157 = tpu.all_reduce %parallel_loop3A_156 {dim = 0 : i64, kind = #tpu.reduction_kind<sum>} : vector<16xi1> -> vector<16xi32>
        %parallel_loop3A_158 = arith.addi %parallel_loop3A_136, %parallel_loop3A_157 : vector<16xi32>
        %parallel_loop3A_159 = tpu.vector_load_idx %arg12[%broadcast_in_dim3A_12, %parallel_loop3A_146] : memref<8x4096xf32, #tpu.memory_space<vmem>>[vector<16xi32>, vector<16xi32>], vector<16xf32>,
        %parallel_loop3A_160 = arith.constant 0.000000e+00 : f32
        %parallel_loop3A_161 = vector.broadcast %parallel_loop3A_160 : f32 to vector<16xf32>
        %parallel_loop3A_162 = arith.cmpf one, %parallel_loop3A_159, %parallel_loop3A_161 : vector<16xf32>
        %parallel_loop3A_163 = tpu.all_reduce %parallel_loop3A_162 {dim = 0 : i64, kind = #tpu.reduction_kind<sum>} : vector<16xi1> -> vector<16xi32>
        %parallel_loop3A_164 = arith.addi %parallel_loop3A_137, %parallel_loop3A_163 : vector<16xi32>
        %parallel_loop3A_165 = tpu.vector_load_idx %arg12[%broadcast_in_dim3A_14, %parallel_loop3A_146] : memref<8x4096xf32, #tpu.memory_space<vmem>>[vector<16xi32>, vector<16xi32>], vector<16xf32>,
        %parallel_loop3A_166 = arith.constant 0.000000e+00 : f32
        %parallel_loop3A_167 = vector.broadcast %parallel_loop3A_166 : f32 to vector<16xf32>
        %parallel_loop3A_168 = arith.cmpf one, %parallel_loop3A_165, %parallel_loop3A_167 : vector<16xf32>
        %parallel_loop3A_169 = tpu.all_reduce %parallel_loop3A_168 {dim = 0 : i64, kind = #tpu.reduction_kind<sum>} : vector<16xi1> -> vector<16xi32>
        %parallel_loop3A_170 = arith.addi %parallel_loop3A_138, %parallel_loop3A_169 : vector<16xi32>
        %parallel_loop3A_171 = tpu.vector_load_idx %arg12[%broadcast_in_dim3A_16, %parallel_loop3A_146] : memref<8x4096xf32, #tpu.memory_space<vmem>>[vector<16xi32>, vector<16xi32>], vector<16xf32>,
        %parallel_loop3A_172 = arith.constant 0.000000e+00 : f32
        %parallel_loop3A_173 = vector.broadcast %parallel_loop3A_172 : f32 to vector<16xf32>
        %parallel_loop3A_174 = arith.cmpf one, %parallel_loop3A_171, %parallel_loop3A_173 : vector<16xf32>
        %parallel_loop3A_175 = tpu.all_reduce %parallel_loop3A_174 {dim = 0 : i64, kind = #tpu.reduction_kind<sum>} : vector<16xi1> -> vector<16xi32>
        %parallel_loop3A_176 = arith.addi %parallel_loop3A_139, %parallel_loop3A_175 : vector<16xi32>
        %parallel_loop3A_177 = tpu.vector_load_idx %arg12[%broadcast_in_dim3A_18, %parallel_loop3A_146] : memref<8x4096xf32, #tpu.memory_space<vmem>>[vector<16xi32>, vector<16xi32>], vector<16xf32>,
        %parallel_loop3A_178 = arith.constant 0.000000e+00 : f32
        %parallel_loop3A_179 = vector.broadcast %parallel_loop3A_178 : f32 to vector<16xf32>
        %parallel_loop3A_180 = arith.cmpf one, %parallel_loop3A_177, %parallel_loop3A_179 : vector<16xf32>
        %parallel_loop3A_181 = tpu.all_reduce %parallel_loop3A_180 {dim = 0 : i64, kind = #tpu.reduction_kind<sum>} : vector<16xi1> -> vector<16xi32>
        %parallel_loop3A_182 = arith.addi %parallel_loop3A_140, %parallel_loop3A_181 : vector<16xi32>
        %parallel_loop3A_183 = tpu.vector_load_idx %arg12[%broadcast_in_dim3A_20, %parallel_loop3A_146] : memref<8x4096xf32, #tpu.memory_space<vmem>>[vector<16xi32>, vector<16xi32>], vector<16xf32>,
        %parallel_loop3A_184 = arith.constant 0.000000e+00 : f32
        %parallel_loop3A_185 = vector.broadcast %parallel_loop3A_184 : f32 to vector<16xf32>
        %parallel_loop3A_186 = arith.cmpf one, %parallel_loop3A_183, %parallel_loop3A_185 : vector<16xf32>
        %parallel_loop3A_187 = tpu.all_reduce %parallel_loop3A_186 {dim = 0 : i64, kind = #tpu.reduction_kind<sum>} : vector<16xi1> -> vector<16xi32>
        %parallel_loop3A_188 = arith.addi %parallel_loop3A_141, %parallel_loop3A_187 : vector<16xi32>
        %parallel_loop3A_189 = tpu.vector_load_idx %arg12[%broadcast_in_dim3A_22, %parallel_loop3A_146] : memref<8x4096xf32, #tpu.memory_space<vmem>>[vector<16xi32>, vector<16xi32>], vector<16xf32>,
        %parallel_loop3A_190 = arith.constant 0.000000e+00 : f32
        %parallel_loop3A_191 = vector.broadcast %parallel_loop3A_190 : f32 to vector<16xf32>
        %parallel_loop3A_192 = arith.cmpf one, %parallel_loop3A_189, %parallel_loop3A_191 : vector<16xf32>
        %parallel_loop3A_193 = tpu.all_reduce %parallel_loop3A_192 {dim = 0 : i64, kind = #tpu.reduction_kind<sum>} : vector<16xi1> -> vector<16xi32>
        %parallel_loop3A_194 = arith.addi %parallel_loop3A_142, %parallel_loop3A_193 : vector<16xi32>
        scf.yield %parallel_loop3A_152, %parallel_loop3A_158, %parallel_loop3A_164, %parallel_loop3A_170, %parallel_loop3A_176, %parallel_loop3A_182, %parallel_loop3A_188, %parallel_loop3A_194 : vector<16xi32>, vector<16xi32>, vector<16xi32>, vector<16xi32>, vector<16xi32>, vector<16xi32>, vector<16xi32>, vector<16xi32>
      } {sc.loop_unroll_factor = 2 : i64, sc.parallel_access}
      %gather3A = tpu.vector_load_idx %arg15[%parallel_loop3A_65#0] : memref<2049xf32, #tpu.memory_space<vmem>>[vector<16xi32>], vector<16xf32>,
      %gather3A_66 = tpu.vector_load_idx %arg15[%parallel_loop3A_65#1] : memref<2049xf32, #tpu.memory_space<vmem>>[vector<16xi32>], vector<16xf32>,
      %gather3A_67 = tpu.vector_load_idx %arg15[%parallel_loop3A_65#2] : memref<2049xf32, #tpu.memory_space<vmem>>[vector<16xi32>], vector<16xf32>,
      %gather3A_68 = tpu.vector_load_idx %arg15[%parallel_loop3A_65#3] : memref<2049xf32, #tpu.memory_space<vmem>>[vector<16xi32>], vector<16xf32>,
      %gather3A_69 = tpu.vector_load_idx %arg15[%parallel_loop3A_65#4] : memref<2049xf32, #tpu.memory_space<vmem>>[vector<16xi32>], vector<16xf32>,
      %gather3A_70 = tpu.vector_load_idx %arg15[%parallel_loop3A_65#5] : memref<2049xf32, #tpu.memory_space<vmem>>[vector<16xi32>], vector<16xf32>,
      %gather3A_71 = tpu.vector_load_idx %arg15[%parallel_loop3A_65#6] : memref<2049xf32, #tpu.memory_space<vmem>>[vector<16xi32>], vector<16xf32>,
      %gather3A_72 = tpu.vector_load_idx %arg15[%parallel_loop3A_65#7] : memref<2049xf32, #tpu.memory_space<vmem>>[vector<16xi32>], vector<16xf32>,
      %gt3A = arith.constant 0 : i32
      %gt3A_73 = arith.cmpi sgt, %add3A_50, %gt3A : i32
      %convert_element_type3A_74 = arith.extui %gt3A_73 : i1 to i32
      %cond3A_75 = arith.constant 0 : i32
      %cond3A_76 = arith.cmpi ne, %convert_element_type3A_74, %cond3A_75 : i32
      scf.if %cond3A_76 {
        %dma_wait3A_134 = arith.constant 0 : i32
        %dma_wait3A_135 = arith.constant 0 : i32
        %dma_wait3A_136 = tpu.memref_slice %arg7[%dma_wait3A_134, %dma_wait3A_135] : memref<2048x2048xf32, #tpu.memory_space<hbm>> -> memref<8x2048xf32, #tpu.memory_space<hbm>>
        %dma_wait3A_137 = arith.constant 0 : i32
        %dma_wait3A_138 = arith.constant 0 : i32
        %dma_wait3A_139 = tpu.memref_slice %arg7[%dma_wait3A_137, %dma_wait3A_138] : memref<2048x2048xf32, #tpu.memory_space<hbm>> -> memref<8x2048xf32, #tpu.memory_space<hbm>>
        tpu.wait_dma2 semaphore(%arg19 : memref<!tpu.dma_semaphore, #tpu.memory_space<semaphore_mem>>) src(%dma_wait3A_139 : memref<8x2048xf32, #tpu.memory_space<hbm>>) dst(%arg14 : memref<8x2048xf32, #tpu.memory_space<vmem>>)
      } else {
      }
      %parallel_loop3A_77 = arith.constant 0 : i32
      %parallel_loop3A_78 = arith.constant 128 : i32
      %parallel_loop3A_79 = arith.constant 1 : i32
      scf.for %parallel_loop3A_134 = %parallel_loop3A_77 to %parallel_loop3A_78 step %parallel_loop3A_79  : i32 {
        %parallel_loop3A_135 = arith.constant 16 : i32
        %parallel_loop3A_136 = arith.muli %parallel_loop3A_134, %parallel_loop3A_135 : i32
        %parallel_loop3A_137 = arith.index_cast %parallel_loop3A_136 : i32 to index
        %parallel_loop3A_138 = tpu.vector_load %arg9[%parallel_loop3A_137] {strides = array<i32>} : memref<2048xi32, #tpu.memory_space<vmem>>, vector<16xi32>,
        %parallel_loop3A_139 = tpu.vector_load_idx %arg12[%broadcast_in_dim3A_8, %parallel_loop3A_138] : memref<8x4096xf32, #tpu.memory_space<vmem>>[vector<16xi32>, vector<16xi32>], vector<16xf32>,
        %parallel_loop3A_140 = arith.constant 0.000000e+00 : f32
        %parallel_loop3A_141 = vector.broadcast %parallel_loop3A_140 : f32 to vector<16xf32>
        %parallel_loop3A_142 = arith.cmpf one, %parallel_loop3A_139, %parallel_loop3A_141 : vector<16xf32>
        %parallel_loop3A_143 = arith.constant 0.000000e+00 : f32
        %parallel_loop3A_144 = vector.broadcast %parallel_loop3A_143 : f32 to vector<16xf32>
        %parallel_loop3A_145 = arith.select %parallel_loop3A_142, %gather3A, %parallel_loop3A_144 : vector<16xi1>, vector<16xf32>
        %parallel_loop3A_146 = arith.constant 16 : i32
        %parallel_loop3A_147 = arith.muli %parallel_loop3A_134, %parallel_loop3A_146 : i32
        %parallel_loop3A_148 = arith.constant 0 : i32
        %parallel_loop3A_149 = arith.index_cast %parallel_loop3A_148 : i32 to index
        %parallel_loop3A_150 = arith.index_cast %parallel_loop3A_147 : i32 to index
        %parallel_loop3A_151 = tpu.vector_load %arg14[%parallel_loop3A_149, %parallel_loop3A_150] {strides = array<i32>} : memref<8x2048xf32, #tpu.memory_space<vmem>>, vector<16xf32>,
        tpu.vector_store %arg14[%parallel_loop3A_149, %parallel_loop3A_150], %parallel_loop3A_145 {strides = array<i32>} : memref<8x2048xf32, #tpu.memory_space<vmem>>, vector<16xf32>,
        %parallel_loop3A_152 = tpu.vector_load_idx %arg12[%broadcast_in_dim3A_10, %parallel_loop3A_138] : memref<8x4096xf32, #tpu.memory_space<vmem>>[vector<16xi32>, vector<16xi32>], vector<16xf32>,
        %parallel_loop3A_153 = arith.constant 0.000000e+00 : f32
        %parallel_loop3A_154 = vector.broadcast %parallel_loop3A_153 : f32 to vector<16xf32>
        %parallel_loop3A_155 = arith.cmpf one, %parallel_loop3A_152, %parallel_loop3A_154 : vector<16xf32>
        %parallel_loop3A_156 = arith.constant 0.000000e+00 : f32
        %parallel_loop3A_157 = vector.broadcast %parallel_loop3A_156 : f32 to vector<16xf32>
        %parallel_loop3A_158 = arith.select %parallel_loop3A_155, %gather3A_66, %parallel_loop3A_157 : vector<16xi1>, vector<16xf32>
        %parallel_loop3A_159 = arith.constant 16 : i32
        %parallel_loop3A_160 = arith.muli %parallel_loop3A_134, %parallel_loop3A_159 : i32
        %parallel_loop3A_161 = arith.constant 1 : i32
        %parallel_loop3A_162 = arith.index_cast %parallel_loop3A_161 : i32 to index
        %parallel_loop3A_163 = arith.index_cast %parallel_loop3A_160 : i32 to index
        %parallel_loop3A_164 = tpu.vector_load %arg14[%parallel_loop3A_162, %parallel_loop3A_163] {strides = array<i32>} : memref<8x2048xf32, #tpu.memory_space<vmem>>, vector<16xf32>,
        tpu.vector_store %arg14[%parallel_loop3A_162, %parallel_loop3A_163], %parallel_loop3A_158 {strides = array<i32>} : memref<8x2048xf32, #tpu.memory_space<vmem>>, vector<16xf32>,
        %parallel_loop3A_165 = tpu.vector_load_idx %arg12[%broadcast_in_dim3A_12, %parallel_loop3A_138] : memref<8x4096xf32, #tpu.memory_space<vmem>>[vector<16xi32>, vector<16xi32>], vector<16xf32>,
        %parallel_loop3A_166 = arith.constant 0.000000e+00 : f32
        %parallel_loop3A_167 = vector.broadcast %parallel_loop3A_166 : f32 to vector<16xf32>
        %parallel_loop3A_168 = arith.cmpf one, %parallel_loop3A_165, %parallel_loop3A_167 : vector<16xf32>
        %parallel_loop3A_169 = arith.constant 0.000000e+00 : f32
        %parallel_loop3A_170 = vector.broadcast %parallel_loop3A_169 : f32 to vector<16xf32>
        %parallel_loop3A_171 = arith.select %parallel_loop3A_168, %gather3A_67, %parallel_loop3A_170 : vector<16xi1>, vector<16xf32>
        %parallel_loop3A_172 = arith.constant 16 : i32
        %parallel_loop3A_173 = arith.muli %parallel_loop3A_134, %parallel_loop3A_172 : i32
        %parallel_loop3A_174 = arith.constant 2 : i32
        %parallel_loop3A_175 = arith.index_cast %parallel_loop3A_174 : i32 to index
        %parallel_loop3A_176 = arith.index_cast %parallel_loop3A_173 : i32 to index
        %parallel_loop3A_177 = tpu.vector_load %arg14[%parallel_loop3A_175, %parallel_loop3A_176] {strides = array<i32>} : memref<8x2048xf32, #tpu.memory_space<vmem>>, vector<16xf32>,
        tpu.vector_store %arg14[%parallel_loop3A_175, %parallel_loop3A_176], %parallel_loop3A_171 {strides = array<i32>} : memref<8x2048xf32, #tpu.memory_space<vmem>>, vector<16xf32>,
        %parallel_loop3A_178 = tpu.vector_load_idx %arg12[%broadcast_in_dim3A_14, %parallel_loop3A_138] : memref<8x4096xf32, #tpu.memory_space<vmem>>[vector<16xi32>, vector<16xi32>], vector<16xf32>,
        %parallel_loop3A_179 = arith.constant 0.000000e+00 : f32
        %parallel_loop3A_180 = vector.broadcast %parallel_loop3A_179 : f32 to vector<16xf32>
        %parallel_loop3A_181 = arith.cmpf one, %parallel_loop3A_178, %parallel_loop3A_180 : vector<16xf32>
        %parallel_loop3A_182 = arith.constant 0.000000e+00 : f32
        %parallel_loop3A_183 = vector.broadcast %parallel_loop3A_182 : f32 to vector<16xf32>
        %parallel_loop3A_184 = arith.select %parallel_loop3A_181, %gather3A_68, %parallel_loop3A_183 : vector<16xi1>, vector<16xf32>
        %parallel_loop3A_185 = arith.constant 16 : i32
        %parallel_loop3A_186 = arith.muli %parallel_loop3A_134, %parallel_loop3A_185 : i32
        %parallel_loop3A_187 = arith.constant 3 : i32
        %parallel_loop3A_188 = arith.index_cast %parallel_loop3A_187 : i32 to index
        %parallel_loop3A_189 = arith.index_cast %parallel_loop3A_186 : i32 to index
        %parallel_loop3A_190 = tpu.vector_load %arg14[%parallel_loop3A_188, %parallel_loop3A_189] {strides = array<i32>} : memref<8x2048xf32, #tpu.memory_space<vmem>>, vector<16xf32>,
        tpu.vector_store %arg14[%parallel_loop3A_188, %parallel_loop3A_189], %parallel_loop3A_184 {strides = array<i32>} : memref<8x2048xf32, #tpu.memory_space<vmem>>, vector<16xf32>,
        %parallel_loop3A_191 = tpu.vector_load_idx %arg12[%broadcast_in_dim3A_16, %parallel_loop3A_138] : memref<8x4096xf32, #tpu.memory_space<vmem>>[vector<16xi32>, vector<16xi32>], vector<16xf32>,
        %parallel_loop3A_192 = arith.constant 0.000000e+00 : f32
        %parallel_loop3A_193 = vector.broadcast %parallel_loop3A_192 : f32 to vector<16xf32>
        %parallel_loop3A_194 = arith.cmpf one, %parallel_loop3A_191, %parallel_loop3A_193 : vector<16xf32>
        %parallel_loop3A_195 = arith.constant 0.000000e+00 : f32
        %parallel_loop3A_196 = vector.broadcast %parallel_loop3A_195 : f32 to vector<16xf32>
        %parallel_loop3A_197 = arith.select %parallel_loop3A_194, %gather3A_69, %parallel_loop3A_196 : vector<16xi1>, vector<16xf32>
        %parallel_loop3A_198 = arith.constant 16 : i32
        %parallel_loop3A_199 = arith.muli %parallel_loop3A_134, %parallel_loop3A_198 : i32
        %parallel_loop3A_200 = arith.constant 4 : i32
        %parallel_loop3A_201 = arith.index_cast %parallel_loop3A_200 : i32 to index
        %parallel_loop3A_202 = arith.index_cast %parallel_loop3A_199 : i32 to index
        %parallel_loop3A_203 = tpu.vector_load %arg14[%parallel_loop3A_201, %parallel_loop3A_202] {strides = array<i32>} : memref<8x2048xf32, #tpu.memory_space<vmem>>, vector<16xf32>,
        tpu.vector_store %arg14[%parallel_loop3A_201, %parallel_loop3A_202], %parallel_loop3A_197 {strides = array<i32>} : memref<8x2048xf32, #tpu.memory_space<vmem>>, vector<16xf32>,
        %parallel_loop3A_204 = tpu.vector_load_idx %arg12[%broadcast_in_dim3A_18, %parallel_loop3A_138] : memref<8x4096xf32, #tpu.memory_space<vmem>>[vector<16xi32>, vector<16xi32>], vector<16xf32>,
        %parallel_loop3A_205 = arith.constant 0.000000e+00 : f32
        %parallel_loop3A_206 = vector.broadcast %parallel_loop3A_205 : f32 to vector<16xf32>
        %parallel_loop3A_207 = arith.cmpf one, %parallel_loop3A_204, %parallel_loop3A_206 : vector<16xf32>
        %parallel_loop3A_208 = arith.constant 0.000000e+00 : f32
        %parallel_loop3A_209 = vector.broadcast %parallel_loop3A_208 : f32 to vector<16xf32>
        %parallel_loop3A_210 = arith.select %parallel_loop3A_207, %gather3A_70, %parallel_loop3A_209 : vector<16xi1>, vector<16xf32>
        %parallel_loop3A_211 = arith.constant 16 : i32
        %parallel_loop3A_212 = arith.muli %parallel_loop3A_134, %parallel_loop3A_211 : i32
        %parallel_loop3A_213 = arith.constant 5 : i32
        %parallel_loop3A_214 = arith.index_cast %parallel_loop3A_213 : i32 to index
        %parallel_loop3A_215 = arith.index_cast %parallel_loop3A_212 : i32 to index
        %parallel_loop3A_216 = tpu.vector_load %arg14[%parallel_loop3A_214, %parallel_loop3A_215] {strides = array<i32>} : memref<8x2048xf32, #tpu.memory_space<vmem>>, vector<16xf32>,
        tpu.vector_store %arg14[%parallel_loop3A_214, %parallel_loop3A_215], %parallel_loop3A_210 {strides = array<i32>} : memref<8x2048xf32, #tpu.memory_space<vmem>>, vector<16xf32>,
        %parallel_loop3A_217 = tpu.vector_load_idx %arg12[%broadcast_in_dim3A_20, %parallel_loop3A_138] : memref<8x4096xf32, #tpu.memory_space<vmem>>[vector<16xi32>, vector<16xi32>], vector<16xf32>,
        %parallel_loop3A_218 = arith.constant 0.000000e+00 : f32
        %parallel_loop3A_219 = vector.broadcast %parallel_loop3A_218 : f32 to vector<16xf32>
        %parallel_loop3A_220 = arith.cmpf one, %parallel_loop3A_217, %parallel_loop3A_219 : vector<16xf32>
        %parallel_loop3A_221 = arith.constant 0.000000e+00 : f32
        %parallel_loop3A_222 = vector.broadcast %parallel_loop3A_221 : f32 to vector<16xf32>
        %parallel_loop3A_223 = arith.select %parallel_loop3A_220, %gather3A_71, %parallel_loop3A_222 : vector<16xi1>, vector<16xf32>
        %parallel_loop3A_224 = arith.constant 16 : i32
        %parallel_loop3A_225 = arith.muli %parallel_loop3A_134, %parallel_loop3A_224 : i32
        %parallel_loop3A_226 = arith.constant 6 : i32
        %parallel_loop3A_227 = arith.index_cast %parallel_loop3A_226 : i32 to index
        %parallel_loop3A_228 = arith.index_cast %parallel_loop3A_225 : i32 to index
        %parallel_loop3A_229 = tpu.vector_load %arg14[%parallel_loop3A_227, %parallel_loop3A_228] {strides = array<i32>} : memref<8x2048xf32, #tpu.memory_space<vmem>>, vector<16xf32>,
        tpu.vector_store %arg14[%parallel_loop3A_227, %parallel_loop3A_228], %parallel_loop3A_223 {strides = array<i32>} : memref<8x2048xf32, #tpu.memory_space<vmem>>, vector<16xf32>,
        %parallel_loop3A_230 = tpu.vector_load_idx %arg12[%broadcast_in_dim3A_22, %parallel_loop3A_138] : memref<8x4096xf32, #tpu.memory_space<vmem>>[vector<16xi32>, vector<16xi32>], vector<16xf32>,
        %parallel_loop3A_231 = arith.constant 0.000000e+00 : f32
        %parallel_loop3A_232 = vector.broadcast %parallel_loop3A_231 : f32 to vector<16xf32>
        %parallel_loop3A_233 = arith.cmpf one, %parallel_loop3A_230, %parallel_loop3A_232 : vector<16xf32>
        %parallel_loop3A_234 = arith.constant 0.000000e+00 : f32
        %parallel_loop3A_235 = vector.broadcast %parallel_loop3A_234 : f32 to vector<16xf32>
        %parallel_loop3A_236 = arith.select %parallel_loop3A_233, %gather3A_72, %parallel_loop3A_235 : vector<16xi1>, vector<16xf32>
        %parallel_loop3A_237 = arith.constant 16 : i32
        %parallel_loop3A_238 = arith.muli %parallel_loop3A_134, %parallel_loop3A_237 : i32
        %parallel_loop3A_239 = arith.constant 7 : i32
        %parallel_loop3A_240 = arith.index_cast %parallel_loop3A_239 : i32 to index
        %parallel_loop3A_241 = arith.index_cast %parallel_loop3A_238 : i32 to index
        %parallel_loop3A_242 = tpu.vector_load %arg14[%parallel_loop3A_240, %parallel_loop3A_241] {strides = array<i32>} : memref<8x2048xf32, #tpu.memory_space<vmem>>, vector<16xf32>,
        tpu.vector_store %arg14[%parallel_loop3A_240, %parallel_loop3A_241], %parallel_loop3A_236 {strides = array<i32>} : memref<8x2048xf32, #tpu.memory_space<vmem>>, vector<16xf32>,
      } {sc.loop_unroll_factor = 2 : i64, sc.parallel_access}
      %mul3A_80 = arith.constant 8 : i32
      %mul3A_81 = arith.muli %add3A_50, %mul3A_80 : i32
      %add3A_82 = arith.addi %mul3A_2, %mul3A_81 : i32
      %dma_start3A_83 = arith.constant 0 : i32
      %dma_start3A_84 = tpu.memref_slice %arg7[%add3A_82, %dma_start3A_83] : memref<2048x2048xf32, #tpu.memory_space<hbm>> -> memref<8x2048xf32, #tpu.memory_space<hbm>>
      %dma_start3A_85 = arith.constant 0 : i32
      %dma_start3A_86 = tpu.memref_slice %arg7[%add3A_82, %dma_start3A_85] : memref<2048x2048xf32, #tpu.memory_space<hbm>> -> memref<8x2048xf32, #tpu.memory_space<hbm>>
      tpu.enqueue_dma source(%arg14 : memref<8x2048xf32, #tpu.memory_space<vmem>>) target(%dma_start3A_86 : memref<8x2048xf32, #tpu.memory_space<hbm>>) target_semaphore(%arg19 : memref<!tpu.dma_semaphore, #tpu.memory_space<semaphore_mem>>)
      %mul3A_87 = arith.constant 2 : i32
      %mul3A_88 = arith.muli %scan3A_45, %mul3A_87 : i32
      %add3A_89 = arith.constant 1 : i32
      %add3A_90 = arith.addi %mul3A_88, %add3A_89 : i32
      %add3A_91 = arith.constant 1 : i32
      %add3A_92 = arith.addi %add3A_90, %add3A_91 : i32
      %lt3A_93 = arith.constant 8 : i32
      %lt3A_94 = arith.cmpi slt, %add3A_92, %lt3A_93 : i32
      %convert_element_type3A_95 = arith.extui %lt3A_94 : i1 to i32
      %cond3A_96 = arith.constant 0 : i32
      %cond3A_97 = arith.cmpi ne, %convert_element_type3A_95, %cond3A_96 : i32
      scf.if %cond3A_97 {
        %dma_start3A_134 = arith.constant 0 : i32
        %dma_start3A_135 = tpu.memref_slice %arg10[%add3A_92, %dma_start3A_134] : memref<8x8xi32, #tpu.memory_space<vmem>> -> memref<1x8xi32, #tpu.memory_space<vmem>>
        %dma_start3A_136 = tpu.memref_squeeze %dma_start3A_135 : memref<1x8xi32, #tpu.memory_space<vmem>> -> memref<8xi32, #tpu.memory_space<vmem>>
        %dma_start3A_137 = arith.constant 0 : i32
        %dma_start3A_138 = arith.constant 0 : i32
        %dma_start3A_139 = tpu.memref_slice %arg2[%dma_start3A_137, %dma_start3A_138] : memref<4096x4096xf32, #tpu.memory_space<hbm>> -> memref<4096x4096xf32, #tpu.memory_space<hbm>>
        tpu.enqueue_indirect_dma source(%dma_start3A_139 : memref<4096x4096xf32, #tpu.memory_space<hbm>>) target(%arg12 : memref<8x4096xf32, #tpu.memory_space<vmem>>) offsets(%dma_start3A_136 : memref<8xi32, #tpu.memory_space<vmem>>) semaphore(%arg17 : memref<!tpu.dma_semaphore, #tpu.memory_space<semaphore_mem>>)
      } else {
      }
      %dma_wait3A_98 = arith.constant 0 : i32
      %dma_wait3A_99 = arith.constant 0 : i32
      %dma_wait3A_100 = tpu.memref_slice %arg2[%dma_wait3A_98, %dma_wait3A_99] : memref<4096x4096xf32, #tpu.memory_space<hbm>> -> memref<8x4096xf32, #tpu.memory_space<hbm>>
      %dma_wait3A_101 = arith.constant 0 : i32
      %dma_wait3A_102 = arith.constant 0 : i32
      %dma_wait3A_103 = tpu.memref_slice %arg2[%dma_wait3A_101, %dma_wait3A_102] : memref<4096x4096xf32, #tpu.memory_space<hbm>> -> memref<8x4096xf32, #tpu.memory_space<hbm>>
      tpu.wait_dma2 semaphore(%arg18 : memref<!tpu.dma_semaphore, #tpu.memory_space<semaphore_mem>>) src(%dma_wait3A_103 : memref<8x4096xf32, #tpu.memory_space<hbm>>) dst(%arg13 : memref<8x4096xf32, #tpu.memory_space<vmem>>)
      %broadcast_in_dim3A_104 = arith.constant 0 : i32
      %broadcast_in_dim3A_105 = vector.broadcast %broadcast_in_dim3A_104 : i32 to vector<16xi32>
      %parallel_loop3A_106 = arith.constant 0 : i32
      %parallel_loop3A_107 = arith.constant 128 : i32
      %parallel_loop3A_108 = arith.constant 1 : i32
      %parallel_loop3A_109:8 = scf.for %parallel_loop3A_134 = %parallel_loop3A_106 to %parallel_loop3A_107 step %parallel_loop3A_108 iter_args(%parallel_loop3A_135 = %broadcast_in_dim3A_105, %parallel_loop3A_136 = %broadcast_in_dim3A_105, %parallel_loop3A_137 = %broadcast_in_dim3A_105, %parallel_loop3A_138 = %broadcast_in_dim3A_105, %parallel_loop3A_139 = %broadcast_in_dim3A_105, %parallel_loop3A_140 = %broadcast_in_dim3A_105, %parallel_loop3A_141 = %broadcast_in_dim3A_105, %parallel_loop3A_142 = %broadcast_in_dim3A_105) -> (vector<16xi32>, vector<16xi32>, vector<16xi32>, vector<16xi32>, vector<16xi32>, vector<16xi32>, vector<16xi32>, vector<16xi32>)  : i32 {
        %parallel_loop3A_143 = arith.constant 16 : i32
        %parallel_loop3A_144 = arith.muli %parallel_loop3A_134, %parallel_loop3A_143 : i32
        %parallel_loop3A_145 = arith.index_cast %parallel_loop3A_144 : i32 to index
        %parallel_loop3A_146 = tpu.vector_load %arg9[%parallel_loop3A_145] {strides = array<i32>} : memref<2048xi32, #tpu.memory_space<vmem>>, vector<16xi32>,
        %parallel_loop3A_147 = tpu.vector_load_idx %arg13[%broadcast_in_dim3A_8, %parallel_loop3A_146] : memref<8x4096xf32, #tpu.memory_space<vmem>>[vector<16xi32>, vector<16xi32>], vector<16xf32>,
        %parallel_loop3A_148 = arith.constant 0.000000e+00 : f32
        %parallel_loop3A_149 = vector.broadcast %parallel_loop3A_148 : f32 to vector<16xf32>
        %parallel_loop3A_150 = arith.cmpf one, %parallel_loop3A_147, %parallel_loop3A_149 : vector<16xf32>
        %parallel_loop3A_151 = tpu.all_reduce %parallel_loop3A_150 {dim = 0 : i64, kind = #tpu.reduction_kind<sum>} : vector<16xi1> -> vector<16xi32>
        %parallel_loop3A_152 = arith.addi %parallel_loop3A_135, %parallel_loop3A_151 : vector<16xi32>
        %parallel_loop3A_153 = tpu.vector_load_idx %arg13[%broadcast_in_dim3A_10, %parallel_loop3A_146] : memref<8x4096xf32, #tpu.memory_space<vmem>>[vector<16xi32>, vector<16xi32>], vector<16xf32>,
        %parallel_loop3A_154 = arith.constant 0.000000e+00 : f32
        %parallel_loop3A_155 = vector.broadcast %parallel_loop3A_154 : f32 to vector<16xf32>
        %parallel_loop3A_156 = arith.cmpf one, %parallel_loop3A_153, %parallel_loop3A_155 : vector<16xf32>
        %parallel_loop3A_157 = tpu.all_reduce %parallel_loop3A_156 {dim = 0 : i64, kind = #tpu.reduction_kind<sum>} : vector<16xi1> -> vector<16xi32>
        %parallel_loop3A_158 = arith.addi %parallel_loop3A_136, %parallel_loop3A_157 : vector<16xi32>
        %parallel_loop3A_159 = tpu.vector_load_idx %arg13[%broadcast_in_dim3A_12, %parallel_loop3A_146] : memref<8x4096xf32, #tpu.memory_space<vmem>>[vector<16xi32>, vector<16xi32>], vector<16xf32>,
        %parallel_loop3A_160 = arith.constant 0.000000e+00 : f32
        %parallel_loop3A_161 = vector.broadcast %parallel_loop3A_160 : f32 to vector<16xf32>
        %parallel_loop3A_162 = arith.cmpf one, %parallel_loop3A_159, %parallel_loop3A_161 : vector<16xf32>
        %parallel_loop3A_163 = tpu.all_reduce %parallel_loop3A_162 {dim = 0 : i64, kind = #tpu.reduction_kind<sum>} : vector<16xi1> -> vector<16xi32>
        %parallel_loop3A_164 = arith.addi %parallel_loop3A_137, %parallel_loop3A_163 : vector<16xi32>
        %parallel_loop3A_165 = tpu.vector_load_idx %arg13[%broadcast_in_dim3A_14, %parallel_loop3A_146] : memref<8x4096xf32, #tpu.memory_space<vmem>>[vector<16xi32>, vector<16xi32>], vector<16xf32>,
        %parallel_loop3A_166 = arith.constant 0.000000e+00 : f32
        %parallel_loop3A_167 = vector.broadcast %parallel_loop3A_166 : f32 to vector<16xf32>
        %parallel_loop3A_168 = arith.cmpf one, %parallel_loop3A_165, %parallel_loop3A_167 : vector<16xf32>
        %parallel_loop3A_169 = tpu.all_reduce %parallel_loop3A_168 {dim = 0 : i64, kind = #tpu.reduction_kind<sum>} : vector<16xi1> -> vector<16xi32>
        %parallel_loop3A_170 = arith.addi %parallel_loop3A_138, %parallel_loop3A_169 : vector<16xi32>
        %parallel_loop3A_171 = tpu.vector_load_idx %arg13[%broadcast_in_dim3A_16, %parallel_loop3A_146] : memref<8x4096xf32, #tpu.memory_space<vmem>>[vector<16xi32>, vector<16xi32>], vector<16xf32>,
        %parallel_loop3A_172 = arith.constant 0.000000e+00 : f32
        %parallel_loop3A_173 = vector.broadcast %parallel_loop3A_172 : f32 to vector<16xf32>
        %parallel_loop3A_174 = arith.cmpf one, %parallel_loop3A_171, %parallel_loop3A_173 : vector<16xf32>
        %parallel_loop3A_175 = tpu.all_reduce %parallel_loop3A_174 {dim = 0 : i64, kind = #tpu.reduction_kind<sum>} : vector<16xi1> -> vector<16xi32>
        %parallel_loop3A_176 = arith.addi %parallel_loop3A_139, %parallel_loop3A_175 : vector<16xi32>
        %parallel_loop3A_177 = tpu.vector_load_idx %arg13[%broadcast_in_dim3A_18, %parallel_loop3A_146] : memref<8x4096xf32, #tpu.memory_space<vmem>>[vector<16xi32>, vector<16xi32>], vector<16xf32>,
        %parallel_loop3A_178 = arith.constant 0.000000e+00 : f32
        %parallel_loop3A_179 = vector.broadcast %parallel_loop3A_178 : f32 to vector<16xf32>
        %parallel_loop3A_180 = arith.cmpf one, %parallel_loop3A_177, %parallel_loop3A_179 : vector<16xf32>
        %parallel_loop3A_181 = tpu.all_reduce %parallel_loop3A_180 {dim = 0 : i64, kind = #tpu.reduction_kind<sum>} : vector<16xi1> -> vector<16xi32>
        %parallel_loop3A_182 = arith.addi %parallel_loop3A_140, %parallel_loop3A_181 : vector<16xi32>
        %parallel_loop3A_183 = tpu.vector_load_idx %arg13[%broadcast_in_dim3A_20, %parallel_loop3A_146] : memref<8x4096xf32, #tpu.memory_space<vmem>>[vector<16xi32>, vector<16xi32>], vector<16xf32>,
        %parallel_loop3A_184 = arith.constant 0.000000e+00 : f32
        %parallel_loop3A_185 = vector.broadcast %parallel_loop3A_184 : f32 to vector<16xf32>
        %parallel_loop3A_186 = arith.cmpf one, %parallel_loop3A_183, %parallel_loop3A_185 : vector<16xf32>
        %parallel_loop3A_187 = tpu.all_reduce %parallel_loop3A_186 {dim = 0 : i64, kind = #tpu.reduction_kind<sum>} : vector<16xi1> -> vector<16xi32>
        %parallel_loop3A_188 = arith.addi %parallel_loop3A_141, %parallel_loop3A_187 : vector<16xi32>
        %parallel_loop3A_189 = tpu.vector_load_idx %arg13[%broadcast_in_dim3A_22, %parallel_loop3A_146] : memref<8x4096xf32, #tpu.memory_space<vmem>>[vector<16xi32>, vector<16xi32>], vector<16xf32>,
        %parallel_loop3A_190 = arith.constant 0.000000e+00 : f32
        %parallel_loop3A_191 = vector.broadcast %parallel_loop3A_190 : f32 to vector<16xf32>
        %parallel_loop3A_192 = arith.cmpf one, %parallel_loop3A_189, %parallel_loop3A_191 : vector<16xf32>
        %parallel_loop3A_193 = tpu.all_reduce %parallel_loop3A_192 {dim = 0 : i64, kind = #tpu.reduction_kind<sum>} : vector<16xi1> -> vector<16xi32>
        %parallel_loop3A_194 = arith.addi %parallel_loop3A_142, %parallel_loop3A_193 : vector<16xi32>
        scf.yield %parallel_loop3A_152, %parallel_loop3A_158, %parallel_loop3A_164, %parallel_loop3A_170, %parallel_loop3A_176, %parallel_loop3A_182, %parallel_loop3A_188, %parallel_loop3A_194 : vector<16xi32>, vector<16xi32>, vector<16xi32>, vector<16xi32>, vector<16xi32>, vector<16xi32>, vector<16xi32>, vector<16xi32>
      } {sc.loop_unroll_factor = 2 : i64, sc.parallel_access}
      %gather3A_110 = tpu.vector_load_idx %arg15[%parallel_loop3A_109#0] : memref<2049xf32, #tpu.memory_space<vmem>>[vector<16xi32>], vector<16xf32>,
      %gather3A_111 = tpu.vector_load_idx %arg15[%parallel_loop3A_109#1] : memref<2049xf32, #tpu.memory_space<vmem>>[vector<16xi32>], vector<16xf32>,
      %gather3A_112 = tpu.vector_load_idx %arg15[%parallel_loop3A_109#2] : memref<2049xf32, #tpu.memory_space<vmem>>[vector<16xi32>], vector<16xf32>,
      %gather3A_113 = tpu.vector_load_idx %arg15[%parallel_loop3A_109#3] : memref<2049xf32, #tpu.memory_space<vmem>>[vector<16xi32>], vector<16xf32>,
      %gather3A_114 = tpu.vector_load_idx %arg15[%parallel_loop3A_109#4] : memref<2049xf32, #tpu.memory_space<vmem>>[vector<16xi32>], vector<16xf32>,
      %gather3A_115 = tpu.vector_load_idx %arg15[%parallel_loop3A_109#5] : memref<2049xf32, #tpu.memory_space<vmem>>[vector<16xi32>], vector<16xf32>,
      %gather3A_116 = tpu.vector_load_idx %arg15[%parallel_loop3A_109#6] : memref<2049xf32, #tpu.memory_space<vmem>>[vector<16xi32>], vector<16xf32>,
      %gather3A_117 = tpu.vector_load_idx %arg15[%parallel_loop3A_109#7] : memref<2049xf32, #tpu.memory_space<vmem>>[vector<16xi32>], vector<16xf32>,
      %gt3A_118 = arith.constant 0 : i32
      %gt3A_119 = arith.cmpi sgt, %add3A_90, %gt3A_118 : i32
      %convert_element_type3A_120 = arith.extui %gt3A_119 : i1 to i32
      %cond3A_121 = arith.constant 0 : i32
      %cond3A_122 = arith.cmpi ne, %convert_element_type3A_120, %cond3A_121 : i32
      scf.if %cond3A_122 {
        %dma_wait3A_134 = arith.constant 0 : i32
        %dma_wait3A_135 = arith.constant 0 : i32
        %dma_wait3A_136 = tpu.memref_slice %arg7[%dma_wait3A_134, %dma_wait3A_135] : memref<2048x2048xf32, #tpu.memory_space<hbm>> -> memref<8x2048xf32, #tpu.memory_space<hbm>>
        %dma_wait3A_137 = arith.constant 0 : i32
        %dma_wait3A_138 = arith.constant 0 : i32
        %dma_wait3A_139 = tpu.memref_slice %arg7[%dma_wait3A_137, %dma_wait3A_138] : memref<2048x2048xf32, #tpu.memory_space<hbm>> -> memref<8x2048xf32, #tpu.memory_space<hbm>>
        tpu.wait_dma2 semaphore(%arg19 : memref<!tpu.dma_semaphore, #tpu.memory_space<semaphore_mem>>) src(%dma_wait3A_139 : memref<8x2048xf32, #tpu.memory_space<hbm>>) dst(%arg14 : memref<8x2048xf32, #tpu.memory_space<vmem>>)
      } else {
      }
      %parallel_loop3A_123 = arith.constant 0 : i32
      %parallel_loop3A_124 = arith.constant 128 : i32
      %parallel_loop3A_125 = arith.constant 1 : i32
      scf.for %parallel_loop3A_134 = %parallel_loop3A_123 to %parallel_loop3A_124 step %parallel_loop3A_125  : i32 {
        %parallel_loop3A_135 = arith.constant 16 : i32
        %parallel_loop3A_136 = arith.muli %parallel_loop3A_134, %parallel_loop3A_135 : i32
        %parallel_loop3A_137 = arith.index_cast %parallel_loop3A_136 : i32 to index
        %parallel_loop3A_138 = tpu.vector_load %arg9[%parallel_loop3A_137] {strides = array<i32>} : memref<2048xi32, #tpu.memory_space<vmem>>, vector<16xi32>,
        %parallel_loop3A_139 = tpu.vector_load_idx %arg13[%broadcast_in_dim3A_8, %parallel_loop3A_138] : memref<8x4096xf32, #tpu.memory_space<vmem>>[vector<16xi32>, vector<16xi32>], vector<16xf32>,
        %parallel_loop3A_140 = arith.constant 0.000000e+00 : f32
        %parallel_loop3A_141 = vector.broadcast %parallel_loop3A_140 : f32 to vector<16xf32>
        %parallel_loop3A_142 = arith.cmpf one, %parallel_loop3A_139, %parallel_loop3A_141 : vector<16xf32>
        %parallel_loop3A_143 = arith.constant 0.000000e+00 : f32
        %parallel_loop3A_144 = vector.broadcast %parallel_loop3A_143 : f32 to vector<16xf32>
        %parallel_loop3A_145 = arith.select %parallel_loop3A_142, %gather3A_110, %parallel_loop3A_144 : vector<16xi1>, vector<16xf32>
        %parallel_loop3A_146 = arith.constant 16 : i32
        %parallel_loop3A_147 = arith.muli %parallel_loop3A_134, %parallel_loop3A_146 : i32
        %parallel_loop3A_148 = arith.constant 0 : i32
        %parallel_loop3A_149 = arith.index_cast %parallel_loop3A_148 : i32 to index
        %parallel_loop3A_150 = arith.index_cast %parallel_loop3A_147 : i32 to index
        %parallel_loop3A_151 = tpu.vector_load %arg14[%parallel_loop3A_149, %parallel_loop3A_150] {strides = array<i32>} : memref<8x2048xf32, #tpu.memory_space<vmem>>, vector<16xf32>,
        tpu.vector_store %arg14[%parallel_loop3A_149, %parallel_loop3A_150], %parallel_loop3A_145 {strides = array<i32>} : memref<8x2048xf32, #tpu.memory_space<vmem>>, vector<16xf32>,
        %parallel_loop3A_152 = tpu.vector_load_idx %arg13[%broadcast_in_dim3A_10, %parallel_loop3A_138] : memref<8x4096xf32, #tpu.memory_space<vmem>>[vector<16xi32>, vector<16xi32>], vector<16xf32>,
        %parallel_loop3A_153 = arith.constant 0.000000e+00 : f32
        %parallel_loop3A_154 = vector.broadcast %parallel_loop3A_153 : f32 to vector<16xf32>
        %parallel_loop3A_155 = arith.cmpf one, %parallel_loop3A_152, %parallel_loop3A_154 : vector<16xf32>
        %parallel_loop3A_156 = arith.constant 0.000000e+00 : f32
        %parallel_loop3A_157 = vector.broadcast %parallel_loop3A_156 : f32 to vector<16xf32>
        %parallel_loop3A_158 = arith.select %parallel_loop3A_155, %gather3A_111, %parallel_loop3A_157 : vector<16xi1>, vector<16xf32>
        %parallel_loop3A_159 = arith.constant 16 : i32
        %parallel_loop3A_160 = arith.muli %parallel_loop3A_134, %parallel_loop3A_159 : i32
        %parallel_loop3A_161 = arith.constant 1 : i32
        %parallel_loop3A_162 = arith.index_cast %parallel_loop3A_161 : i32 to index
        %parallel_loop3A_163 = arith.index_cast %parallel_loop3A_160 : i32 to index
        %parallel_loop3A_164 = tpu.vector_load %arg14[%parallel_loop3A_162, %parallel_loop3A_163] {strides = array<i32>} : memref<8x2048xf32, #tpu.memory_space<vmem>>, vector<16xf32>,
        tpu.vector_store %arg14[%parallel_loop3A_162, %parallel_loop3A_163], %parallel_loop3A_158 {strides = array<i32>} : memref<8x2048xf32, #tpu.memory_space<vmem>>, vector<16xf32>,
        %parallel_loop3A_165 = tpu.vector_load_idx %arg13[%broadcast_in_dim3A_12, %parallel_loop3A_138] : memref<8x4096xf32, #tpu.memory_space<vmem>>[vector<16xi32>, vector<16xi32>], vector<16xf32>,
        %parallel_loop3A_166 = arith.constant 0.000000e+00 : f32
        %parallel_loop3A_167 = vector.broadcast %parallel_loop3A_166 : f32 to vector<16xf32>
        %parallel_loop3A_168 = arith.cmpf one, %parallel_loop3A_165, %parallel_loop3A_167 : vector<16xf32>
        %parallel_loop3A_169 = arith.constant 0.000000e+00 : f32
        %parallel_loop3A_170 = vector.broadcast %parallel_loop3A_169 : f32 to vector<16xf32>
        %parallel_loop3A_171 = arith.select %parallel_loop3A_168, %gather3A_112, %parallel_loop3A_170 : vector<16xi1>, vector<16xf32>
        %parallel_loop3A_172 = arith.constant 16 : i32
        %parallel_loop3A_173 = arith.muli %parallel_loop3A_134, %parallel_loop3A_172 : i32
        %parallel_loop3A_174 = arith.constant 2 : i32
        %parallel_loop3A_175 = arith.index_cast %parallel_loop3A_174 : i32 to index
        %parallel_loop3A_176 = arith.index_cast %parallel_loop3A_173 : i32 to index
        %parallel_loop3A_177 = tpu.vector_load %arg14[%parallel_loop3A_175, %parallel_loop3A_176] {strides = array<i32>} : memref<8x2048xf32, #tpu.memory_space<vmem>>, vector<16xf32>,
        tpu.vector_store %arg14[%parallel_loop3A_175, %parallel_loop3A_176], %parallel_loop3A_171 {strides = array<i32>} : memref<8x2048xf32, #tpu.memory_space<vmem>>, vector<16xf32>,
        %parallel_loop3A_178 = tpu.vector_load_idx %arg13[%broadcast_in_dim3A_14, %parallel_loop3A_138] : memref<8x4096xf32, #tpu.memory_space<vmem>>[vector<16xi32>, vector<16xi32>], vector<16xf32>,
        %parallel_loop3A_179 = arith.constant 0.000000e+00 : f32
        %parallel_loop3A_180 = vector.broadcast %parallel_loop3A_179 : f32 to vector<16xf32>
        %parallel_loop3A_181 = arith.cmpf one, %parallel_loop3A_178, %parallel_loop3A_180 : vector<16xf32>
        %parallel_loop3A_182 = arith.constant 0.000000e+00 : f32
        %parallel_loop3A_183 = vector.broadcast %parallel_loop3A_182 : f32 to vector<16xf32>
        %parallel_loop3A_184 = arith.select %parallel_loop3A_181, %gather3A_113, %parallel_loop3A_183 : vector<16xi1>, vector<16xf32>
        %parallel_loop3A_185 = arith.constant 16 : i32
        %parallel_loop3A_186 = arith.muli %parallel_loop3A_134, %parallel_loop3A_185 : i32
        %parallel_loop3A_187 = arith.constant 3 : i32
        %parallel_loop3A_188 = arith.index_cast %parallel_loop3A_187 : i32 to index
        %parallel_loop3A_189 = arith.index_cast %parallel_loop3A_186 : i32 to index
        %parallel_loop3A_190 = tpu.vector_load %arg14[%parallel_loop3A_188, %parallel_loop3A_189] {strides = array<i32>} : memref<8x2048xf32, #tpu.memory_space<vmem>>, vector<16xf32>,
        tpu.vector_store %arg14[%parallel_loop3A_188, %parallel_loop3A_189], %parallel_loop3A_184 {strides = array<i32>} : memref<8x2048xf32, #tpu.memory_space<vmem>>, vector<16xf32>,
        %parallel_loop3A_191 = tpu.vector_load_idx %arg13[%broadcast_in_dim3A_16, %parallel_loop3A_138] : memref<8x4096xf32, #tpu.memory_space<vmem>>[vector<16xi32>, vector<16xi32>], vector<16xf32>,
        %parallel_loop3A_192 = arith.constant 0.000000e+00 : f32
        %parallel_loop3A_193 = vector.broadcast %parallel_loop3A_192 : f32 to vector<16xf32>
        %parallel_loop3A_194 = arith.cmpf one, %parallel_loop3A_191, %parallel_loop3A_193 : vector<16xf32>
        %parallel_loop3A_195 = arith.constant 0.000000e+00 : f32
        %parallel_loop3A_196 = vector.broadcast %parallel_loop3A_195 : f32 to vector<16xf32>
        %parallel_loop3A_197 = arith.select %parallel_loop3A_194, %gather3A_114, %parallel_loop3A_196 : vector<16xi1>, vector<16xf32>
        %parallel_loop3A_198 = arith.constant 16 : i32
        %parallel_loop3A_199 = arith.muli %parallel_loop3A_134, %parallel_loop3A_198 : i32
        %parallel_loop3A_200 = arith.constant 4 : i32
        %parallel_loop3A_201 = arith.index_cast %parallel_loop3A_200 : i32 to index
        %parallel_loop3A_202 = arith.index_cast %parallel_loop3A_199 : i32 to index
        %parallel_loop3A_203 = tpu.vector_load %arg14[%parallel_loop3A_201, %parallel_loop3A_202] {strides = array<i32>} : memref<8x2048xf32, #tpu.memory_space<vmem>>, vector<16xf32>,
        tpu.vector_store %arg14[%parallel_loop3A_201, %parallel_loop3A_202], %parallel_loop3A_197 {strides = array<i32>} : memref<8x2048xf32, #tpu.memory_space<vmem>>, vector<16xf32>,
        %parallel_loop3A_204 = tpu.vector_load_idx %arg13[%broadcast_in_dim3A_18, %parallel_loop3A_138] : memref<8x4096xf32, #tpu.memory_space<vmem>>[vector<16xi32>, vector<16xi32>], vector<16xf32>,
        %parallel_loop3A_205 = arith.constant 0.000000e+00 : f32
        %parallel_loop3A_206 = vector.broadcast %parallel_loop3A_205 : f32 to vector<16xf32>
        %parallel_loop3A_207 = arith.cmpf one, %parallel_loop3A_204, %parallel_loop3A_206 : vector<16xf32>
        %parallel_loop3A_208 = arith.constant 0.000000e+00 : f32
        %parallel_loop3A_209 = vector.broadcast %parallel_loop3A_208 : f32 to vector<16xf32>
        %parallel_loop3A_210 = arith.select %parallel_loop3A_207, %gather3A_115, %parallel_loop3A_209 : vector<16xi1>, vector<16xf32>
        %parallel_loop3A_211 = arith.constant 16 : i32
        %parallel_loop3A_212 = arith.muli %parallel_loop3A_134, %parallel_loop3A_211 : i32
        %parallel_loop3A_213 = arith.constant 5 : i32
        %parallel_loop3A_214 = arith.index_cast %parallel_loop3A_213 : i32 to index
        %parallel_loop3A_215 = arith.index_cast %parallel_loop3A_212 : i32 to index
        %parallel_loop3A_216 = tpu.vector_load %arg14[%parallel_loop3A_214, %parallel_loop3A_215] {strides = array<i32>} : memref<8x2048xf32, #tpu.memory_space<vmem>>, vector<16xf32>,
        tpu.vector_store %arg14[%parallel_loop3A_214, %parallel_loop3A_215], %parallel_loop3A_210 {strides = array<i32>} : memref<8x2048xf32, #tpu.memory_space<vmem>>, vector<16xf32>,
        %parallel_loop3A_217 = tpu.vector_load_idx %arg13[%broadcast_in_dim3A_20, %parallel_loop3A_138] : memref<8x4096xf32, #tpu.memory_space<vmem>>[vector<16xi32>, vector<16xi32>], vector<16xf32>,
        %parallel_loop3A_218 = arith.constant 0.000000e+00 : f32
        %parallel_loop3A_219 = vector.broadcast %parallel_loop3A_218 : f32 to vector<16xf32>
        %parallel_loop3A_220 = arith.cmpf one, %parallel_loop3A_217, %parallel_loop3A_219 : vector<16xf32>
        %parallel_loop3A_221 = arith.constant 0.000000e+00 : f32
        %parallel_loop3A_222 = vector.broadcast %parallel_loop3A_221 : f32 to vector<16xf32>
        %parallel_loop3A_223 = arith.select %parallel_loop3A_220, %gather3A_116, %parallel_loop3A_222 : vector<16xi1>, vector<16xf32>
        %parallel_loop3A_224 = arith.constant 16 : i32
        %parallel_loop3A_225 = arith.muli %parallel_loop3A_134, %parallel_loop3A_224 : i32
        %parallel_loop3A_226 = arith.constant 6 : i32
        %parallel_loop3A_227 = arith.index_cast %parallel_loop3A_226 : i32 to index
        %parallel_loop3A_228 = arith.index_cast %parallel_loop3A_225 : i32 to index
        %parallel_loop3A_229 = tpu.vector_load %arg14[%parallel_loop3A_227, %parallel_loop3A_228] {strides = array<i32>} : memref<8x2048xf32, #tpu.memory_space<vmem>>, vector<16xf32>,
        tpu.vector_store %arg14[%parallel_loop3A_227, %parallel_loop3A_228], %parallel_loop3A_223 {strides = array<i32>} : memref<8x2048xf32, #tpu.memory_space<vmem>>, vector<16xf32>,
        %parallel_loop3A_230 = tpu.vector_load_idx %arg13[%broadcast_in_dim3A_22, %parallel_loop3A_138] : memref<8x4096xf32, #tpu.memory_space<vmem>>[vector<16xi32>, vector<16xi32>], vector<16xf32>,
        %parallel_loop3A_231 = arith.constant 0.000000e+00 : f32
        %parallel_loop3A_232 = vector.broadcast %parallel_loop3A_231 : f32 to vector<16xf32>
        %parallel_loop3A_233 = arith.cmpf one, %parallel_loop3A_230, %parallel_loop3A_232 : vector<16xf32>
        %parallel_loop3A_234 = arith.constant 0.000000e+00 : f32
        %parallel_loop3A_235 = vector.broadcast %parallel_loop3A_234 : f32 to vector<16xf32>
        %parallel_loop3A_236 = arith.select %parallel_loop3A_233, %gather3A_117, %parallel_loop3A_235 : vector<16xi1>, vector<16xf32>
        %parallel_loop3A_237 = arith.constant 16 : i32
        %parallel_loop3A_238 = arith.muli %parallel_loop3A_134, %parallel_loop3A_237 : i32
        %parallel_loop3A_239 = arith.constant 7 : i32
        %parallel_loop3A_240 = arith.index_cast %parallel_loop3A_239 : i32 to index
        %parallel_loop3A_241 = arith.index_cast %parallel_loop3A_238 : i32 to index
        %parallel_loop3A_242 = tpu.vector_load %arg14[%parallel_loop3A_240, %parallel_loop3A_241] {strides = array<i32>} : memref<8x2048xf32, #tpu.memory_space<vmem>>, vector<16xf32>,
        tpu.vector_store %arg14[%parallel_loop3A_240, %parallel_loop3A_241], %parallel_loop3A_236 {strides = array<i32>} : memref<8x2048xf32, #tpu.memory_space<vmem>>, vector<16xf32>,
      } {sc.loop_unroll_factor = 2 : i64, sc.parallel_access}
      %mul3A_126 = arith.constant 8 : i32
      %mul3A_127 = arith.muli %add3A_90, %mul3A_126 : i32
      %add3A_128 = arith.addi %mul3A_2, %mul3A_127 : i32
      %dma_start3A_129 = arith.constant 0 : i32
      %dma_start3A_130 = tpu.memref_slice %arg7[%add3A_128, %dma_start3A_129] : memref<2048x2048xf32, #tpu.memory_space<hbm>> -> memref<8x2048xf32, #tpu.memory_space<hbm>>
      %dma_start3A_131 = arith.constant 0 : i32
      %dma_start3A_132 = tpu.memref_slice %arg7[%add3A_128, %dma_start3A_131] : memref<2048x2048xf32, #tpu.memory_space<hbm>> -> memref<8x2048xf32, #tpu.memory_space<hbm>>
      tpu.enqueue_dma source(%arg14 : memref<8x2048xf32, #tpu.memory_space<vmem>>) target(%dma_start3A_132 : memref<8x2048xf32, #tpu.memory_space<hbm>>) target_semaphore(%arg19 : memref<!tpu.dma_semaphore, #tpu.memory_space<semaphore_mem>>)
      %scan3A_133 = arith.constant 0 : i32
      scf.yield %scan3A_133 : i32
    }
    %scan3A_35 = arith.constant 4 : i32
    %dma_wait3A = arith.constant 0 : i32
    %dma_wait3A_36 = arith.constant 0 : i32
    %dma_wait3A_37 = tpu.memref_slice %arg7[%dma_wait3A, %dma_wait3A_36] : memref<2048x2048xf32, #tpu.memory_space<hbm>> -> memref<8x2048xf32, #tpu.memory_space<hbm>>
    %dma_wait3A_38 = arith.constant 0 : i32
    %dma_wait3A_39 = arith.constant 0 : i32
    %dma_wait3A_40 = tpu.memref_slice %arg7[%dma_wait3A_38, %dma_wait3A_39] : memref<2048x2048xf32, #tpu.memory_space<hbm>> -> memref<8x2048xf32, #tpu.memory_space<hbm>>
    tpu.wait_dma2 semaphore(%arg19 : memref<!tpu.dma_semaphore, #tpu.memory_space<semaphore_mem>>) src(%dma_wait3A_40 : memref<8x2048xf32, #tpu.memory_space<hbm>>) dst(%arg14 : memref<8x2048xf32, #tpu.memory_space<vmem>>)
    %dma_wait3A_41 = tpu.memref_slice %arg9[%mul3A_2] : memref<2048xi32, #tpu.memory_space<vmem>> -> memref<64xi32, #tpu.memory_space<vmem>>
    %dma_wait3A_42 = arith.constant 0 : i32
    %dma_wait3A_43 = arith.constant 0 : i32
    %dma_wait3A_44 = tpu.memref_slice %arg3[%dma_wait3A_42, %dma_wait3A_43] : memref<4096x512xf32, #tpu.memory_space<hbm>> -> memref<4096x512xf32, #tpu.memory_space<hbm>>
    tpu.wait_indirect_dma semaphore(%arg16 : memref<!tpu.dma_semaphore, #tpu.memory_space<semaphore_mem>>) src(%dma_wait3A_44 : memref<4096x512xf32, #tpu.memory_space<hbm>>) dst(%arg11 : memref<64x512xf32, #tpu.memory_space<vmem>>)
    "tpu.region"() ({
      %run_scoped3A = tpu.sem_alloc : memref<!tpu.dma_semaphore, #tpu.memory_space<semaphore_mem>>
      %dma_start3A_45 = arith.constant 0 : i32
      %dma_start3A_46 = tpu.memref_slice %arg8[%mul3A_2, %dma_start3A_45] : memref<2048x512xf32, #tpu.memory_space<hbm>> -> memref<64x512xf32, #tpu.memory_space<hbm>>
      %dma_start3A_47 = arith.constant 0 : i32
      %dma_start3A_48 = tpu.memref_slice %arg8[%mul3A_2, %dma_start3A_47] : memref<2048x512xf32, #tpu.memory_space<hbm>> -> memref<64x512xf32, #tpu.memory_space<hbm>>
      tpu.enqueue_dma source(%arg11 : memref<64x512xf32, #tpu.memory_space<vmem>>) target(%dma_start3A_48 : memref<64x512xf32, #tpu.memory_space<hbm>>) target_semaphore(%run_scoped3A : memref<!tpu.dma_semaphore, #tpu.memory_space<semaphore_mem>>)
      %dma_wait3A_49 = arith.constant 0 : i32
      %dma_wait3A_50 = tpu.memref_slice %arg8[%mul3A_2, %dma_wait3A_49] : memref<2048x512xf32, #tpu.memory_space<hbm>> -> memref<64x512xf32, #tpu.memory_space<hbm>>
      %dma_wait3A_51 = arith.constant 0 : i32
      %dma_wait3A_52 = tpu.memref_slice %arg8[%mul3A_2, %dma_wait3A_51] : memref<2048x512xf32, #tpu.memory_space<hbm>> -> memref<64x512xf32, #tpu.memory_space<hbm>>
      tpu.wait_dma2 semaphore(%run_scoped3A : memref<!tpu.dma_semaphore, #tpu.memory_space<semaphore_mem>>) src(%arg11 : memref<64x512xf32, #tpu.memory_space<vmem>>) dst(%dma_wait3A_52 : memref<64x512xf32, #tpu.memory_space<hbm>>)
      tpu.yield
    }) : () -> ()
    return
  }
}

module attributes {stable_mosaic.version = 14 : i64} {
  func.func @_scores_body(%arg0: memref<4096x512xf32, #tpu.memory_space<vmem>>, %arg1: memref<1x512xf32, #tpu.memory_space<vmem>>, %arg2: memref<1x1xf32, #tpu.memory_space<vmem>>, %arg3: memref<1x4096xf32, #tpu.memory_space<vmem>>) attributes {dimension_semantics = [], scalar_prefetch = 0 : i64, scratch_operands = 0 : i64, tpu.core_type = #tpu.core_type<tc>} {
    %get3A = arith.constant 0 : index
    %get3A_0 = arith.constant 0 : index
    %get3A_1 = vector.load %arg1[%get3A, %get3A_0] : memref<1x512xf32, #tpu.memory_space<vmem>>, vector<1x512xf32>
    %get3A_2 = arith.constant 0 : index
    %get3A_3 = arith.constant 0 : index
    %get3A_4 = vector.load %arg0[%get3A_2, %get3A_3] : memref<4096x512xf32, #tpu.memory_space<vmem>>, vector<4096x512xf32>
    %dot_general3A = arith.constant dense<0.000000e+00> : vector<1x4096xf32>
    %dot_general3A_5 = tpu.matmul %get3A_1, %get3A_4, %dot_general3A {dimension_numbers = #tpu.dot_dimension_numbers<[1], [1], [0], [0], [0, 0, 1, 0], [], []>, transpose_lhs_hint = false} : vector<1x512xf32>, vector<4096x512xf32>, vector<1x4096xf32> -> vector<1x4096xf32>
    %get3A_6 = arith.constant 0 : index
    %get3A_7 = arith.constant 0 : index
    %get3A_8 = vector.load %arg2[%get3A_6, %get3A_7] : memref<1x1xf32, #tpu.memory_space<vmem>>, vector<1x1xf32>
    %add3A = vector.broadcast %get3A_8 : vector<1x1xf32> to vector<1x4096xf32>
    %add3A_9 = arith.addf %dot_general3A_5, %add3A : vector<1x4096xf32>
    %logistic3A = arith.negf %add3A_9 : vector<1x4096xf32>
    %logistic3A_10 = math.exp %logistic3A : vector<1x4096xf32>
    %logistic3A_11 = arith.constant 1.000000e+00 : f32
    %logistic3A_12 = vector.broadcast %logistic3A_11 : f32 to vector<1x4096xf32>
    %logistic3A_13 = arith.addf %logistic3A_12, %logistic3A_10 : vector<1x4096xf32>
    %logistic3A_14 = arith.divf %logistic3A_12, %logistic3A_13 : vector<1x4096xf32>
    %swap3A = arith.constant 0 : index
    %swap3A_15 = arith.constant 0 : index
    %swap3A_16 = vector.load %arg3[%swap3A, %swap3A_15] : memref<1x4096xf32, #tpu.memory_space<vmem>>, vector<1x4096xf32>
    tpu.vector_store %arg3[%swap3A, %swap3A_15], %logistic3A_14 {strides = array<i32>} : memref<1x4096xf32, #tpu.memory_space<vmem>>, vector<1x4096xf32>,
    return
  }
}

module attributes {stable_mosaic.version = 14 : i64} {
  func.func @_rank_body(%arg0: memref<4096x1xf32, #tpu.memory_space<vmem>>, %arg1: memref<1x4096xf32, #tpu.memory_space<vmem>>, %arg2: memref<1x2048xi32, #tpu.memory_space<vmem>>) attributes {dimension_semantics = [], scalar_prefetch = 0 : i64, scratch_operands = 0 : i64, tpu.core_type = #tpu.core_type<tc>} {
    %get3A = arith.constant 0 : index
    %get3A_0 = arith.constant 0 : index
    %get3A_1 = vector.load %arg0[%get3A, %get3A_0] : memref<4096x1xf32, #tpu.memory_space<vmem>>, vector<4096x1xf32>
    %iota3A = tpu.iota {dimensions = array<i32: 1>} : vector<512x512xi32>
    %iota3A_2 = tpu.iota {dimensions = array<i32: 0>} : vector<512x512xi32>
    %lt3A = arith.cmpi slt, %iota3A, %iota3A_2 : vector<512x512xi32>
    %broadcast_in_dim3A = arith.constant 0.000000e+00 : f32
    %broadcast_in_dim3A_3 = vector.broadcast %broadcast_in_dim3A : f32 to vector<4096x1xf32>
    %get3A_4 = arith.constant 0 : index
    %get3A_5 = arith.constant 0 : index
    %get3A_6 = vector.load %arg1[%get3A_4, %get3A_5] : memref<1x4096xf32, #tpu.memory_space<vmem>>, vector<1x512xf32>
    %slice3A = vector.extract_strided_slice %get3A_1 {offsets = [0, 0], sizes = [512, 1], strides = [1, 1]} : vector<4096x1xf32> to vector<512x1xf32>
    %gt3A = vector.broadcast %get3A_6 : vector<1x512xf32> to vector<512x512xf32>
    %gt3A_7 = vector.broadcast %slice3A : vector<512x1xf32> to vector<512x512xf32>
    %gt3A_8 = arith.cmpf ogt, %gt3A, %gt3A_7 : vector<512x512xf32>
    %eq3A = vector.broadcast %get3A_6 : vector<1x512xf32> to vector<512x512xf32>
    %eq3A_9 = vector.broadcast %slice3A : vector<512x1xf32> to vector<512x512xf32>
    %eq3A_10 = arith.cmpf oeq, %eq3A, %eq3A_9 : vector<512x512xf32>
    %and3A = arith.andi %eq3A_10, %lt3A : vector<512x512xi1>
    %or3A = arith.ori %gt3A_8, %and3A : vector<512x512xi1>
    %jit3A = arith.constant 1.000000e+00 : f32
    %jit3A_11 = arith.constant 0.000000e+00 : f32
    %broadcast_in_dim3A_12 = vector.broadcast %jit3A : f32 to vector<512x512xf32>
    %broadcast_in_dim3A_13 = vector.broadcast %jit3A_11 : f32 to vector<512x512xf32>
    %select_n3A = arith.select %or3A, %broadcast_in_dim3A_12, %broadcast_in_dim3A_13 : vector<512x512xi1>, vector<512x512xf32>
    %reduce_sum3A = arith.constant dense<0.000000e+00> : vector<512xf32>
    %reduce_sum3A_14 = vector.multi_reduction <add>, %select_n3A, %reduce_sum3A [1] : vector<512x512xf32> to vector<512xf32>
    %broadcast_in_dim3A_15 = vector.shape_cast %reduce_sum3A_14 : vector<512xf32> to vector<512x1xf32>
    %slice3A_16 = vector.extract_strided_slice %get3A_1 {offsets = [512, 0], sizes = [3584, 1], strides = [1, 1]} : vector<4096x1xf32> to vector<3584x1xf32>
    %ge3A = vector.broadcast %get3A_6 : vector<1x512xf32> to vector<3584x512xf32>
    %ge3A_17 = vector.broadcast %slice3A_16 : vector<3584x1xf32> to vector<3584x512xf32>
    %ge3A_18 = arith.cmpf oge, %ge3A, %ge3A_17 : vector<3584x512xf32>
    %jit3A_19 = arith.constant 1.000000e+00 : f32
    %jit3A_20 = arith.constant 0.000000e+00 : f32
    %broadcast_in_dim3A_21 = vector.broadcast %jit3A_19 : f32 to vector<3584x512xf32>
    %broadcast_in_dim3A_22 = vector.broadcast %jit3A_20 : f32 to vector<3584x512xf32>
    %select_n3A_23 = arith.select %ge3A_18, %broadcast_in_dim3A_21, %broadcast_in_dim3A_22 : vector<3584x512xi1>, vector<3584x512xf32>
    %reduce_sum3A_24 = arith.constant dense<0.000000e+00> : vector<3584xf32>
    %reduce_sum3A_25 = vector.multi_reduction <add>, %select_n3A_23, %reduce_sum3A_24 [1] : vector<3584x512xf32> to vector<3584xf32>
    %broadcast_in_dim3A_26 = vector.shape_cast %reduce_sum3A_25 : vector<3584xf32> to vector<3584x1xf32>
    %concatenate3A = tpu.concatenate %broadcast_in_dim3A_15, %broadcast_in_dim3A_26 in 0 : vector<512x1xf32>, vector<3584x1xf32> -> vector<4096x1xf32>
    %add3A = arith.addf %broadcast_in_dim3A_3, %concatenate3A : vector<4096x1xf32>
    %get3A_27 = arith.constant 0 : index
    %get3A_28 = arith.constant 512 : index
    %get3A_29 = vector.load %arg1[%get3A_27, %get3A_28] : memref<1x4096xf32, #tpu.memory_space<vmem>>, vector<1x512xf32>
    %slice3A_30 = vector.extract_strided_slice %get3A_1 {offsets = [0, 0], sizes = [512, 1], strides = [1, 1]} : vector<4096x1xf32> to vector<512x1xf32>
    %gt3A_31 = vector.broadcast %get3A_29 : vector<1x512xf32> to vector<512x512xf32>
    %gt3A_32 = vector.broadcast %slice3A_30 : vector<512x1xf32> to vector<512x512xf32>
    %gt3A_33 = arith.cmpf ogt, %gt3A_31, %gt3A_32 : vector<512x512xf32>
    %jit3A_34 = arith.constant 1.000000e+00 : f32
    %jit3A_35 = arith.constant 0.000000e+00 : f32
    %broadcast_in_dim3A_36 = vector.broadcast %jit3A_34 : f32 to vector<512x512xf32>
    %broadcast_in_dim3A_37 = vector.broadcast %jit3A_35 : f32 to vector<512x512xf32>
    %select_n3A_38 = arith.select %gt3A_33, %broadcast_in_dim3A_36, %broadcast_in_dim3A_37 : vector<512x512xi1>, vector<512x512xf32>
    %reduce_sum3A_39 = arith.constant dense<0.000000e+00> : vector<512xf32>
    %reduce_sum3A_40 = vector.multi_reduction <add>, %select_n3A_38, %reduce_sum3A_39 [1] : vector<512x512xf32> to vector<512xf32>
    %broadcast_in_dim3A_41 = vector.shape_cast %reduce_sum3A_40 : vector<512xf32> to vector<512x1xf32>
    %slice3A_42 = vector.extract_strided_slice %get3A_1 {offsets = [512, 0], sizes = [512, 1], strides = [1, 1]} : vector<4096x1xf32> to vector<512x1xf32>
    %gt3A_43 = vector.broadcast %get3A_29 : vector<1x512xf32> to vector<512x512xf32>
    %gt3A_44 = vector.broadcast %slice3A_42 : vector<512x1xf32> to vector<512x512xf32>
    %gt3A_45 = arith.cmpf ogt, %gt3A_43, %gt3A_44 : vector<512x512xf32>
    %eq3A_46 = vector.broadcast %get3A_29 : vector<1x512xf32> to vector<512x512xf32>
    %eq3A_47 = vector.broadcast %slice3A_42 : vector<512x1xf32> to vector<512x512xf32>
    %eq3A_48 = arith.cmpf oeq, %eq3A_46, %eq3A_47 : vector<512x512xf32>
    %and3A_49 = arith.andi %eq3A_48, %lt3A : vector<512x512xi1>
    %or3A_50 = arith.ori %gt3A_45, %and3A_49 : vector<512x512xi1>
    %jit3A_51 = arith.constant 1.000000e+00 : f32
    %jit3A_52 = arith.constant 0.000000e+00 : f32
    %broadcast_in_dim3A_53 = vector.broadcast %jit3A_51 : f32 to vector<512x512xf32>
    %broadcast_in_dim3A_54 = vector.broadcast %jit3A_52 : f32 to vector<512x512xf32>
    %select_n3A_55 = arith.select %or3A_50, %broadcast_in_dim3A_53, %broadcast_in_dim3A_54 : vector<512x512xi1>, vector<512x512xf32>
    %reduce_sum3A_56 = arith.constant dense<0.000000e+00> : vector<512xf32>
    %reduce_sum3A_57 = vector.multi_reduction <add>, %select_n3A_55, %reduce_sum3A_56 [1] : vector<512x512xf32> to vector<512xf32>
    %broadcast_in_dim3A_58 = vector.shape_cast %reduce_sum3A_57 : vector<512xf32> to vector<512x1xf32>
    %slice3A_59 = vector.extract_strided_slice %get3A_1 {offsets = [1024, 0], sizes = [3072, 1], strides = [1, 1]} : vector<4096x1xf32> to vector<3072x1xf32>
    %ge3A_60 = vector.broadcast %get3A_29 : vector<1x512xf32> to vector<3072x512xf32>
    %ge3A_61 = vector.broadcast %slice3A_59 : vector<3072x1xf32> to vector<3072x512xf32>
    %ge3A_62 = arith.cmpf oge, %ge3A_60, %ge3A_61 : vector<3072x512xf32>
    %jit3A_63 = arith.constant 1.000000e+00 : f32
    %jit3A_64 = arith.constant 0.000000e+00 : f32
    %broadcast_in_dim3A_65 = vector.broadcast %jit3A_63 : f32 to vector<3072x512xf32>
    %broadcast_in_dim3A_66 = vector.broadcast %jit3A_64 : f32 to vector<3072x512xf32>
    %select_n3A_67 = arith.select %ge3A_62, %broadcast_in_dim3A_65, %broadcast_in_dim3A_66 : vector<3072x512xi1>, vector<3072x512xf32>
    %reduce_sum3A_68 = arith.constant dense<0.000000e+00> : vector<3072xf32>
    %reduce_sum3A_69 = vector.multi_reduction <add>, %select_n3A_67, %reduce_sum3A_68 [1] : vector<3072x512xf32> to vector<3072xf32>
    %broadcast_in_dim3A_70 = vector.shape_cast %reduce_sum3A_69 : vector<3072xf32> to vector<3072x1xf32>
    %concatenate3A_71 = tpu.concatenate %broadcast_in_dim3A_41, %broadcast_in_dim3A_58, %broadcast_in_dim3A_70 in 0 : vector<512x1xf32>, vector<512x1xf32>, vector<3072x1xf32> -> vector<4096x1xf32>
    %add3A_72 = arith.addf %add3A, %concatenate3A_71 : vector<4096x1xf32>
    %get3A_73 = arith.constant 0 : index
    %get3A_74 = arith.constant 1024 : index
    %get3A_75 = vector.load %arg1[%get3A_73, %get3A_74] : memref<1x4096xf32, #tpu.memory_space<vmem>>, vector<1x512xf32>
    %slice3A_76 = vector.extract_strided_slice %get3A_1 {offsets = [0, 0], sizes = [1024, 1], strides = [1, 1]} : vector<4096x1xf32> to vector<1024x1xf32>
    %gt3A_77 = vector.broadcast %get3A_75 : vector<1x512xf32> to vector<1024x512xf32>
    %gt3A_78 = vector.broadcast %slice3A_76 : vector<1024x1xf32> to vector<1024x512xf32>
    %gt3A_79 = arith.cmpf ogt, %gt3A_77, %gt3A_78 : vector<1024x512xf32>
    %jit3A_80 = arith.constant 1.000000e+00 : f32
    %jit3A_81 = arith.constant 0.000000e+00 : f32
    %broadcast_in_dim3A_82 = vector.broadcast %jit3A_80 : f32 to vector<1024x512xf32>
    %broadcast_in_dim3A_83 = vector.broadcast %jit3A_81 : f32 to vector<1024x512xf32>
    %select_n3A_84 = arith.select %gt3A_79, %broadcast_in_dim3A_82, %broadcast_in_dim3A_83 : vector<1024x512xi1>, vector<1024x512xf32>
    %reduce_sum3A_85 = arith.constant dense<0.000000e+00> : vector<1024xf32>
    %reduce_sum3A_86 = vector.multi_reduction <add>, %select_n3A_84, %reduce_sum3A_85 [1] : vector<1024x512xf32> to vector<1024xf32>
    %broadcast_in_dim3A_87 = vector.shape_cast %reduce_sum3A_86 : vector<1024xf32> to vector<1024x1xf32>
    %slice3A_88 = vector.extract_strided_slice %get3A_1 {offsets = [1024, 0], sizes = [512, 1], strides = [1, 1]} : vector<4096x1xf32> to vector<512x1xf32>
    %gt3A_89 = vector.broadcast %get3A_75 : vector<1x512xf32> to vector<512x512xf32>
    %gt3A_90 = vector.broadcast %slice3A_88 : vector<512x1xf32> to vector<512x512xf32>
    %gt3A_91 = arith.cmpf ogt, %gt3A_89, %gt3A_90 : vector<512x512xf32>
    %eq3A_92 = vector.broadcast %get3A_75 : vector<1x512xf32> to vector<512x512xf32>
    %eq3A_93 = vector.broadcast %slice3A_88 : vector<512x1xf32> to vector<512x512xf32>
    %eq3A_94 = arith.cmpf oeq, %eq3A_92, %eq3A_93 : vector<512x512xf32>
    %and3A_95 = arith.andi %eq3A_94, %lt3A : vector<512x512xi1>
    %or3A_96 = arith.ori %gt3A_91, %and3A_95 : vector<512x512xi1>
    %jit3A_97 = arith.constant 1.000000e+00 : f32
    %jit3A_98 = arith.constant 0.000000e+00 : f32
    %broadcast_in_dim3A_99 = vector.broadcast %jit3A_97 : f32 to vector<512x512xf32>
    %broadcast_in_dim3A_100 = vector.broadcast %jit3A_98 : f32 to vector<512x512xf32>
    %select_n3A_101 = arith.select %or3A_96, %broadcast_in_dim3A_99, %broadcast_in_dim3A_100 : vector<512x512xi1>, vector<512x512xf32>
    %reduce_sum3A_102 = arith.constant dense<0.000000e+00> : vector<512xf32>
    %reduce_sum3A_103 = vector.multi_reduction <add>, %select_n3A_101, %reduce_sum3A_102 [1] : vector<512x512xf32> to vector<512xf32>
    %broadcast_in_dim3A_104 = vector.shape_cast %reduce_sum3A_103 : vector<512xf32> to vector<512x1xf32>
    %slice3A_105 = vector.extract_strided_slice %get3A_1 {offsets = [1536, 0], sizes = [2560, 1], strides = [1, 1]} : vector<4096x1xf32> to vector<2560x1xf32>
    %ge3A_106 = vector.broadcast %get3A_75 : vector<1x512xf32> to vector<2560x512xf32>
    %ge3A_107 = vector.broadcast %slice3A_105 : vector<2560x1xf32> to vector<2560x512xf32>
    %ge3A_108 = arith.cmpf oge, %ge3A_106, %ge3A_107 : vector<2560x512xf32>
    %jit3A_109 = arith.constant 1.000000e+00 : f32
    %jit3A_110 = arith.constant 0.000000e+00 : f32
    %broadcast_in_dim3A_111 = vector.broadcast %jit3A_109 : f32 to vector<2560x512xf32>
    %broadcast_in_dim3A_112 = vector.broadcast %jit3A_110 : f32 to vector<2560x512xf32>
    %select_n3A_113 = arith.select %ge3A_108, %broadcast_in_dim3A_111, %broadcast_in_dim3A_112 : vector<2560x512xi1>, vector<2560x512xf32>
    %reduce_sum3A_114 = arith.constant dense<0.000000e+00> : vector<2560xf32>
    %reduce_sum3A_115 = vector.multi_reduction <add>, %select_n3A_113, %reduce_sum3A_114 [1] : vector<2560x512xf32> to vector<2560xf32>
    %broadcast_in_dim3A_116 = vector.shape_cast %reduce_sum3A_115 : vector<2560xf32> to vector<2560x1xf32>
    %concatenate3A_117 = tpu.concatenate %broadcast_in_dim3A_87, %broadcast_in_dim3A_104, %broadcast_in_dim3A_116 in 0 : vector<1024x1xf32>, vector<512x1xf32>, vector<2560x1xf32> -> vector<4096x1xf32>
    %add3A_118 = arith.addf %add3A_72, %concatenate3A_117 : vector<4096x1xf32>
    %get3A_119 = arith.constant 0 : index
    %get3A_120 = arith.constant 1536 : index
    %get3A_121 = vector.load %arg1[%get3A_119, %get3A_120] : memref<1x4096xf32, #tpu.memory_space<vmem>>, vector<1x512xf32>
    %slice3A_122 = vector.extract_strided_slice %get3A_1 {offsets = [0, 0], sizes = [1536, 1], strides = [1, 1]} : vector<4096x1xf32> to vector<1536x1xf32>
    %gt3A_123 = vector.broadcast %get3A_121 : vector<1x512xf32> to vector<1536x512xf32>
    %gt3A_124 = vector.broadcast %slice3A_122 : vector<1536x1xf32> to vector<1536x512xf32>
    %gt3A_125 = arith.cmpf ogt, %gt3A_123, %gt3A_124 : vector<1536x512xf32>
    %jit3A_126 = arith.constant 1.000000e+00 : f32
    %jit3A_127 = arith.constant 0.000000e+00 : f32
    %broadcast_in_dim3A_128 = vector.broadcast %jit3A_126 : f32 to vector<1536x512xf32>
    %broadcast_in_dim3A_129 = vector.broadcast %jit3A_127 : f32 to vector<1536x512xf32>
    %select_n3A_130 = arith.select %gt3A_125, %broadcast_in_dim3A_128, %broadcast_in_dim3A_129 : vector<1536x512xi1>, vector<1536x512xf32>
    %reduce_sum3A_131 = arith.constant dense<0.000000e+00> : vector<1536xf32>
    %reduce_sum3A_132 = vector.multi_reduction <add>, %select_n3A_130, %reduce_sum3A_131 [1] : vector<1536x512xf32> to vector<1536xf32>
    %broadcast_in_dim3A_133 = vector.shape_cast %reduce_sum3A_132 : vector<1536xf32> to vector<1536x1xf32>
    %slice3A_134 = vector.extract_strided_slice %get3A_1 {offsets = [1536, 0], sizes = [512, 1], strides = [1, 1]} : vector<4096x1xf32> to vector<512x1xf32>
    %gt3A_135 = vector.broadcast %get3A_121 : vector<1x512xf32> to vector<512x512xf32>
    %gt3A_136 = vector.broadcast %slice3A_134 : vector<512x1xf32> to vector<512x512xf32>
    %gt3A_137 = arith.cmpf ogt, %gt3A_135, %gt3A_136 : vector<512x512xf32>
    %eq3A_138 = vector.broadcast %get3A_121 : vector<1x512xf32> to vector<512x512xf32>
    %eq3A_139 = vector.broadcast %slice3A_134 : vector<512x1xf32> to vector<512x512xf32>
    %eq3A_140 = arith.cmpf oeq, %eq3A_138, %eq3A_139 : vector<512x512xf32>
    %and3A_141 = arith.andi %eq3A_140, %lt3A : vector<512x512xi1>
    %or3A_142 = arith.ori %gt3A_137, %and3A_141 : vector<512x512xi1>
    %jit3A_143 = arith.constant 1.000000e+00 : f32
    %jit3A_144 = arith.constant 0.000000e+00 : f32
    %broadcast_in_dim3A_145 = vector.broadcast %jit3A_143 : f32 to vector<512x512xf32>
    %broadcast_in_dim3A_146 = vector.broadcast %jit3A_144 : f32 to vector<512x512xf32>
    %select_n3A_147 = arith.select %or3A_142, %broadcast_in_dim3A_145, %broadcast_in_dim3A_146 : vector<512x512xi1>, vector<512x512xf32>
    %reduce_sum3A_148 = arith.constant dense<0.000000e+00> : vector<512xf32>
    %reduce_sum3A_149 = vector.multi_reduction <add>, %select_n3A_147, %reduce_sum3A_148 [1] : vector<512x512xf32> to vector<512xf32>
    %broadcast_in_dim3A_150 = vector.shape_cast %reduce_sum3A_149 : vector<512xf32> to vector<512x1xf32>
    %slice3A_151 = vector.extract_strided_slice %get3A_1 {offsets = [2048, 0], sizes = [2048, 1], strides = [1, 1]} : vector<4096x1xf32> to vector<2048x1xf32>
    %ge3A_152 = vector.broadcast %get3A_121 : vector<1x512xf32> to vector<2048x512xf32>
    %ge3A_153 = vector.broadcast %slice3A_151 : vector<2048x1xf32> to vector<2048x512xf32>
    %ge3A_154 = arith.cmpf oge, %ge3A_152, %ge3A_153 : vector<2048x512xf32>
    %jit3A_155 = arith.constant 1.000000e+00 : f32
    %jit3A_156 = arith.constant 0.000000e+00 : f32
    %broadcast_in_dim3A_157 = vector.broadcast %jit3A_155 : f32 to vector<2048x512xf32>
    %broadcast_in_dim3A_158 = vector.broadcast %jit3A_156 : f32 to vector<2048x512xf32>
    %select_n3A_159 = arith.select %ge3A_154, %broadcast_in_dim3A_157, %broadcast_in_dim3A_158 : vector<2048x512xi1>, vector<2048x512xf32>
    %reduce_sum3A_160 = arith.constant dense<0.000000e+00> : vector<2048xf32>
    %reduce_sum3A_161 = vector.multi_reduction <add>, %select_n3A_159, %reduce_sum3A_160 [1] : vector<2048x512xf32> to vector<2048xf32>
    %broadcast_in_dim3A_162 = vector.shape_cast %reduce_sum3A_161 : vector<2048xf32> to vector<2048x1xf32>
    %concatenate3A_163 = tpu.concatenate %broadcast_in_dim3A_133, %broadcast_in_dim3A_150, %broadcast_in_dim3A_162 in 0 : vector<1536x1xf32>, vector<512x1xf32>, vector<2048x1xf32> -> vector<4096x1xf32>
    %add3A_164 = arith.addf %add3A_118, %concatenate3A_163 : vector<4096x1xf32>
    %get3A_165 = arith.constant 0 : index
    %get3A_166 = arith.constant 2048 : index
    %get3A_167 = vector.load %arg1[%get3A_165, %get3A_166] : memref<1x4096xf32, #tpu.memory_space<vmem>>, vector<1x512xf32>
    %slice3A_168 = vector.extract_strided_slice %get3A_1 {offsets = [0, 0], sizes = [2048, 1], strides = [1, 1]} : vector<4096x1xf32> to vector<2048x1xf32>
    %gt3A_169 = vector.broadcast %get3A_167 : vector<1x512xf32> to vector<2048x512xf32>
    %gt3A_170 = vector.broadcast %slice3A_168 : vector<2048x1xf32> to vector<2048x512xf32>
    %gt3A_171 = arith.cmpf ogt, %gt3A_169, %gt3A_170 : vector<2048x512xf32>
    %jit3A_172 = arith.constant 1.000000e+00 : f32
    %jit3A_173 = arith.constant 0.000000e+00 : f32
    %broadcast_in_dim3A_174 = vector.broadcast %jit3A_172 : f32 to vector<2048x512xf32>
    %broadcast_in_dim3A_175 = vector.broadcast %jit3A_173 : f32 to vector<2048x512xf32>
    %select_n3A_176 = arith.select %gt3A_171, %broadcast_in_dim3A_174, %broadcast_in_dim3A_175 : vector<2048x512xi1>, vector<2048x512xf32>
    %reduce_sum3A_177 = arith.constant dense<0.000000e+00> : vector<2048xf32>
    %reduce_sum3A_178 = vector.multi_reduction <add>, %select_n3A_176, %reduce_sum3A_177 [1] : vector<2048x512xf32> to vector<2048xf32>
    %broadcast_in_dim3A_179 = vector.shape_cast %reduce_sum3A_178 : vector<2048xf32> to vector<2048x1xf32>
    %slice3A_180 = vector.extract_strided_slice %get3A_1 {offsets = [2048, 0], sizes = [512, 1], strides = [1, 1]} : vector<4096x1xf32> to vector<512x1xf32>
    %gt3A_181 = vector.broadcast %get3A_167 : vector<1x512xf32> to vector<512x512xf32>
    %gt3A_182 = vector.broadcast %slice3A_180 : vector<512x1xf32> to vector<512x512xf32>
    %gt3A_183 = arith.cmpf ogt, %gt3A_181, %gt3A_182 : vector<512x512xf32>
    %eq3A_184 = vector.broadcast %get3A_167 : vector<1x512xf32> to vector<512x512xf32>
    %eq3A_185 = vector.broadcast %slice3A_180 : vector<512x1xf32> to vector<512x512xf32>
    %eq3A_186 = arith.cmpf oeq, %eq3A_184, %eq3A_185 : vector<512x512xf32>
    %and3A_187 = arith.andi %eq3A_186, %lt3A : vector<512x512xi1>
    %or3A_188 = arith.ori %gt3A_183, %and3A_187 : vector<512x512xi1>
    %jit3A_189 = arith.constant 1.000000e+00 : f32
    %jit3A_190 = arith.constant 0.000000e+00 : f32
    %broadcast_in_dim3A_191 = vector.broadcast %jit3A_189 : f32 to vector<512x512xf32>
    %broadcast_in_dim3A_192 = vector.broadcast %jit3A_190 : f32 to vector<512x512xf32>
    %select_n3A_193 = arith.select %or3A_188, %broadcast_in_dim3A_191, %broadcast_in_dim3A_192 : vector<512x512xi1>, vector<512x512xf32>
    %reduce_sum3A_194 = arith.constant dense<0.000000e+00> : vector<512xf32>
    %reduce_sum3A_195 = vector.multi_reduction <add>, %select_n3A_193, %reduce_sum3A_194 [1] : vector<512x512xf32> to vector<512xf32>
    %broadcast_in_dim3A_196 = vector.shape_cast %reduce_sum3A_195 : vector<512xf32> to vector<512x1xf32>
    %slice3A_197 = vector.extract_strided_slice %get3A_1 {offsets = [2560, 0], sizes = [1536, 1], strides = [1, 1]} : vector<4096x1xf32> to vector<1536x1xf32>
    %ge3A_198 = vector.broadcast %get3A_167 : vector<1x512xf32> to vector<1536x512xf32>
    %ge3A_199 = vector.broadcast %slice3A_197 : vector<1536x1xf32> to vector<1536x512xf32>
    %ge3A_200 = arith.cmpf oge, %ge3A_198, %ge3A_199 : vector<1536x512xf32>
    %jit3A_201 = arith.constant 1.000000e+00 : f32
    %jit3A_202 = arith.constant 0.000000e+00 : f32
    %broadcast_in_dim3A_203 = vector.broadcast %jit3A_201 : f32 to vector<1536x512xf32>
    %broadcast_in_dim3A_204 = vector.broadcast %jit3A_202 : f32 to vector<1536x512xf32>
    %select_n3A_205 = arith.select %ge3A_200, %broadcast_in_dim3A_203, %broadcast_in_dim3A_204 : vector<1536x512xi1>, vector<1536x512xf32>
    %reduce_sum3A_206 = arith.constant dense<0.000000e+00> : vector<1536xf32>
    %reduce_sum3A_207 = vector.multi_reduction <add>, %select_n3A_205, %reduce_sum3A_206 [1] : vector<1536x512xf32> to vector<1536xf32>
    %broadcast_in_dim3A_208 = vector.shape_cast %reduce_sum3A_207 : vector<1536xf32> to vector<1536x1xf32>
    %concatenate3A_209 = tpu.concatenate %broadcast_in_dim3A_179, %broadcast_in_dim3A_196, %broadcast_in_dim3A_208 in 0 : vector<2048x1xf32>, vector<512x1xf32>, vector<1536x1xf32> -> vector<4096x1xf32>
    %add3A_210 = arith.addf %add3A_164, %concatenate3A_209 : vector<4096x1xf32>
    %get3A_211 = arith.constant 0 : index
    %get3A_212 = arith.constant 2560 : index
    %get3A_213 = vector.load %arg1[%get3A_211, %get3A_212] : memref<1x4096xf32, #tpu.memory_space<vmem>>, vector<1x512xf32>
    %slice3A_214 = vector.extract_strided_slice %get3A_1 {offsets = [0, 0], sizes = [2560, 1], strides = [1, 1]} : vector<4096x1xf32> to vector<2560x1xf32>
    %gt3A_215 = vector.broadcast %get3A_213 : vector<1x512xf32> to vector<2560x512xf32>
    %gt3A_216 = vector.broadcast %slice3A_214 : vector<2560x1xf32> to vector<2560x512xf32>
    %gt3A_217 = arith.cmpf ogt, %gt3A_215, %gt3A_216 : vector<2560x512xf32>
    %jit3A_218 = arith.constant 1.000000e+00 : f32
    %jit3A_219 = arith.constant 0.000000e+00 : f32
    %broadcast_in_dim3A_220 = vector.broadcast %jit3A_218 : f32 to vector<2560x512xf32>
    %broadcast_in_dim3A_221 = vector.broadcast %jit3A_219 : f32 to vector<2560x512xf32>
    %select_n3A_222 = arith.select %gt3A_217, %broadcast_in_dim3A_220, %broadcast_in_dim3A_221 : vector<2560x512xi1>, vector<2560x512xf32>
    %reduce_sum3A_223 = arith.constant dense<0.000000e+00> : vector<2560xf32>
    %reduce_sum3A_224 = vector.multi_reduction <add>, %select_n3A_222, %reduce_sum3A_223 [1] : vector<2560x512xf32> to vector<2560xf32>
    %broadcast_in_dim3A_225 = vector.shape_cast %reduce_sum3A_224 : vector<2560xf32> to vector<2560x1xf32>
    %slice3A_226 = vector.extract_strided_slice %get3A_1 {offsets = [2560, 0], sizes = [512, 1], strides = [1, 1]} : vector<4096x1xf32> to vector<512x1xf32>
    %gt3A_227 = vector.broadcast %get3A_213 : vector<1x512xf32> to vector<512x512xf32>
    %gt3A_228 = vector.broadcast %slice3A_226 : vector<512x1xf32> to vector<512x512xf32>
    %gt3A_229 = arith.cmpf ogt, %gt3A_227, %gt3A_228 : vector<512x512xf32>
    %eq3A_230 = vector.broadcast %get3A_213 : vector<1x512xf32> to vector<512x512xf32>
    %eq3A_231 = vector.broadcast %slice3A_226 : vector<512x1xf32> to vector<512x512xf32>
    %eq3A_232 = arith.cmpf oeq, %eq3A_230, %eq3A_231 : vector<512x512xf32>
    %and3A_233 = arith.andi %eq3A_232, %lt3A : vector<512x512xi1>
    %or3A_234 = arith.ori %gt3A_229, %and3A_233 : vector<512x512xi1>
    %jit3A_235 = arith.constant 1.000000e+00 : f32
    %jit3A_236 = arith.constant 0.000000e+00 : f32
    %broadcast_in_dim3A_237 = vector.broadcast %jit3A_235 : f32 to vector<512x512xf32>
    %broadcast_in_dim3A_238 = vector.broadcast %jit3A_236 : f32 to vector<512x512xf32>
    %select_n3A_239 = arith.select %or3A_234, %broadcast_in_dim3A_237, %broadcast_in_dim3A_238 : vector<512x512xi1>, vector<512x512xf32>
    %reduce_sum3A_240 = arith.constant dense<0.000000e+00> : vector<512xf32>
    %reduce_sum3A_241 = vector.multi_reduction <add>, %select_n3A_239, %reduce_sum3A_240 [1] : vector<512x512xf32> to vector<512xf32>
    %broadcast_in_dim3A_242 = vector.shape_cast %reduce_sum3A_241 : vector<512xf32> to vector<512x1xf32>
    %slice3A_243 = vector.extract_strided_slice %get3A_1 {offsets = [3072, 0], sizes = [1024, 1], strides = [1, 1]} : vector<4096x1xf32> to vector<1024x1xf32>
    %ge3A_244 = vector.broadcast %get3A_213 : vector<1x512xf32> to vector<1024x512xf32>
    %ge3A_245 = vector.broadcast %slice3A_243 : vector<1024x1xf32> to vector<1024x512xf32>
    %ge3A_246 = arith.cmpf oge, %ge3A_244, %ge3A_245 : vector<1024x512xf32>
    %jit3A_247 = arith.constant 1.000000e+00 : f32
    %jit3A_248 = arith.constant 0.000000e+00 : f32
    %broadcast_in_dim3A_249 = vector.broadcast %jit3A_247 : f32 to vector<1024x512xf32>
    %broadcast_in_dim3A_250 = vector.broadcast %jit3A_248 : f32 to vector<1024x512xf32>
    %select_n3A_251 = arith.select %ge3A_246, %broadcast_in_dim3A_249, %broadcast_in_dim3A_250 : vector<1024x512xi1>, vector<1024x512xf32>
    %reduce_sum3A_252 = arith.constant dense<0.000000e+00> : vector<1024xf32>
    %reduce_sum3A_253 = vector.multi_reduction <add>, %select_n3A_251, %reduce_sum3A_252 [1] : vector<1024x512xf32> to vector<1024xf32>
    %broadcast_in_dim3A_254 = vector.shape_cast %reduce_sum3A_253 : vector<1024xf32> to vector<1024x1xf32>
    %concatenate3A_255 = tpu.concatenate %broadcast_in_dim3A_225, %broadcast_in_dim3A_242, %broadcast_in_dim3A_254 in 0 : vector<2560x1xf32>, vector<512x1xf32>, vector<1024x1xf32> -> vector<4096x1xf32>
    %add3A_256 = arith.addf %add3A_210, %concatenate3A_255 : vector<4096x1xf32>
    %get3A_257 = arith.constant 0 : index
    %get3A_258 = arith.constant 3072 : index
    %get3A_259 = vector.load %arg1[%get3A_257, %get3A_258] : memref<1x4096xf32, #tpu.memory_space<vmem>>, vector<1x512xf32>
    %slice3A_260 = vector.extract_strided_slice %get3A_1 {offsets = [0, 0], sizes = [3072, 1], strides = [1, 1]} : vector<4096x1xf32> to vector<3072x1xf32>
    %gt3A_261 = vector.broadcast %get3A_259 : vector<1x512xf32> to vector<3072x512xf32>
    %gt3A_262 = vector.broadcast %slice3A_260 : vector<3072x1xf32> to vector<3072x512xf32>
    %gt3A_263 = arith.cmpf ogt, %gt3A_261, %gt3A_262 : vector<3072x512xf32>
    %jit3A_264 = arith.constant 1.000000e+00 : f32
    %jit3A_265 = arith.constant 0.000000e+00 : f32
    %broadcast_in_dim3A_266 = vector.broadcast %jit3A_264 : f32 to vector<3072x512xf32>
    %broadcast_in_dim3A_267 = vector.broadcast %jit3A_265 : f32 to vector<3072x512xf32>
    %select_n3A_268 = arith.select %gt3A_263, %broadcast_in_dim3A_266, %broadcast_in_dim3A_267 : vector<3072x512xi1>, vector<3072x512xf32>
    %reduce_sum3A_269 = arith.constant dense<0.000000e+00> : vector<3072xf32>
    %reduce_sum3A_270 = vector.multi_reduction <add>, %select_n3A_268, %reduce_sum3A_269 [1] : vector<3072x512xf32> to vector<3072xf32>
    %broadcast_in_dim3A_271 = vector.shape_cast %reduce_sum3A_270 : vector<3072xf32> to vector<3072x1xf32>
    %slice3A_272 = vector.extract_strided_slice %get3A_1 {offsets = [3072, 0], sizes = [512, 1], strides = [1, 1]} : vector<4096x1xf32> to vector<512x1xf32>
    %gt3A_273 = vector.broadcast %get3A_259 : vector<1x512xf32> to vector<512x512xf32>
    %gt3A_274 = vector.broadcast %slice3A_272 : vector<512x1xf32> to vector<512x512xf32>
    %gt3A_275 = arith.cmpf ogt, %gt3A_273, %gt3A_274 : vector<512x512xf32>
    %eq3A_276 = vector.broadcast %get3A_259 : vector<1x512xf32> to vector<512x512xf32>
    %eq3A_277 = vector.broadcast %slice3A_272 : vector<512x1xf32> to vector<512x512xf32>
    %eq3A_278 = arith.cmpf oeq, %eq3A_276, %eq3A_277 : vector<512x512xf32>
    %and3A_279 = arith.andi %eq3A_278, %lt3A : vector<512x512xi1>
    %or3A_280 = arith.ori %gt3A_275, %and3A_279 : vector<512x512xi1>
    %jit3A_281 = arith.constant 1.000000e+00 : f32
    %jit3A_282 = arith.constant 0.000000e+00 : f32
    %broadcast_in_dim3A_283 = vector.broadcast %jit3A_281 : f32 to vector<512x512xf32>
    %broadcast_in_dim3A_284 = vector.broadcast %jit3A_282 : f32 to vector<512x512xf32>
    %select_n3A_285 = arith.select %or3A_280, %broadcast_in_dim3A_283, %broadcast_in_dim3A_284 : vector<512x512xi1>, vector<512x512xf32>
    %reduce_sum3A_286 = arith.constant dense<0.000000e+00> : vector<512xf32>
    %reduce_sum3A_287 = vector.multi_reduction <add>, %select_n3A_285, %reduce_sum3A_286 [1] : vector<512x512xf32> to vector<512xf32>
    %broadcast_in_dim3A_288 = vector.shape_cast %reduce_sum3A_287 : vector<512xf32> to vector<512x1xf32>
    %slice3A_289 = vector.extract_strided_slice %get3A_1 {offsets = [3584, 0], sizes = [512, 1], strides = [1, 1]} : vector<4096x1xf32> to vector<512x1xf32>
    %ge3A_290 = vector.broadcast %get3A_259 : vector<1x512xf32> to vector<512x512xf32>
    %ge3A_291 = vector.broadcast %slice3A_289 : vector<512x1xf32> to vector<512x512xf32>
    %ge3A_292 = arith.cmpf oge, %ge3A_290, %ge3A_291 : vector<512x512xf32>
    %jit3A_293 = arith.constant 1.000000e+00 : f32
    %jit3A_294 = arith.constant 0.000000e+00 : f32
    %broadcast_in_dim3A_295 = vector.broadcast %jit3A_293 : f32 to vector<512x512xf32>
    %broadcast_in_dim3A_296 = vector.broadcast %jit3A_294 : f32 to vector<512x512xf32>
    %select_n3A_297 = arith.select %ge3A_292, %broadcast_in_dim3A_295, %broadcast_in_dim3A_296 : vector<512x512xi1>, vector<512x512xf32>
    %reduce_sum3A_298 = arith.constant dense<0.000000e+00> : vector<512xf32>
    %reduce_sum3A_299 = vector.multi_reduction <add>, %select_n3A_297, %reduce_sum3A_298 [1] : vector<512x512xf32> to vector<512xf32>
    %broadcast_in_dim3A_300 = vector.shape_cast %reduce_sum3A_299 : vector<512xf32> to vector<512x1xf32>
    %concatenate3A_301 = tpu.concatenate %broadcast_in_dim3A_271, %broadcast_in_dim3A_288, %broadcast_in_dim3A_300 in 0 : vector<3072x1xf32>, vector<512x1xf32>, vector<512x1xf32> -> vector<4096x1xf32>
    %add3A_302 = arith.addf %add3A_256, %concatenate3A_301 : vector<4096x1xf32>
    %get3A_303 = arith.constant 0 : index
    %get3A_304 = arith.constant 3584 : index
    %get3A_305 = vector.load %arg1[%get3A_303, %get3A_304] : memref<1x4096xf32, #tpu.memory_space<vmem>>, vector<1x512xf32>
    %slice3A_306 = vector.extract_strided_slice %get3A_1 {offsets = [0, 0], sizes = [3584, 1], strides = [1, 1]} : vector<4096x1xf32> to vector<3584x1xf32>
    %gt3A_307 = vector.broadcast %get3A_305 : vector<1x512xf32> to vector<3584x512xf32>
    %gt3A_308 = vector.broadcast %slice3A_306 : vector<3584x1xf32> to vector<3584x512xf32>
    %gt3A_309 = arith.cmpf ogt, %gt3A_307, %gt3A_308 : vector<3584x512xf32>
    %jit3A_310 = arith.constant 1.000000e+00 : f32
    %jit3A_311 = arith.constant 0.000000e+00 : f32
    %broadcast_in_dim3A_312 = vector.broadcast %jit3A_310 : f32 to vector<3584x512xf32>
    %broadcast_in_dim3A_313 = vector.broadcast %jit3A_311 : f32 to vector<3584x512xf32>
    %select_n3A_314 = arith.select %gt3A_309, %broadcast_in_dim3A_312, %broadcast_in_dim3A_313 : vector<3584x512xi1>, vector<3584x512xf32>
    %reduce_sum3A_315 = arith.constant dense<0.000000e+00> : vector<3584xf32>
    %reduce_sum3A_316 = vector.multi_reduction <add>, %select_n3A_314, %reduce_sum3A_315 [1] : vector<3584x512xf32> to vector<3584xf32>
    %broadcast_in_dim3A_317 = vector.shape_cast %reduce_sum3A_316 : vector<3584xf32> to vector<3584x1xf32>
    %slice3A_318 = vector.extract_strided_slice %get3A_1 {offsets = [3584, 0], sizes = [512, 1], strides = [1, 1]} : vector<4096x1xf32> to vector<512x1xf32>
    %gt3A_319 = vector.broadcast %get3A_305 : vector<1x512xf32> to vector<512x512xf32>
    %gt3A_320 = vector.broadcast %slice3A_318 : vector<512x1xf32> to vector<512x512xf32>
    %gt3A_321 = arith.cmpf ogt, %gt3A_319, %gt3A_320 : vector<512x512xf32>
    %eq3A_322 = vector.broadcast %get3A_305 : vector<1x512xf32> to vector<512x512xf32>
    %eq3A_323 = vector.broadcast %slice3A_318 : vector<512x1xf32> to vector<512x512xf32>
    %eq3A_324 = arith.cmpf oeq, %eq3A_322, %eq3A_323 : vector<512x512xf32>
    %and3A_325 = arith.andi %eq3A_324, %lt3A : vector<512x512xi1>
    %or3A_326 = arith.ori %gt3A_321, %and3A_325 : vector<512x512xi1>
    %jit3A_327 = arith.constant 1.000000e+00 : f32
    %jit3A_328 = arith.constant 0.000000e+00 : f32
    %broadcast_in_dim3A_329 = vector.broadcast %jit3A_327 : f32 to vector<512x512xf32>
    %broadcast_in_dim3A_330 = vector.broadcast %jit3A_328 : f32 to vector<512x512xf32>
    %select_n3A_331 = arith.select %or3A_326, %broadcast_in_dim3A_329, %broadcast_in_dim3A_330 : vector<512x512xi1>, vector<512x512xf32>
    %reduce_sum3A_332 = arith.constant dense<0.000000e+00> : vector<512xf32>
    %reduce_sum3A_333 = vector.multi_reduction <add>, %select_n3A_331, %reduce_sum3A_332 [1] : vector<512x512xf32> to vector<512xf32>
    %broadcast_in_dim3A_334 = vector.shape_cast %reduce_sum3A_333 : vector<512xf32> to vector<512x1xf32>
    %concatenate3A_335 = tpu.concatenate %broadcast_in_dim3A_317, %broadcast_in_dim3A_334 in 0 : vector<3584x1xf32>, vector<512x1xf32> -> vector<4096x1xf32>
    %add3A_336 = arith.addf %add3A_302, %concatenate3A_335 : vector<4096x1xf32>
    %iota3A_337 = tpu.iota {dimensions = array<i32: 0>} : vector<4096x1xi32>
    %convert_element_type3A = arith.sitofp %iota3A_337 : vector<4096x1xi32> to vector<4096x1xf32>
    %iota3A_338 = tpu.iota {dimensions = array<i32: 1>} : vector<4096x512xi32>
    %add3A_339 = arith.constant 0 : i32
    %add3A_340 = vector.broadcast %add3A_339 : i32 to vector<4096x512xi32>
    %add3A_341 = arith.addi %iota3A_338, %add3A_340 : vector<4096x512xi32>
    %convert_element_type3A_342 = arith.sitofp %add3A_341 : vector<4096x512xi32> to vector<4096x512xf32>
    %eq3A_343 = vector.broadcast %add3A_336 : vector<4096x1xf32> to vector<4096x512xf32>
    %eq3A_344 = arith.cmpf oeq, %eq3A_343, %convert_element_type3A_342 : vector<4096x512xf32>
    %jit3A_345 = arith.constant 0.000000e+00 : f32
    %broadcast_in_dim3A_346 = vector.shape_cast %convert_element_type3A : vector<4096x1xf32> to vector<4096x1xf32>
    %broadcast_in_dim3A_347 = vector.broadcast %broadcast_in_dim3A_346 : vector<4096x1xf32> to vector<4096x512xf32>
    %broadcast_in_dim3A_348 = vector.broadcast %jit3A_345 : f32 to vector<4096x512xf32>
    %select_n3A_349 = arith.select %eq3A_344, %broadcast_in_dim3A_347, %broadcast_in_dim3A_348 : vector<4096x512xi1>, vector<4096x512xf32>
    %reduce_sum3A_350 = arith.constant dense<0.000000e+00> : vector<512xf32>
    %reduce_sum3A_351 = vector.multi_reduction <add>, %select_n3A_349, %reduce_sum3A_350 [0] : vector<4096x512xf32> to vector<512xf32>
    %broadcast_in_dim3A_352 = vector.shape_cast %reduce_sum3A_351 : vector<512xf32> to vector<1x512xf32>
    %convert_element_type3A_353 = arith.fptosi %broadcast_in_dim3A_352 : vector<1x512xf32> to vector<1x512xi32>
    %swap3A = arith.constant 0 : index
    %swap3A_354 = arith.constant 0 : index
    %swap3A_355 = vector.load %arg2[%swap3A, %swap3A_354] : memref<1x2048xi32, #tpu.memory_space<vmem>>, vector<1x512xi32>
    tpu.vector_store %arg2[%swap3A, %swap3A_354], %convert_element_type3A_353 {strides = array<i32>} : memref<1x2048xi32, #tpu.memory_space<vmem>>, vector<1x512xi32>,
    %iota3A_356 = tpu.iota {dimensions = array<i32: 1>} : vector<4096x512xi32>
    %add3A_357 = arith.constant 512 : i32
    %add3A_358 = vector.broadcast %add3A_357 : i32 to vector<4096x512xi32>
    %add3A_359 = arith.addi %iota3A_356, %add3A_358 : vector<4096x512xi32>
    %convert_element_type3A_360 = arith.sitofp %add3A_359 : vector<4096x512xi32> to vector<4096x512xf32>
    %eq3A_361 = vector.broadcast %add3A_336 : vector<4096x1xf32> to vector<4096x512xf32>
    %eq3A_362 = arith.cmpf oeq, %eq3A_361, %convert_element_type3A_360 : vector<4096x512xf32>
    %jit3A_363 = arith.constant 0.000000e+00 : f32
    %broadcast_in_dim3A_364 = vector.shape_cast %convert_element_type3A : vector<4096x1xf32> to vector<4096x1xf32>
    %broadcast_in_dim3A_365 = vector.broadcast %broadcast_in_dim3A_364 : vector<4096x1xf32> to vector<4096x512xf32>
    %broadcast_in_dim3A_366 = vector.broadcast %jit3A_363 : f32 to vector<4096x512xf32>
    %select_n3A_367 = arith.select %eq3A_362, %broadcast_in_dim3A_365, %broadcast_in_dim3A_366 : vector<4096x512xi1>, vector<4096x512xf32>
    %reduce_sum3A_368 = arith.constant dense<0.000000e+00> : vector<512xf32>
    %reduce_sum3A_369 = vector.multi_reduction <add>, %select_n3A_367, %reduce_sum3A_368 [0] : vector<4096x512xf32> to vector<512xf32>
    %broadcast_in_dim3A_370 = vector.shape_cast %reduce_sum3A_369 : vector<512xf32> to vector<1x512xf32>
    %convert_element_type3A_371 = arith.fptosi %broadcast_in_dim3A_370 : vector<1x512xf32> to vector<1x512xi32>
    %swap3A_372 = arith.constant 0 : index
    %swap3A_373 = arith.constant 512 : index
    %swap3A_374 = vector.load %arg2[%swap3A_372, %swap3A_373] : memref<1x2048xi32, #tpu.memory_space<vmem>>, vector<1x512xi32>
    tpu.vector_store %arg2[%swap3A_372, %swap3A_373], %convert_element_type3A_371 {strides = array<i32>} : memref<1x2048xi32, #tpu.memory_space<vmem>>, vector<1x512xi32>,
    %iota3A_375 = tpu.iota {dimensions = array<i32: 1>} : vector<4096x512xi32>
    %add3A_376 = arith.constant 1024 : i32
    %add3A_377 = vector.broadcast %add3A_376 : i32 to vector<4096x512xi32>
    %add3A_378 = arith.addi %iota3A_375, %add3A_377 : vector<4096x512xi32>
    %convert_element_type3A_379 = arith.sitofp %add3A_378 : vector<4096x512xi32> to vector<4096x512xf32>
    %eq3A_380 = vector.broadcast %add3A_336 : vector<4096x1xf32> to vector<4096x512xf32>
    %eq3A_381 = arith.cmpf oeq, %eq3A_380, %convert_element_type3A_379 : vector<4096x512xf32>
    %jit3A_382 = arith.constant 0.000000e+00 : f32
    %broadcast_in_dim3A_383 = vector.shape_cast %convert_element_type3A : vector<4096x1xf32> to vector<4096x1xf32>
    %broadcast_in_dim3A_384 = vector.broadcast %broadcast_in_dim3A_383 : vector<4096x1xf32> to vector<4096x512xf32>
    %broadcast_in_dim3A_385 = vector.broadcast %jit3A_382 : f32 to vector<4096x512xf32>
    %select_n3A_386 = arith.select %eq3A_381, %broadcast_in_dim3A_384, %broadcast_in_dim3A_385 : vector<4096x512xi1>, vector<4096x512xf32>
    %reduce_sum3A_387 = arith.constant dense<0.000000e+00> : vector<512xf32>
    %reduce_sum3A_388 = vector.multi_reduction <add>, %select_n3A_386, %reduce_sum3A_387 [0] : vector<4096x512xf32> to vector<512xf32>
    %broadcast_in_dim3A_389 = vector.shape_cast %reduce_sum3A_388 : vector<512xf32> to vector<1x512xf32>
    %convert_element_type3A_390 = arith.fptosi %broadcast_in_dim3A_389 : vector<1x512xf32> to vector<1x512xi32>
    %swap3A_391 = arith.constant 0 : index
    %swap3A_392 = arith.constant 1024 : index
    %swap3A_393 = vector.load %arg2[%swap3A_391, %swap3A_392] : memref<1x2048xi32, #tpu.memory_space<vmem>>, vector<1x512xi32>
    tpu.vector_store %arg2[%swap3A_391, %swap3A_392], %convert_element_type3A_390 {strides = array<i32>} : memref<1x2048xi32, #tpu.memory_space<vmem>>, vector<1x512xi32>,
    %iota3A_394 = tpu.iota {dimensions = array<i32: 1>} : vector<4096x512xi32>
    %add3A_395 = arith.constant 1536 : i32
    %add3A_396 = vector.broadcast %add3A_395 : i32 to vector<4096x512xi32>
    %add3A_397 = arith.addi %iota3A_394, %add3A_396 : vector<4096x512xi32>
    %convert_element_type3A_398 = arith.sitofp %add3A_397 : vector<4096x512xi32> to vector<4096x512xf32>
    %eq3A_399 = vector.broadcast %add3A_336 : vector<4096x1xf32> to vector<4096x512xf32>
    %eq3A_400 = arith.cmpf oeq, %eq3A_399, %convert_element_type3A_398 : vector<4096x512xf32>
    %jit3A_401 = arith.constant 0.000000e+00 : f32
    %broadcast_in_dim3A_402 = vector.shape_cast %convert_element_type3A : vector<4096x1xf32> to vector<4096x1xf32>
    %broadcast_in_dim3A_403 = vector.broadcast %broadcast_in_dim3A_402 : vector<4096x1xf32> to vector<4096x512xf32>
    %broadcast_in_dim3A_404 = vector.broadcast %jit3A_401 : f32 to vector<4096x512xf32>
    %select_n3A_405 = arith.select %eq3A_400, %broadcast_in_dim3A_403, %broadcast_in_dim3A_404 : vector<4096x512xi1>, vector<4096x512xf32>
    %reduce_sum3A_406 = arith.constant dense<0.000000e+00> : vector<512xf32>
    %reduce_sum3A_407 = vector.multi_reduction <add>, %select_n3A_405, %reduce_sum3A_406 [0] : vector<4096x512xf32> to vector<512xf32>
    %broadcast_in_dim3A_408 = vector.shape_cast %reduce_sum3A_407 : vector<512xf32> to vector<1x512xf32>
    %convert_element_type3A_409 = arith.fptosi %broadcast_in_dim3A_408 : vector<1x512xf32> to vector<1x512xi32>
    %swap3A_410 = arith.constant 0 : index
    %swap3A_411 = arith.constant 1536 : index
    %swap3A_412 = vector.load %arg2[%swap3A_410, %swap3A_411] : memref<1x2048xi32, #tpu.memory_space<vmem>>, vector<1x512xi32>
    tpu.vector_store %arg2[%swap3A_410, %swap3A_411], %convert_element_type3A_409 {strides = array<i32>} : memref<1x2048xi32, #tpu.memory_space<vmem>>, vector<1x512xi32>,
    return
  }
}

</mosaic_0001>

<sc_bundles>
// kernel: kernel.5.cloned.1.call-start
scs
__scs_entry_jumppad:
0x0: {  	(pc) =	sbr.rel $0x88, $3  }
0x1: {  	(tag) =	ssettag $0x0;
	lr =	simm.s32 $0x1  }
0x2: {  	[smem:$0x3F9D] =	sst lr;
	_ =	strace $0xD0000000  }
0x3: {  	_ = 	snop  }
0x4: {  	_ = 	snop  }
0x5: {  	_ = 	snop  }
0x6: {  	_ = 	snop  }
0x7: {  	_ = 	snop  }
__scs_overlays_trampoline_lowered:
0x8: {  	[smem:$0x3FAC] =	sst s0  }
0x9: {  	[smem:$0x3FAD] =	sst s1  }
0xa: {  	[smem:$0x3FAE] =	sst s2  }
0xb: {  	[smem:$0x3FAF] =	sst s3  }
0xc: {  	[smem:$0x3FB0] =	sst s4  }
0xd: {  	[smem:$0x3FB1] =	sst s5  }
0xe: {  	[smem:$0x3FB2] =	sst s6  }
0xf: {  	[smem:$0x3FB3] =	sst s7  }
0x10: {  	[smem:$0x3FB4] =	sst s8  }
0x11: {  	[smem:$0x3FB5] =	sst s9;
	s0 =	simm.s32 @!p0 $0x0  }
0x12: {  	s1 =	sld [smem:$0x3F9B];
	s0 =	simm.s32 @p0 $0x1  }
0x13: {  	[smem:$0x3FB6] =	sst s0;
	s0 =	simm.s32 @!p1 $0x0  }
0x14: {  	s2 =	sld [smem:$0x3F9A];
	s0 =	simm.s32 @p1 $0x1  }
0x15: {  	[smem:$0x3FB7] =	sst s0;
	s0 =	simm.s32 @!p2 $0x0  }
0x16: {  	s3 =	sld [smem:$0x3FDB];
	s0 =	simm.s32 @p2 $0x1  }
0x17: {  	s4 =	simm.s32 $0x1BF5;
	[smem:$0x3FB9] =	sst s0  }
0x18: {  	s0 =	sld [smem:$0x3F9C];
	_ =	swait.ge [sflag:s4], $0x0  }
0x19: {  	s7 =	sld [smem:$0x3F9D]  }
0x1a: {  	s8 =	sadd.s32 $0xFFFFE003, lr  }
0x1b: {  	s9 =	sadd.s32 $0xFFFFFEF7, lr;
	s5 =	simm.s32 $0xFFFFFFFF;
	p2 =	slt.u32 s8, $0xFFFFF086  }
0x1c: {  	p1 =	slt.u32 s9, $0xF7A;
	s5 =	simm.s32 @!p2 $0x0  }
0x1d: {  	s5 =	simm.s32 @p1 $0x1;
	p0 =	seq.s32 s7, s2  }
0x1e: {  	s7 =	smul.u32 @!p0 $0xF7A, s2;
	p2 =	seq.s32 @!p0 s5, $0x0  }
0x1f: {  	s9 =	smul.u32 $0xF7A, s1;
	s8 =	simm.s32 @!p0 $0x1BF5;
	p2 =	por !p2, p0  }
0x20: {  	[sflag:s8] =	ssyncset.s32 @!p0 $0xFFFFF086;
	s6 =	sadd.s32 @!p0 s3, s7;
	s7 =	simm.s32 @!p0 $0x108  }
0x21: {  	s3 =	sadd.s32 s3, s9;
	s6 =	sadd.s32 @!p0 $0x88, s6;
	s7 =	simm.s32 @p2 $0x1082  }
0x22: {  	[simem:s7], [sflag:s8] =	dma.local @!p0 [hbm:s6], $0xF7A  }
0x23: {  	s9 =	sor.u32 $0xD0000000, s2;
	s6 =	simm.s32 $0x108;
	_ =	swait.ge @!p0 [sflag:s8], $0x0  }
0x24: {  	s3 =	sadd.s32 $0x88, s3;
	s6 =	simm.s32 @!p1 $0x1082;
	[sflag:s4] =	ssyncset.s32 $0xFFFFF086  }
0x25: {  	[simem:s6], [sflag:s4] =	dma.local [hbm:s3], $0xF7A  }
0x26: {  	[smem:$0x3F9D] =	sst s1;
	(tag) =	ssettag s2;
	_ =	strace s9  }
0x27: {  	s1 =	sld [smem:$0x3FAD]  }
0x28: {  	s2 =	sld [smem:$0x3FAE]  }
0x29: {  	s4 =	sld [smem:$0x3FB0]  }
0x2a: {  	p0 =	seq.s32 s5, $0x0;
	s5 =	sld [smem:$0x3FB1]  }
0x2b: {  	s6 =	sld [smem:$0x3FB2]  }
0x2c: {  	s7 =	sld [smem:$0x3FB3]  }
0x2d: {  	s3 =	simm.s32 $0x108;
	s8 =	sld [smem:$0x3FB4]  }
0x2e: {  	s3 =	simm.s32 @!p0 $0x1082;
	s9 =	sld [smem:$0x3FB5]  }
0x2f: {  	lr =	sadd.s32 s0, s3;
	s0 =	sld [smem:$0x3FAC]  }
0x30: {  	s3 =	sld [smem:$0x3FAF]  }
0x31: {  	[smem:$0x3FB8] =	sst s10  }
0x32: {  	s10 =	sld [smem:$0x3FB6];
	_ =	sdelay $0x3  }
0x33: {  	p0 =	seq.s32 s10, $0x1;
	s10 =	sld [smem:$0x3FB8];
	_ =	sdelay $0x3  }
0x34: {  	[smem:$0x3FB8] =	sst s10  }
0x35: {  	s10 =	sld [smem:$0x3FB7];
	_ =	sdelay $0x3  }
0x36: {  	p1 =	seq.s32 s10, $0x1;
	s10 =	sld [smem:$0x3FB8];
	_ =	sdelay $0x3  }
0x37: {  	[smem:$0x3FB8] =	sst s10  }
0x38: {  	s10 =	sld [smem:$0x3FB9]  }
0x39: {  	_ = 	snop;
	(pc) =	sbr.ind lr, $3  }
0x3a: {  	_ = 	snop  }
0x3b: {  	_ = 	snop  }
0x3c: {  	p2 =	seq.s32 s10, $0x1;
	s10 =	sld [smem:$0x3FB8]  }
0x3d: {  	_ =	shalt  }
0x3e: {  	_ =	shalt  }
0x3f: {  	_ =	shalt  }
0x40: {  	_ =	shalt  }
0x41: {  	_ =	shalt  }
0x42: {  	_ =	shalt  }
0x43: {  	_ =	shalt  }
0x44: {  	_ =	shalt  }
0x45: {  	_ =	shalt  }
0x46: {  	_ =	shalt  }
0x47: {  	_ =	shalt  }
0x48: {  	_ =	shalt  }
0x49: {  	_ =	shalt  }
0x4a: {  	_ =	shalt  }
0x4b: {  	_ =	shalt  }
0x4c: {  	_ =	shalt  }
0x4d: {  	_ =	shalt  }
0x4e: {  	_ =	shalt  }
0x4f: {  	_ =	shalt  }
0x50: {  	_ =	shalt  }
0x51: {  	_ =	shalt  }
0x52: {  	_ =	shalt  }
0x53: {  	_ =	shalt  }
0x54: {  	_ =	shalt  }
0x55: {  	_ =	shalt  }
0x56: {  	_ =	shalt  }
0x57: {  	_ =	shalt  }
0x58: {  	_ =	shalt  }
0x59: {  	_ =	shalt  }
0x5a: {  	_ =	shalt  }
0x5b: {  	_ =	shalt  }
0x5c: {  	_ =	shalt  }
0x5d: {  	_ =	shalt  }
0x5e: {  	_ =	shalt  }
0x5f: {  	_ =	shalt  }
0x60: {  	_ =	shalt  }
0x61: {  	_ =	shalt  }
0x62: {  	_ =	shalt  }
0x63: {  	_ =	shalt  }
0x64: {  	_ =	shalt  }
0x65: {  	_ =	shalt  }
0x66: {  	_ =	shalt  }
0x67: {  	_ =	shalt  }
0x68: {  	_ =	shalt  }
0x69: {  	_ =	shalt  }
0x6a: {  	_ =	shalt  }
0x6b: {  	_ =	shalt  }
0x6c: {  	_ =	shalt  }
0x6d: {  	_ =	shalt  }
0x6e: {  	_ =	shalt  }
0x6f: {  	_ =	shalt  }
0x70: {  	_ =	shalt  }
0x71: {  	_ =	shalt  }
0x72: {  	_ =	shalt  }
0x73: {  	_ =	shalt  }
0x74: {  	_ =	shalt  }
0x75: {  	_ =	shalt  }
0x76: {  	_ =	shalt  }
0x77: {  	_ =	shalt  }
0x78: {  	_ =	shalt  }
0x79: {  	_ =	shalt  }
0x7a: {  	_ =	shalt  }
0x7b: {  	_ =	shalt  }
0x7c: {  	_ =	shalt  }
0x7d: {  	_ =	shalt  }
0x7e: {  	_ =	shalt  }
0x7f: {  	_ =	shalt  }
0x80: {  	_ =	shalt  }
0x81: {  	_ =	shalt  }
0x82: {  	_ =	shalt  }
0x83: {  	_ =	shalt  }
0x84: {  	_ =	shalt  }
0x85: {  	_ =	shalt  }
0x86: {  	_ =	shalt  }
0x87: {  	_ =	shalt  }
.Lfunc_end0:
.L_simem_size_0:
called_computation_lowered:
.L_overlay_start_0:
0x88: {  	s2 =	sld [smem:$0x3FD9]  }
0x89: {  	s3 =	sld [smem:$0x3FFE];
	_ =	sdelay $0x1  }
0x8a: {  	s1 =	srdreg.scid  }
0x8b: {  	s0 =	sand.u32 $0x1, s1  }
0x8c: {  	s14 =	sshll.u32 s0, $0xA;
	s2 =	sadd.s32 s3, s2  }
0x8d: {  	s2 =	sadd.s32 s2, s14  }
0x8e: {  	[smem:$0x3FC4] =	sst s2  }
0x8f: {  	_ = 	snop  }
0x90: {  	s2 =	sld [smem:$0x3FD0];
	_ =	sdelay $0x1  }
0x91: {  	s15 =	sld [smem:$0x3FC9]  }
0x92: {  	s5 =	simm.s32 $0xA;
	s6 =	simm.s32 $0x10;
	s4 =	sld [smem:$0x3FC8]  }
0x93: {  	[smem:s6], [sflag:s5] =	dma.local [hbm:s2], $0x1  }
0x94: {  	_ =	swait.eq [sflag:s5], $0x1  }
0x95: {  	s16 =	sld [smem:$0x10];
	[sflag:s5] =	ssyncset.done $0x0  }
0x96: {  	s17 =	sld [smem:$0x11];
	[sflag:s5] =	ssyncadd.s32 $0xFFFFFFFF  }
0x97: {  	s18 =	sld [smem:$0x12];
	(tm) =	ssettm $0x1  }
0x98: {  	s7 =	sld [smem:$0x3FFB];
	_ =	sdelay $0x3  }
0x99: {  	_ =	strace s7  }
0x9a: {  	s7 =	sld [smem:$0x3FFC];
	_ =	sdelay $0x3  }
0x9b: {  	_ =	strace s7  }
0x9c: {  	s7 =	sld [smem:$0x3FFD];
	_ =	sdelay $0x3  }
0x9d: {  	_ =	strace s7  }
0x9e: {  	_ =	strace $0x8FFFFFFF  }
0x9f: {  	s19 =	sld [smem:$0x3FDB];
	_ =	sdelay $0x1  }
0xa0: {  	s8 =	simm.s32 $_scs_section_size  }
0xa1: {  	s9 =	simm.s32 $_size__tile_overlayer_lowered;
	s10 =	simm.s32 $_tile_overlayer_lowered  }
0xa2: {  	s22 =	simm.s32 $0x1BFF;
	s21 =	sshll.u32 s10, $0x1;
	s7 =	sadd.s32 s8, s19  }
0xa3: {  	s11 =	simm.s32 $0x0;
	s20 =	sshll.u32 s9, $0x1;
	s9 =	sadd.s32 s21, s7  }
0xa4: {  	[timem:s11], [sflag:s22] =	dma.local [hbm:s9], s20  }
0xa5: {  	_ =	swait.ge [sflag:s22], s20  }
0xa6: {  	s8 =	ssub.s32 $0x0, s20;
	[sflag:s22] =	ssyncset.done $0x0  }
0xa7: {  	[sflag:s22] =	ssyncadd.s32 s8;
	_ =	sdelay $0x1  }
0xa8: {  	s23 =	simm.s32 $0x1B8B  }
0xa9: {  	_ =	swait.ge [sflag:s23], $0x1  }
0xaa: {  	[sflag:s23] =	ssyncset.done $0x0  }
0xab: {  	s25 =	simm.s32 $0x1B8E;
	s24 =	sld [smem:$0x3FFE];
	[sflag:s23] =	ssyncadd.s32 $0xFFFFFFFF  }
0xac: {  	s26 =	simm.s32 $execute0_lowered;
	[smem:$0x3FD2] =	sst s25  }
0xad: {  	s9 =	sshll.u32 s26, $0x1;
	_ =	strace $0x80000046;
	[dreg:$0x1] =	wrdreg $0xFFFFFFFF  }
0xae: {  	s28 =	simm.s32 $_size_execute0_lowered;
	s7 =	sadd.s32 s7, s9;
	[dreg:$0x0] =	wrdreg $0x0  }
0xaf: {  	s9 =	sshll.u32 s28, $0x1;
	[dreg:$0x2] =	wrdreg s7  }
0xb0: {  	[dreg:$0x3] =	wrdreg s9  }
0xb1: {  	[dreg:$0x4] =	wrdreg $0xC0  }
0xb2: {  	_ =	task [dreg:s11], $0x5FFFF  }
0xb3: {  	[dreg:$0x1] =	wrdreg $0xFFFFFFFF  }
0xb4: {  	[dreg:$0x0] =	wrdreg $0x60  }
0xb5: {  	[dreg:$0x2] =	wrdreg s15  }
0xb6: {  	[dreg:$0x3] =	wrdreg s4  }
0xb7: {  	[dreg:$0x4] =	wrdreg s18  }
0xb8: {  	[dreg:$0x5] =	wrdreg s24  }
0xb9: {  	[dreg:$0x6] =	wrdreg s16  }
0xba: {  	[dreg:$0x7] =	wrdreg s17  }
0xbb: {  	[dreg:$0x8] =	wrdreg $0x9  }
0xbc: {  	_ =	task.clear_ibuf [dreg:s11], $0x9FFFF;
	_ =	strace $0x90000046  }
0xbd: {  	s29 =	simm.s32 $0x9;
	_ =	strace $0x80000048  }
0xbe: {  	_ =	swait.ge [sflag:s29], $0x1  }
0xbf: {  	[sflag:s29] =	ssyncadd.s32 $0xFFFFFFFF  }
0xc0: {  	_ =	strace $0x90000048  }
0xc1: {  	_ =	sfence  }
0xc2: {  	s30 =	sld [smem:$0x0];
	_ =	sdelay $0x2  }
0xc3: {  	s31 =	sshll.u32 s1, $0xD;
	s1 =	sshrl.u32 s1, $0x2  }
0xc4: {  	s3 =	sand.u32 $0x4000, s31;
	s1 =	sadd.s32 s1, s30  }
0xc5: {  	s0 =	sor.u32 s3, s0;
	s1 =	sshll.u32 s1, $0x11  }
0xc6: {  	s0 =	sor.u32 s1, s0  }
0xc7: {  	s0 =	sadd.s32 $0x8F2B, s0  }
0xc8: {  	[sflag:s0] =	ssyncadd.remote.s32 $0x1  }
0xc9: {  	_ =	sfence.sel $0xFFFF  }
0xca: {  	[dreg:$0x0] =	wrdreg $0xFFFFFFFF;
	(pc) =	sbr.abs _section_cstart, $3  }
0xcb: {  	[dreg:$0x1] =	wrdreg $0xFFFFFFFF  }
0xcc: {  	_ =	task.clear_ibuf [dreg:s11], $0x2FFFF;
	_ =	strace $0x9FFFFFFF  }
0xcd: {  	(tm) =	ssettm $0x7FFFFFFF  }
tec
execute0_lowered:
.L_overlay_start_1:
0x0: {  	(tag) =	ssettag $0x1  }
0x1: {  	s7 =	rddreg [dreg:$0x0]  }
0x2: {  	s8 =	rddreg [dreg:$0x1]  }
0x3: {  	s0 =	rddreg [dreg:$0x3]  }
0x4: {  	s1 =	rddreg [dreg:$0x4]  }
0x5: {  	s2 =	rddreg [dreg:$0x5]  }
0x6: {  	s3 =	srdreg.scid;
	s4 =	stileid.u32;
	s5 =	simm.s32 $0x0  }
0x7: {  	s30 =	simm.s32 $0x1CC00;
	[smem:$0x7FF] =	sst s5;
	s18 =	sadd.s32 $0x100, s8  }
0x8: {  	s19 =	sadd.s32 $0x100, s7;
	_ =	strace $0x80000047;
	[dreg:$0xa] =	wrdreg s18  }
0x9: {  	s31 =	simm.s32 $0x10C00;
	s20 =	sadd.s32 $0x200, s7;
	[dreg:$0xb] =	wrdreg s19  }
0xa: {  	s3 =	sand.u32 $0x1, s3;
	s21 =	sadd.s32 $0x300, s7;
	[dreg:$0xc] =	wrdreg s20  }
0xb: {  	s4 =	sshll.u32 s4, $0x1;
	s22 =	sadd.s32 $0x400, s7;
	[dreg:$0xd] =	wrdreg s21  }
0xc: {  	s23 =	sadd.s32 $0x500, s7;
	s24 =	sadd.s32 $0x600, s7;
	[dreg:$0xe] =	wrdreg s22  }
0xd: {  	s25 =	sadd.s32 $0x700, s7;
	s28 =	sadd.s32 $0xF00, s7;
	[dreg:$0xf] =	wrdreg s23  }
0xe: {  	s4 =	sor.u32 s3, s4;
	s3 =	ssub.s32 $0x2, s3;
	[dreg:$0x10] =	wrdreg s24  }
0xf: {  	[dreg:$0x11] =	wrdreg s25;
	s18 =	sadd.s32 $0x900, s7;
	s19 =	sadd.s32 $0xA00, s7  }
0x10: {  	s20 =	sadd.s32 $0xB00, s7;
	s22 =	sadd.s32 $0xC00, s7;
	s24 =	sadd.s32 $0xD00, s7  }
0x11: {  	s6 =	sshll.u32 s4, $0x7;
	s15 =	sshrl.u32 s3, $0x1;
	s17 =	sshll.u32 s4, $0x6  }
0x12: {  	s26 =	sshll.u32 s4, $0xE;
	s29 =	sshll.u32 s4, $0xC;
	s4 =	simm.s32 $0x8C00  }
0x13: {  	s6 =	sadd.s32 s6, s0;
	s0 =	sadd.s32 $0xA00, s0;
	[dreg:$0x9] =	wrdreg s17  }
0x14: {  	s17 =	sadd.s32 $0x800, s7;
	s1 =	sadd.s32 s1, s26;
	[dreg:$0x7] =	wrdreg s0  }
0x15: {  	s26 =	sadd.s32 $0xE00, s7;
	s16 =	sadd.s32 $0xC00, s6;
	[dreg:$0x12] =	wrdreg s1  }
0x16: {  	v2 =	vlaneseq.u32;
	s0 =	ssub.s32 s3, s15;
	s1 =	sadd.s32 s2, s29;
	[dreg:$0x8] =	wrdreg s16  }
0x17: {  	vm0 =	vmmov $0xffff;
	v1 =	vshrl.u32 v2, $0x3;
	s3 =	simm.s32 $0xC00;
	[dreg:$0x13] =	wrdreg s1;
	s0 =	smax.u32 s0, $0x1  }
0x18: {  	v0 =	vand.u32 $0x7, v2;
	v2 =	vor.u32 $0x8, v2;
	v1 =	vmul.u32 $0x8, v1;
	s2 =	simm.s32 $0x0;
	s1 =	simm.s32 $0x5;
	[dreg:$0x14] =	wrdreg s0  }
.LBB2_1:
0x19: {  	[dreg:$0x15] =	wrdreg s2  }
0x1a: {  	s0 =	rddreg [dreg:$0x2]  }
0x1b: {  	[tilespmem:s5], [sflag:$0x5] =	stream.linear.gather [hbm4b:s0+s5], $0x800, $0x38;
	[tilespmem:$0x1D480] =	vst v63  }
0x1c: {  	_ =	swait.ge [sflag:s1], $0x800  }
0x1d: {  	[sflag:s1] =	ssyncset.done $0x0  }
0x1e: {  	s11 =	rddreg [dreg:$0x7];
	[sflag:s1] =	ssyncadd.s32 $0xFFFFF800  }
0x1f: {  	[tilespmem:s30], [sflag:$0x5] =	stream.linear.gather [hbm4b:s11+s5], $0x880, $0x38;
	[tilespmem:$0x1D480] =	vst v63  }
0x20: {  	_ =	swait.ge [sflag:s1], $0x880  }
0x21: {  	[sflag:s1] =	ssyncset.done $0x0  }
0x22: {  	s13 =	simm.s32 $0x800;
	s12 =	rddreg [dreg:$0x8];
	[sflag:s1] =	ssyncadd.s32 $0xFFFFF780  }
0x23: {  	[tilespmem:s13], [sflag:$0x5] =	stream.linear.gather [hbm4b:s12+s5], $0x400, $0x38;
	[tilespmem:$0x1D480] =	vst v63  }
0x24: {  	_ =	swait.ge [sflag:s1], $0x400  }
0x25: {  	[sflag:s1] =	ssyncset.done $0x0  }
0x26: {  	s14 =	rddreg [dreg:$0x9];
	[sflag:s1] =	ssyncadd.s32 $0xFFFFFC00  }
0x27: {  	v3 =	vld [tilespmem:s14+$0x0];
	_ =	sdelay $0x4  }
0x28: {  	v4 =	vshll.u32 v3, $0x2  }
0x29: {  	v3 =	vand.u32 $0x7, v3;
	v4 =	vand.u32 $0xFFFFFFE0, v4  }
0x2a: {  	v3 =	vor.u32 v3, v4  }
0x2b: {  	v4 =	vperm.xlane v3, v0;
	_ =	sdelay $0x1  }
0x2c: {  	v4 =	vadd.s32 v1, v4;
	_ =	sdelay $0x1  }
0x2d: {  	v3 =	vperm.xlane v3, v2;
	_ =	sdelay $0x1  }
0x2e: {  	s15 =	rddreg [dreg:$0x1];
	v3 =	vadd.s32 v1, v3  }
0x2f: {  	[tilespmem:s3], [sflag:$0x1] =	stream.indirect_vreg.gather [hbm4b:s15+s5], $0x80, v4, vm0, $0xb8;
	[tilespmem:$0x1D480] =	vst v63  }
0x30: {  	s16 =	simm.s32 $0x1400;
	s2 =	rddreg [dreg:$0xa]  }
0x31: {  	[tilespmem:s16], [sflag:$0x1] =	stream.indirect_vreg.gather [hbm4b:s2+s5], $0x80, v4, vm0, $0xb8;
	[tilespmem:$0x1D480] =	vst v63  }
0x32: {  	s21 =	simm.s32 $0x1C00  }
0x33: {  	[tilespmem:s21], [sflag:$0x1] =	stream.indirect_vreg.gather [hbm4b:s15+s5], $0x80, v3, vm0, $0xb8;
	[tilespmem:$0x1D480] =	vst v63  }
0x34: {  	s23 =	simm.s32 $0x2400  }
0x35: {  	[tilespmem:s23], [sflag:$0x1] =	stream.indirect_vreg.gather [hbm4b:s2+s5], $0x80, v3, vm0, $0xb8;
	[tilespmem:$0x1D480] =	vst v63  }
0x36: {  	v3 =	vld [tilespmem:s14+$0x10];
	_ =	sdelay $0x4  }
0x37: {  	v60 =	vshll.u32 v3, $0x2  }
0x38: {  	v3 =	vand.u32 $0x7, v3;
	v4 =	vand.u32 $0xFFFFFFE0, v60  }
0x39: {  	v3 =	vor.u32 v3, v4  }
0x3a: {  	v4 =	vperm.xlane v3, v0;
	_ =	sdelay $0x1  }
0x3b: {  	v4 =	vadd.s32 v1, v4;
	_ =	sdelay $0x1  }
0x3c: {  	v3 =	vperm.xlane v3, v2;
	_ =	sdelay $0x1  }
0x3d: {  	s25 =	simm.s32 $0x2C00;
	v3 =	vadd.s32 v1, v3  }
0x3e: {  	[tilespmem:s25], [sflag:$0x1] =	stream.indirect_vreg.gather [hbm4b:s15+s5], $0x80, v4, vm0, $0xb8;
	[tilespmem:$0x1D480] =	vst v63  }
0x3f: {  	s29 =	simm.s32 $0x3400  }
0x40: {  	[tilespmem:s29], [sflag:$0x1] =	stream.indirect_vreg.gather [hbm4b:s2+s5], $0x80, v4, vm0, $0xb8;
	[tilespmem:$0x1D480] =	vst v63  }
0x41: {  	s6 =	simm.s32 $0x3C00  }
0x42: {  	[tilespmem:s6], [sflag:$0x1] =	stream.indirect_vreg.gather [hbm4b:s15+s5], $0x80, v3, vm0, $0xb8;
	[tilespmem:$0x1D480] =	vst v63  }
0x43: {  	s7 =	simm.s32 $0x4400  }
0x44: {  	[tilespmem:s7], [sflag:$0x1] =	stream.indirect_vreg.gather [hbm4b:s2+s5], $0x80, v3, vm0, $0xb8;
	[tilespmem:$0x1D480] =	vst v63  }
0x45: {  	v3 =	vld [tilespmem:s14+$0x20];
	_ =	sdelay $0x4  }
0x46: {  	v61 =	vshll.u32 v3, $0x2  }
0x47: {  	v3 =	vand.u32 $0x7, v3;
	v4 =	vand.u32 $0xFFFFFFE0, v61  }
0x48: {  	v3 =	vor.u32 v3, v4  }
0x49: {  	v4 =	vperm.xlane v3, v0;
	_ =	sdelay $0x1  }
0x4a: {  	v4 =	vadd.s32 v1, v4;
	_ =	sdelay $0x1  }
0x4b: {  	v3 =	vperm.xlane v3, v2;
	_ =	sdelay $0x1  }
0x4c: {  	s8 =	simm.s32 $0x4C00;
	v3 =	vadd.s32 v1, v3  }
0x4d: {  	[tilespmem:s8], [sflag:$0x1] =	stream.indirect_vreg.gather [hbm4b:s15+s5], $0x80, v4, vm0, $0xb8;
	[tilespmem:$0x1D480] =	vst v63  }
0x4e: {  	s9 =	simm.s32 $0x5400  }
0x4f: {  	[tilespmem:s9], [sflag:$0x1] =	stream.indirect_vreg.gather [hbm4b:s2+s5], $0x80, v4, vm0, $0xb8;
	[tilespmem:$0x1D480] =	vst v63  }
0x50: {  	s10 =	simm.s32 $0x5C00  }
0x51: {  	[tilespmem:s10], [sflag:$0x1] =	stream.indirect_vreg.gather [hbm4b:s15+s5], $0x80, v3, vm0, $0xb8;
	[tilespmem:$0x1D480] =	vst v63  }
0x52: {  	s11 =	simm.s32 $0x6400  }
0x53: {  	[tilespmem:s11], [sflag:$0x1] =	stream.indirect_vreg.gather [hbm4b:s2+s5], $0x80, v3, vm0, $0xb8;
	[tilespmem:$0x1D480] =	vst v63  }
0x54: {  	v3 =	vld [tilespmem:s14+$0x30];
	_ =	sdelay $0x4  }
0x55: {  	v62 =	vshll.u32 v3, $0x2  }
0x56: {  	v3 =	vand.u32 $0x7, v3;
	v4 =	vand.u32 $0xFFFFFFE0, v62  }
0x57: {  	v3 =	vor.u32 v3, v4  }
0x58: {  	v4 =	vperm.xlane v3, v0;
	_ =	sdelay $0x1  }
0x59: {  	v4 =	vadd.s32 v1, v4;
	_ =	sdelay $0x1  }
0x5a: {  	v3 =	vperm.xlane v3, v2;
	_ =	sdelay $0x1  }
0x5b: {  	s12 =	simm.s32 $0x6C00;
	v3 =	vadd.s32 v1, v3  }
0x5c: {  	[tilespmem:s12], [sflag:$0x1] =	stream.indirect_vreg.gather [hbm4b:s15+s5], $0x80, v4, vm0, $0xb8;
	[tilespmem:$0x1D480] =	vst v63  }
0x5d: {  	s13 =	simm.s32 $0x7400  }
0x5e: {  	[tilespmem:s13], [sflag:$0x1] =	stream.indirect_vreg.gather [hbm4b:s2+s5], $0x80, v4, vm0, $0xb8;
	[tilespmem:$0x1D480] =	vst v63  }
0x5f: {  	s14 =	simm.s32 $0x7C00  }
0x60: {  	[tilespmem:s14], [sflag:$0x1] =	stream.indirect_vreg.gather [hbm4b:s15+s5], $0x80, v3, vm0, $0xb8;
	[tilespmem:$0x1D480] =	vst v63  }
0x61: {  	s15 =	simm.s32 $0x8400  }
0x62: {  	[tilespmem:s15], [sflag:$0x1] =	stream.indirect_vreg.gather [hbm4b:s2+s5], $0x80, v3, vm0, $0xb8;
	[tilespmem:$0x1D480] =	vst v63  }
0x63: {  	v3 =	vld.msk [tilespmem:$0x800], $0xff;
	_ =	sdelay $0x4  }
0x64: {  	v63 =	vshll.u32 v3, $0x5  }
0x65: {  	v3 =	vand.u32 $0x7, v3;
	v4 =	vand.u32 $0xFFFFFF00, v63  }
0x66: {  	v3 =	vor.u32 v3, v4  }
0x67: {  	v3 =	vperm.xlane v3, v0;
	_ =	sdelay $0x1  }
0x68: {  	v3 =	vadd.s32 v1, v3;
	_ =	sdelay $0x3  }
0x69: {  	s16 =	rddreg [dreg:$0x0]  }
0x6a: {  	[tilespmem:s4], [sflag:$0x2] =	stream.indirect_vreg.gather [hbm4b:s16+s5], $0x80, v3, vm0, $0xb8;
	[tilespmem:$0x1D480] =	vst v63  }
0x6b: {  	s21 =	rddreg [dreg:$0xb];
	s23 =	simm.s32 $0x9400  }
0x6c: {  	[tilespmem:s23], [sflag:$0x2] =	stream.indirect_vreg.gather [hbm4b:s21+s5], $0x80, v3, vm0, $0xb8;
	[tilespmem:$0x1D480] =	vst v63  }
0x6d: {  	s25 =	rddreg [dreg:$0xc];
	s29 =	simm.s32 $0x9C00  }
0x6e: {  	[tilespmem:s29], [sflag:$0x2] =	stream.indirect_vreg.gather [hbm4b:s25+s5], $0x80, v3, vm0, $0xb8;
	[tilespmem:$0x1D480] =	vst v63  }
0x6f: {  	s1 =	rddreg [dreg:$0xd];
	s2 =	simm.s32 $0xA400  }
0x70: {  	[tilespmem:s2], [sflag:$0x2] =	stream.indirect_vreg.gather [hbm4b:s1+s5], $0x80, v3, vm0, $0xb8;
	[tilespmem:$0x1D480] =	vst v63  }
0x71: {  	s3 =	rddreg [dreg:$0xe];
	s6 =	simm.s32 $0xAC00  }
0x72: {  	[tilespmem:s6], [sflag:$0x2] =	stream.indirect_vreg.gather [hbm4b:s3+s5], $0x80, v3, vm0, $0xb8;
	[tilespmem:$0x1D480] =	vst v63  }
0x73: {  	s7 =	rddreg [dreg:$0xf];
	s8 =	simm.s32 $0xB400  }
0x74: {  	[tilespmem:s8], [sflag:$0x2] =	stream.indirect_vreg.gather [hbm4b:s7+s5], $0x80, v3, vm0, $0xb8;
	[tilespmem:$0x1D480] =	vst v63  }
0x75: {  	s9 =	rddreg [dreg:$0x10];
	s10 =	simm.s32 $0xBC00  }
0x76: {  	[tilespmem:s10], [sflag:$0x2] =	stream.indirect_vreg.gather [hbm4b:s9+s5], $0x80, v3, vm0, $0xb8;
	[tilespmem:$0x1D480] =	vst v63  }
0x77: {  	s11 =	rddreg [dreg:$0x11];
	s12 =	simm.s32 $0xC400  }
0x78: {  	[tilespmem:s12], [sflag:$0x2] =	stream.indirect_vreg.gather [hbm4b:s11+s5], $0x80, v3, vm0, $0xb8;
	[tilespmem:$0x1D480] =	vst v63  }
0x79: {  	s13 =	simm.s32 $0xCC00  }
0x7a: {  	[tilespmem:s13], [sflag:$0x2] =	stream.indirect_vreg.gather [hbm4b:s17+s5], $0x80, v3, vm0, $0xb8;
	[tilespmem:$0x1D480] =	vst v63  }
0x7b: {  	s14 =	simm.s32 $0xD400  }
0x7c: {  	[tilespmem:s14], [sflag:$0x2] =	stream.indirect_vreg.gather [hbm4b:s18+s5], $0x80, v3, vm0, $0xb8;
	[tilespmem:$0x1D480] =	vst v63  }
0x7d: {  	s15 =	simm.s32 $0xDC00  }
0x7e: {  	[tilespmem:s15], [sflag:$0x2] =	stream.indirect_vreg.gather [hbm4b:s19+s5], $0x80, v3, vm0, $0xb8;
	[tilespmem:$0x1D480] =	vst v63  }
0x7f: {  	s16 =	simm.s32 $0xE400  }
0x80: {  	[tilespmem:s16], [sflag:$0x2] =	stream.indirect_vreg.gather [hbm4b:s20+s5], $0x80, v3, vm0, $0xb8;
	[tilespmem:$0x1D480] =	vst v63  }
0x81: {  	s21 =	simm.s32 $0xEC00  }
0x82: {  	[tilespmem:s21], [sflag:$0x2] =	stream.indirect_vreg.gather [hbm4b:s22+s5], $0x80, v3, vm0, $0xb8;
	[tilespmem:$0x1D480] =	vst v63  }
0x83: {  	s23 =	simm.s32 $0xF400  }
0x84: {  	[tilespmem:s23], [sflag:$0x2] =	stream.indirect_vreg.gather [hbm4b:s24+s5], $0x80, v3, vm0, $0xb8;
	[tilespmem:$0x1D480] =	vst v63  }
0x85: {  	s25 =	simm.s32 $0xFC00  }
0x86: {  	[tilespmem:s25], [sflag:$0x2] =	stream.indirect_vreg.gather [hbm4b:s26+s5], $0x80, v3, vm0, $0xb8;
	[tilespmem:$0x1D480] =	vst v63  }
0x87: {  	s29 =	simm.s32 $0x10400;
	s9 =	simm.s32 $0x0  }
0x88: {  	[tilespmem:s29], [sflag:$0x2] =	stream.indirect_vreg.gather [hbm4b:s28+s5], $0x80, v3, vm0, $0xb8;
	[tilespmem:$0x1D480] =	vst v63  }
.LBB2_2:
0x89: {  	s3 =	sshllo.u32 s9, $0x1  }
0x8a: {  	s0 =	sshll.u32 s3, $0x7  }
0x8b: {  	s0 =	sand.u32 $0x3FFFFF80, s0  }
0x8c: {  	v3 =	vld.msk [tilespmem:s0+$0x800], $0xff;
	_ =	sdelay $0x4  }
0x8d: {  	v4 =	vshll.u32 v3, $0x5  }
0x8e: {  	v3 =	vand.u32 $0x7, v3;
	v4 =	vand.u32 $0xFFFFFF00, v4  }
0x8f: {  	v3 =	vor.u32 v3, v4  }
0x90: {  	v3 =	vperm.xlane v3, v0;
	_ =	sdelay $0x1  }
0x91: {  	v3 =	vadd.s32 v1, v3;
	_ =	sdelay $0x3  }
0x92: {  	s13 =	rddreg [dreg:$0x0]  }
0x93: {  	[tilespmem:s31], [sflag:$0x3] =	stream.indirect_vreg.gather [hbm4b:s13+s5], $0x80, v3, vm0, $0xb8;
	[tilespmem:$0x1D480] =	vst v63  }
0x94: {  	s14 =	rddreg [dreg:$0xb];
	s1 =	simm.s32 $0x11400  }
0x95: {  	[tilespmem:s1], [sflag:$0x3] =	stream.indirect_vreg.gather [hbm4b:s14+s5], $0x80, v3, vm0, $0xb8;
	[tilespmem:$0x1D480] =	vst v63  }
0x96: {  	s15 =	rddreg [dreg:$0xc];
	s16 =	simm.s32 $0x11C00  }
0x97: {  	[tilespmem:s16], [sflag:$0x3] =	stream.indirect_vreg.gather [hbm4b:s15+s5], $0x80, v3, vm0, $0xb8;
	[tilespmem:$0x1D480] =	vst v63  }
0x98: {  	s21 =	rddreg [dreg:$0xd];
	s23 =	simm.s32 $0x12400  }
0x99: {  	[tilespmem:s23], [sflag:$0x3] =	stream.indirect_vreg.gather [hbm4b:s21+s5], $0x80, v3, vm0, $0xb8;
	[tilespmem:$0x1D480] =	vst v63  }
0x9a: {  	s25 =	rddreg [dreg:$0xe];
	s29 =	simm.s32 $0x12C00  }
0x9b: {  	[tilespmem:s29], [sflag:$0x3] =	stream.indirect_vreg.gather [hbm4b:s25+s5], $0x80, v3, vm0, $0xb8;
	[tilespmem:$0x1D480] =	vst v63  }
0x9c: {  	s2 =	simm.s32 $0x13400;
	s1 =	rddreg [dreg:$0xf]  }
0x9d: {  	[tilespmem:s2], [sflag:$0x3] =	stream.indirect_vreg.gather [hbm4b:s1+s5], $0x80, v3, vm0, $0xb8;
	[tilespmem:$0x1D480] =	vst v63  }
0x9e: {  	s6 =	rddreg [dreg:$0x10];
	s7 =	simm.s32 $0x13C00  }
0x9f: {  	[tilespmem:s7], [sflag:$0x3] =	stream.indirect_vreg.gather [hbm4b:s6+s5], $0x80, v3, vm0, $0xb8;
	[tilespmem:$0x1D480] =	vst v63  }
0xa0: {  	s8 =	rddreg [dreg:$0x11];
	s10 =	simm.s32 $0x14400  }
0xa1: {  	[tilespmem:s10], [sflag:$0x3] =	stream.indirect_vreg.gather [hbm4b:s8+s5], $0x80, v3, vm0, $0xb8;
	[tilespmem:$0x1D480] =	vst v63  }
0xa2: {  	s11 =	simm.s32 $0x14C00  }
0xa3: {  	[tilespmem:s11], [sflag:$0x3] =	stream.indirect_vreg.gather [hbm4b:s17+s5], $0x80, v3, vm0, $0xb8;
	[tilespmem:$0x1D480] =	vst v63  }
0xa4: {  	s12 =	simm.s32 $0x15400  }
0xa5: {  	[tilespmem:s12], [sflag:$0x3] =	stream.indirect_vreg.gather [hbm4b:s18+s5], $0x80, v3, vm0, $0xb8;
	[tilespmem:$0x1D480] =	vst v63  }
0xa6: {  	s13 =	simm.s32 $0x15C00  }
0xa7: {  	[tilespmem:s13], [sflag:$0x3] =	stream.indirect_vreg.gather [hbm4b:s19+s5], $0x80, v3, vm0, $0xb8;
	[tilespmem:$0x1D480] =	vst v63  }
0xa8: {  	s14 =	simm.s32 $0x16400  }
0xa9: {  	[tilespmem:s14], [sflag:$0x3] =	stream.indirect_vreg.gather [hbm4b:s20+s5], $0x80, v3, vm0, $0xb8;
	[tilespmem:$0x1D480] =	vst v63  }
0xaa: {  	s15 =	simm.s32 $0x16C00  }
0xab: {  	[tilespmem:s15], [sflag:$0x3] =	stream.indirect_vreg.gather [hbm4b:s22+s5], $0x80, v3, vm0, $0xb8;
	[tilespmem:$0x1D480] =	vst v63  }
0xac: {  	s16 =	simm.s32 $0x17400  }
0xad: {  	[tilespmem:s16], [sflag:$0x3] =	stream.indirect_vreg.gather [hbm4b:s24+s5], $0x80, v3, vm0, $0xb8;
	[tilespmem:$0x1D480] =	vst v63  }
0xae: {  	s21 =	simm.s32 $0x17C00  }
0xaf: {  	[tilespmem:s21], [sflag:$0x3] =	stream.indirect_vreg.gather [hbm4b:s26+s5], $0x80, v3, vm0, $0xb8;
	[tilespmem:$0x1D480] =	vst v63  }
0xb0: {  	s23 =	simm.s32 $0x18400;
	s25 =	simm.s32 $0x2  }
0xb1: {  	[tilespmem:s23], [sflag:$0x3] =	stream.indirect_vreg.gather [hbm4b:s28+s5], $0x80, v3, vm0, $0xb8;
	[tilespmem:$0x1D480] =	vst v63  }
0xb2: {  	_ =	swait.ge [sflag:s25], $0x8000  }
0xb3: {  	[sflag:s25] =	ssyncset.done $0x0  }
0xb4: {  	s29 =	simm.s32 $0x10;
	[sflag:s25] =	ssyncadd.s32 $0xFFFF8000  }
0xb5: {  	v3 =	vld [tilespmem:s29+$0xFFFFFFF0];
	_ =	sdelay $0x1  }
0xb6: {  	v4 =	vld [tilespmem:s29+$0x0];
	_ =	sdelay $0x2  }
0xb7: {  	v5 =	vshll.u32 v3, $0x3  }
0xb8: {  	v3 =	vand.u32 $0x7F, v3;
	v5 =	vand.u32 $0xFFFFFC00, v5  }
0xb9: {  	v6 =	vshll.u32 v4, $0x3;
	v5 =	vor.u32 v3, v5  }
0xba: {  	v4 =	vand.u32 $0x7F, v4;
	v6 =	vand.u32 $0xFFFFFC00, v6;
	v3 =	vor.u32 $0x100, v5  }
0xbb: {  	v4 =	vor.u32 v4, v6;
	v7 =	vor.u32 $0x80, v5  }
0xbc: {  	v12 =	vor.u32 $0x200, v4  }
0xbd: {  	v8 =	vor.u32 $0x200, v5  }
0xbe: {  	v6 =	vld.idx.msk [tilespmem:v5+s4+$0x0], $0xffff  }
0xbf: {  	v9 =	vor.u32 $0x80, v4;
	v11 =	vld.idx.msk [tilespmem:v3+s4+$0x0], $0xffff  }
0xc0: {  	v10 =	vor.u32 $0x100, v4;
	v7 =	vld.idx.msk [tilespmem:v7+s4+$0x0], $0xffff  }
0xc1: {  	v13 =	vor.u32 $0x300, v5;
	v12 =	vld.idx.msk [tilespmem:v12+s4+$0x0], $0xffff  }
0xc2: {  	v15 =	vor.u32 $0x280, v5;
	v14 =	vor.u32 $0x300, v4;
	v17 =	vor.u32 $0x380, v4;
	v8 =	vld.idx.msk [tilespmem:v8+s4+$0x0], $0xffff  }
0xc3: {  	v20 =	vor.u32 $0x180, v5;
	v18 =	vor.u32 $0x280, v4;
	v16 =	vld.idx.msk [tilespmem:v4+s4+$0x0], $0xffff;
	v3 =	vimm.s32 $0x0  }
0xc4: {  	v9 =	vld.idx.msk [tilespmem:v9+s4+$0x0], $0xffff;
	vm1 =	vlt.f32 v6, $0.0e+00;
	vm2 =	vgt.f32 v6, $0.0e+00;
	v6 =	vor.u32 $0x380, v5  }
0xc5: {  	v5 =	vld.idx.msk [tilespmem:v10+s4+$0x0], $0xffff;
	v10 =	vor.u32 $0x180, v4;
	vm1 =	vmor vm2, vm1;
	vm2 =	vlt.f32 v11, $0.0e+00  }
0xc6: {  	v13 =	vld.idx.msk [tilespmem:v13+s4+$0x0], $0xffff;
	vm3 =	vgt.f32 v11, $0.0e+00;
	vm4 =	vgt.f32 v7, $0.0e+00;
	vm8 =	vlt.f32 v12, $0.0e+00  }
0xc7: {  	vm9 =	vgt.f32 v8, $0.0e+00;
	vm12 =	vgt.f32 v12, $0.0e+00;
	vm13 =	vlt.f32 v8, $0.0e+00  }
0xc8: {  	v8 =	vimm.s32 $0x0;
	v19 =	vmpcnt.ones.xlane vm1;
	vm1 =	vlt.f32 v7, $0.0e+00  }
0xc9: {  	v11 =	vld.idx.msk [tilespmem:v14+s4+$0x0], $0xffff;
	vm2 =	vmor vm3, vm2;
	vm3 =	vlt.f32 v16, $0.0e+00;
	vm1 =	vmor vm4, vm1  }
0xca: {  	v14 =	vmpcnt.ones.xlane vm2;
	vm2 =	vgt.f32 v16, $0.0e+00;
	vm4 =	vgt.f32 v9, $0.0e+00  }
0xcb: {  	v4 =	vld.idx.msk [tilespmem:v17+s4+$0x0], $0xffff;
	vm7 =	vmor vm2, vm3;
	v16 =	vmpcnt.ones.xlane vm1;
	vm3 =	vlt.f32 v13, $0.0e+00  }
0xcc: {  	v6 =	vld.idx.msk [tilespmem:v6+s4+$0x0], $0xffff;
	vm5 =	vlt.f32 v5, $0.0e+00;
	vm6 =	vgt.f32 v5, $0.0e+00;
	v5 =	vadd.s32 v3, v19  }
0xcd: {  	v7 =	vmpcnt.ones.xlane vm7;
	v19 =	vld.idx.msk [tilespmem:v15+s4+$0x0], $0xffff;
	vm7 =	vlt.f32 v9, $0.0e+00;
	v15 =	vimm.s32 $0x0  }
0xce: {  	v17 =	vld.idx.msk [tilespmem:v10+s4+$0x0], $0xffff;
	v10 =	vimm.s32 $0x0;
	vm2 =	vmor vm6, vm5;
	vm1 =	vlt.f32 v11, $0.0e+00  }
0xcf: {  	vm5 =	vgt.f32 v11, $0.0e+00;
	vm7 =	vmor vm4, vm7;
	v11 =	vimm.s32 $0x0  }
0xd0: {  	v20 =	vld.idx.msk [tilespmem:v20+s4+$0x0], $0xffff;
	vm6 =	vmor vm5, vm1;
	vm1 =	vlt.f32 v4, $0.0e+00;
	vm5 =	vgt.f32 v13, $0.0e+00  }
0xd1: {  	v21 =	vmpcnt.ones.xlane vm7;
	v13 =	vimm.s32 $0x0;
	v9 =	vmpcnt.ones.xlane vm6  }
0xd2: {  	vm10 =	vlt.f32 v6, $0.0e+00;
	vm11 =	vgt.f32 v6, $0.0e+00;
	vm4 =	vlt.f32 v19, $0.0e+00  }
0xd3: {  	v18 =	vld.idx.msk [tilespmem:v18+s4+$0x0], $0xffff;
	v6 =	vimm.s32 $0x0;
	vm6 =	vmor vm11, vm10;
	vm10 =	vmor vm12, vm8  }
0xd4: {  	s0 =	simm.s32 $0x0;
	s1 =	simm.s32 $0x30;
	vm8 =	vmor vm9, vm13;
	vm9 =	vlt.f32 v17, $0.0e+00;
	v12 =	vmpcnt.ones.xlane vm10  }
.LBB2_3:
0xd5: {  	v22 =	vld [tilespmem:s1+$0xFFFFFFF0];
	s0 =	sadd.s32 $0x2, s0;
	vm7 =	vlt.f32 v20, $0.0e+00;
	v23 =	vmpcnt.ones.xlane vm8;
	vm8 =	vgt.f32 v17, $0.0e+00  }
0xd6: {  	vm10 =	vgt.f32 v19, $0.0e+00;
	v19 =	vmpcnt.ones.xlane vm6;
	v17 =	vld [tilespmem:s1+$0x0];
	p0 =	slt.u32 s0, $0x7E;
	vm6 =	vmor vm8, vm9  }
0xd7: {  	v3 =	vadd.s32 v3, v16;
	v14 =	vadd.s32 v15, v14;
	v16 =	vmpcnt.ones.xlane vm6  }
0xd8: {  	vm3 =	vmor vm5, vm3;
	vm5 =	vlt.f32 v18, $0.0e+00;
	v11 =	vadd.s32 v11, v19  }
0xd9: {  	v3 =	vadd.s32 v21, v3;
	vm6 =	vgt.f32 v20, $0.0e+00;
	v13 =	vadd.s32 v13, v23  }
0xda: {  	vm8 =	vgt.f32 v18, $0.0e+00;
	v15 =	vand.u32 $0x7F, v22;
	v19 =	vshll.u32 v22, $0x3  }
0xdb: {  	vm5 =	vmor vm8, vm5;
	v18 =	vand.u32 $0xFFFFFC00, v19;
	v19 =	vshll.u32 v17, $0x3  }
0xdc: {  	vm4 =	vmor vm10, vm4;
	v15 =	vor.u32 v15, v18;
	v18 =	vand.u32 $0xFFFFFC00, v19  }
0xdd: {  	vm6 =	vmor vm6, vm7;
	v19 =	vor.u32 $0x80, v15;
	v20 =	vor.u32 $0x100, v15  }
0xde: {  	v23 =	vmpcnt.ones.xlane vm3;
	v21 =	vor.u32 $0x200, v15;
	v22 =	vor.u32 $0x280, v15  }
0xdf: {  	v25 =	vmpcnt.ones.xlane vm5;
	v17 =	vand.u32 $0x7F, v17;
	v24 =	vor.u32 $0x380, v15  }
0xe0: {  	v26 =	vor.u32 $0x180, v15;
	v17 =	vor.u32 v17, v18;
	v18 =	vmpcnt.ones.xlane vm2  }
0xe1: {  	v30 =	vmpcnt.ones.xlane vm4;
	v28 =	vor.u32 $0x80, v17;
	v29 =	vor.u32 $0x100, v17;
	v27 =	vld.idx.msk [tilespmem:v15+s4+$0x0], $0xffff  }
0xe2: {  	vm2 =	vgt.f32 v4, $0.0e+00;
	v31 =	vor.u32 $0x300, v17;
	v32 =	vor.u32 $0x380, v17;
	v20 =	vld.idx.msk [tilespmem:v20+s4+$0x0], $0xffff  }
0xe3: {  	v34 =	vmpcnt.ones.xlane vm6;
	v33 =	vor.u32 $0x200, v17;
	v4 =	vld.idx.msk [tilespmem:v19+s4+$0x0], $0xffff;
	v19 =	vor.u32 $0x300, v15  }
0xe4: {  	v10 =	vadd.s32 v10, v30;
	v35 =	vor.u32 $0x180, v17;
	vm1 =	vmor vm2, vm1;
	v21 =	vld.idx.msk [tilespmem:v21+s4+$0x0], $0xffff  }
0xe5: {  	v13 =	vadd.s32 v12, v13;
	v36 =	vor.u32 $0x280, v17;
	v15 =	vadd.s32 v18, v14;
	v30 =	vld.idx.msk [tilespmem:v17+s4+$0x0], $0xffff  }
0xe6: {  	v6 =	vadd.s32 v6, v23;
	v8 =	vadd.s32 v8, v34;
	v14 =	vmpcnt.ones.xlane vm1;
	v12 =	vld.idx.msk [tilespmem:v28+s4+$0x0], $0xffff  }
0xe7: {  	v6 =	vadd.s32 v9, v6;
	vm1 =	vlt.f32 v27, $0.0e+00;
	vm2 =	vgt.f32 v27, $0.0e+00;
	v17 =	vld.idx.msk [tilespmem:v29+s4+$0x0], $0xffff  }
0xe8: {  	v5 =	vadd.s32 v7, v5;
	v11 =	vadd.s32 v14, v11;
	vm1 =	vmor vm2, vm1;
	v9 =	vld.idx.msk [tilespmem:v33+s4+$0x0], $0xffff  }
0xe9: {  	v7 =	vmpcnt.ones.xlane vm1;
	vm1 =	vlt.f32 v4, $0.0e+00;
	vm2 =	vgt.f32 v4, $0.0e+00;
	v23 =	vld.idx.msk [tilespmem:v19+s4+$0x0], $0xffff  }
0xea: {  	v8 =	vadd.s32 v16, v8;
	vm3 =	vlt.f32 v20, $0.0e+00;
	vm4 =	vgt.f32 v20, $0.0e+00;
	v20 =	vld.idx.msk [tilespmem:v31+s4+$0x0], $0xffff  }
0xeb: {  	v10 =	vadd.s32 v25, v10;
	vm3 =	vmor vm4, vm3;
	vm5 =	vlt.f32 v30, $0.0e+00;
	v4 =	vld.idx.msk [tilespmem:v32+s4+$0x0], $0xffff  }
0xec: {  	vm1 =	vmor vm2, vm1;
	v14 =	vmpcnt.ones.xlane vm3;
	vm2 =	vgt.f32 v30, $0.0e+00;
	v24 =	vld.idx.msk [tilespmem:v24+s4+$0x0], $0xffff  }
0xed: {  	vm4 =	vgt.f32 v12, $0.0e+00;
	vm6 =	vlt.f32 v17, $0.0e+00;
	vm7 =	vgt.f32 v17, $0.0e+00;
	v17 =	vld.idx.msk [tilespmem:v35+s4+$0x0], $0xffff  }
0xee: {  	v5 =	vadd.s32 v5, v7;
	vm5 =	vmor vm2, vm5;
	vm8 =	vlt.f32 v9, $0.0e+00;
	v19 =	vld.idx.msk [tilespmem:v22+s4+$0x0], $0xffff  }
0xef: {  	v16 =	vmpcnt.ones.xlane vm1;
	vm2 =	vmor vm7, vm6;
	vm3 =	vlt.f32 v23, $0.0e+00  }
0xf0: {  	v7 =	vmpcnt.ones.xlane vm5;
	vm1 =	vlt.f32 v20, $0.0e+00;
	vm5 =	vgt.f32 v20, $0.0e+00;
	v18 =	vld.idx.msk [tilespmem:v36+s4+$0x0], $0xffff  }
0xf1: {  	vm7 =	vlt.f32 v12, $0.0e+00;
	vm6 =	vmor vm5, vm1;
	vm1 =	vlt.f32 v4, $0.0e+00;
	v20 =	vld.idx.msk [tilespmem:v26+s4+$0x0], $0xffff  }
.Ltmp0:
0xf2: {  	vm9 =	vgt.f32 v21, $0.0e+00;
	vm5 =	vgt.f32 v23, $0.0e+00;
	vm10 =	vlt.f32 v24, $0.0e+00;
	(pc) =	sbr.rel @p0 .LBB2_3-.Ltmp0, $4  }
0xf3: {  	vm12 =	vgt.f32 v9, $0.0e+00;
	vm11 =	vgt.f32 v24, $0.0e+00;
	v9 =	vmpcnt.ones.xlane vm6  }
0xf4: {  	vm13 =	vlt.f32 v21, $0.0e+00;
	vm6 =	vmor vm11, vm10;
	vm10 =	vmor vm12, vm8  }
0xf5: {  	vm7 =	vmor vm4, vm7;
	vm8 =	vmor vm9, vm13;
	v12 =	vmpcnt.ones.xlane vm10  }
0xf6: {  	s1 =	sadd.s32 $0x20, s1;
	v21 =	vmpcnt.ones.xlane vm7;
	vm9 =	vlt.f32 v17, $0.0e+00;
	vm4 =	vlt.f32 v19, $0.0e+00  }
0xf7: {  	vm7 =	vlt.f32 v20, $0.0e+00;
	v22 =	vmpcnt.ones.xlane vm8  }
0xf8: {  	vm14 =	vgt.f32 v17, $0.0e+00;
	vm10 =	vgt.f32 v19, $0.0e+00;
	v17 =	vmpcnt.ones.xlane vm6  }
0xf9: {  	v3 =	vadd.s32 v3, v16;
	v14 =	vadd.s32 v15, v14;
	vm3 =	vmor vm5, vm3  }
0xfa: {  	vm5 =	vlt.f32 v18, $0.0e+00;
	vm15 =	vgt.f32 v18, $0.0e+00;
	vm6 =	vmor vm14, vm9  }
0xfb: {  	v16 =	vmpcnt.ones.xlane vm2;
	v15 =	vmpcnt.ones.xlane vm6;
	vm6 =	vgt.f32 v20, $0.0e+00  }
0xfc: {  	v5 =	vadd.s32 v7, v5;
	v3 =	vadd.s32 v21, v3;
	vm6 =	vmor vm6, vm7  }
0xfd: {  	vm2 =	vmor vm15, vm5;
	vm4 =	vmor vm10, vm4;
	v18 =	vmpcnt.ones.xlane vm6  }
0xfe: {  	v7 =	vmpcnt.ones.xlane vm3;
	v19 =	vmpcnt.ones.xlane vm4;
	v16 =	vadd.s32 v16, v14  }
0xff: {  	v14 =	vmpcnt.ones.xlane vm2;
	vm2 =	vgt.f32 v4, $0.0e+00;
	v8 =	vadd.s32 v8, v18  }
0x100: {  	v13 =	vadd.s32 v13, v22;
	vm1 =	vmor vm2, vm1;
	v4 =	vadd.s32 v15, v8  }
0x101: {  	v6 =	vadd.s32 v6, v7;
	v8 =	vadd.s32 v10, v19;
	v10 =	vadd.s32 v12, v13  }
0x102: {  	v7 =	vmpcnt.ones.xlane vm1;
	v9 =	vadd.s32 v9, v6;
	v12 =	vld.idx.msk [tilespmem:v3+s30+$0x0], $0xffff  }
0x103: {  	v13 =	vadd.s32 v14, v8;
	v14 =	vld.idx.msk [tilespmem:v5+s30+$0x0], $0xffff;
	v5 =	vadd.s32 v11, v17  }
0x104: {  	v11 =	vld.idx.msk [tilespmem:v16+s30+$0x0], $0xffff;
	v3 =	vadd.s32 v7, v5  }
0x105: {  	v8 =	vld.idx.msk [tilespmem:v4+s30+$0x0], $0xffff  }
0x106: {  	v6 =	vld.idx.msk [tilespmem:v10+s30+$0x0], $0xffff  }
0x107: {  	p0 =	seq.s32 s9, $0x0;
	v4 =	vld.idx.msk [tilespmem:v9+s30+$0x0], $0xffff  }
0x108: {  	s0 =	simm.s32 $0x0;
	s1 =	simm.s32 @!p0 $0x4;
	v5 =	vld.idx.msk [tilespmem:v13+s30+$0x0], $0xffff  }
0x109: {  	s6 =	sand.u32 $0x60, s0;
	v3 =	vld.idx.msk [tilespmem:v3+s30+$0x0], $0xffff;
	_ =	swait.ge @!p0 [sflag:s1], $0x4000  }
0x10a: {  	s7 =	sand.u32 $0x780, s0;
	s2 =	sor.u32 $0x10, s6;
	[sflag:s1] =	ssyncset.done @!p0 $0x0  }
0x10b: {  	s11 =	sor.u32 s2, s7;
	[sflag:s1] =	ssyncadd.s32 @!p0 $0xFFFFC000  }
0x10c: {  	v7 =	vld [tilespmem:s11+$0x0];
	_ =	sdelay $0x1  }
0x10d: {  	v9 =	vld [tilespmem:s0+$0x0];
	_ =	sdelay $0x2  }
0x10e: {  	v10 =	vshll.u32 v7, $0x3  }
0x10f: {  	v7 =	vand.u32 $0x7F, v7;
	v10 =	vand.u32 $0xFFFFFC00, v10  }
0x110: {  	v13 =	vshll.u32 v9, $0x3;
	v16 =	vor.u32 v7, v10  }
0x111: {  	v7 =	vand.u32 $0x7F, v9;
	v9 =	vand.u32 $0xFFFFFC00, v13  }
0x112: {  	v15 =	vor.u32 v7, v9;
	_ =	sdelay $0x2  }
0x113: {  	v7 =	vld.idx.msk [tilespmem:v16+s4+$0x0], $0xffff;
	_ =	sdelay $0x1  }
0x114: {  	v9 =	vld.idx.msk [tilespmem:v15+s4+$0x0], $0xffff;
	_ =	sdelay $0x1  }
0x115: {  	v10 =	vor.u32 $0x80, v16  }
0x116: {  	s12 =	sand.u32 $0x3C00, s0;
	vm1 =	vlt.f32 v7, $0.0e+00;
	vm2 =	vgt.f32 v7, $0.0e+00  }
0x117: {  	s1 =	sadd.s32 $0x18C00, s12;
	v7 =	vor.u32 $0x80, v15;
	vm1 =	vmor vm2, vm1  }
0x118: {  	s2 =	sor.u32 s2, s1;
	vm2 =	vlt.f32 v9, $0.0e+00;
	vm3 =	vgt.f32 v9, $0.0e+00;
	v9 =	vnsel vm1, $0x0, v14  }
0x119: {  	vm1 =	vmor vm3, vm2;
	[tilespmem:s2+$0x0] =	vst v9  }
0x11a: {  	s8 =	simm.s32 $0x20;
	s1 =	sor.u32 s6, s1;
	v9 =	vnsel vm1, $0x0, v14;
	v10 =	vld.idx.msk [tilespmem:v10+s4+$0x0], $0xffff  }
0x11b: {  	s13 =	sand.u32 $0x60, s8;
	[tilespmem:s1+$0x0] =	vst v9  }
0x11c: {  	s14 =	sand.u32 $0x780, s8;
	s10 =	sor.u32 $0x10, s13;
	v7 =	vld.idx.msk [tilespmem:v7+s4+$0x0], $0xffff  }
0x11d: {  	s6 =	sor.u32 s10, s14;
	v9 =	vld [tilespmem:s8+$0x0]  }
0x11e: {  	v17 =	vld [tilespmem:s6+$0x0];
	v13 =	vor.u32 $0x100, v16  }
0x11f: {  	vm1 =	vlt.f32 v10, $0.0e+00;
	vm2 =	vgt.f32 v10, $0.0e+00  }
0x120: {  	v10 =	vor.u32 $0x100, v15;
	vm1 =	vmor vm2, vm1  }
0x121: {  	vm2 =	vlt.f32 v7, $0.0e+00;
	v18 =	vnsel vm1, $0x0, v12;
	vm1 =	vgt.f32 v7, $0.0e+00  }
0x122: {  	v7 =	vand.u32 $0x7F, v9;
	v9 =	vshll.u32 v9, $0x3;
	[tilespmem:s2+$0x80] =	vst v18;
	vm1 =	vmor vm1, vm2  }
0x123: {  	v9 =	vand.u32 $0xFFFFFC00, v9;
	v18 =	vshll.u32 v17, $0x3;
	v13 =	vld.idx.msk [tilespmem:v13+s4+$0x0], $0xffff;
	v19 =	vnsel vm1, $0x0, v12  }
0x124: {  	v7 =	vor.u32 v7, v9;
	v9 =	vand.u32 $0x7F, v17;
	v17 =	vand.u32 $0xFFFFFC00, v18;
	[tilespmem:s1+$0x80] =	vst v19  }
0x125: {  	v9 =	vor.u32 v9, v17;
	v10 =	vld.idx.msk [tilespmem:v10+s4+$0x0], $0xffff;
	_ =	sdelay $0x1  }
0x126: {  	v17 =	vor.u32 $0x180, v16  }
0x127: {  	vm1 =	vlt.f32 v13, $0.0e+00;
	vm2 =	vgt.f32 v13, $0.0e+00  }
0x128: {  	v13 =	vor.u32 $0x180, v15;
	v18 =	vld.idx.msk [tilespmem:v7+s4+$0x0], $0xffff;
	vm1 =	vmor vm2, vm1  }
0x129: {  	v19 =	vld.idx.msk [tilespmem:v9+s4+$0x0], $0xffff;
	v20 =	vnsel vm1, $0x0, v11;
	vm1 =	vlt.f32 v10, $0.0e+00;
	vm2 =	vgt.f32 v10, $0.0e+00  }
0x12a: {  	[tilespmem:s2+$0x100] =	vst v20;
	vm1 =	vmor vm2, vm1  }
0x12b: {  	v10 =	vld.idx.msk [tilespmem:v17+s4+$0x0], $0xffff;
	v17 =	vnsel vm1, $0x0, v11  }
0x12c: {  	[tilespmem:s1+$0x100] =	vst v17  }
0x12d: {  	s6 =	simm.s32 $0x100;
	v20 =	vor.u32 $0x80, v9;
	v17 =	vor.u32 $0x80, v7;
	v13 =	vld.idx.msk [tilespmem:v13+s4+$0x0], $0xffff  }
0x12e: {  	s12 =	simm.s32 $0x40;
	s15 =	sand.u32 $0x3C00, s6;
	vm1 =	vlt.f32 v18, $0.0e+00;
	vm2 =	vlt.f32 v19, $0.0e+00;
	vm3 =	vgt.f32 v19, $0.0e+00  }
0x12f: {  	s8 =	sadd.s32 $0x18C00, s15;
	vm4 =	vgt.f32 v18, $0.0e+00;
	v18 =	vor.u32 $0x200, v16;
	v19 =	vld [tilespmem:s12+$0x0];
	vm2 =	vmor vm3, vm2  }
0x130: {  	s23 =	sor.u32 s10, s8;
	v21 =	vnsel vm2, $0x0, v14;
	vm2 =	vlt.f32 v10, $0.0e+00;
	vm3 =	vgt.f32 v10, $0.0e+00  }
0x131: {  	vm1 =	vmor vm4, vm1;
	[tilespmem:s23+$0x0] =	vst v21;
	v21 =	vor.u32 $0x200, v15;
	vm2 =	vmor vm3, vm2  }
0x132: {  	v20 =	vld.idx.msk [tilespmem:v20+s4+$0x0], $0xffff;
	v10 =	vnsel vm2, $0x0, v8;
	vm2 =	vlt.f32 v13, $0.0e+00;
	vm3 =	vgt.f32 v13, $0.0e+00  }
0x133: {  	s7 =	sor.u32 s13, s8;
	v13 =	vnsel vm1, $0x0, v14;
	[tilespmem:s2+$0x180] =	vst v10;
	vm1 =	vmor vm3, vm2  }
0x134: {  	s11 =	sand.u32 $0x60, s12;
	v10 =	vshll.u32 v19, $0x3;
	[tilespmem:s7+$0x0] =	vst v13;
	v13 =	vld.idx.msk [tilespmem:v18+s4+$0x0], $0xffff;
	v18 =	vnsel vm1, $0x0, v8  }
0x135: {  	s21 =	sand.u32 $0x780, s12;
	s16 =	sor.u32 $0x10, s11;
	v19 =	vand.u32 $0x7F, v19;
	v17 =	vld.idx.msk [tilespmem:v17+s4+$0x0], $0xffff;
	v10 =	vand.u32 $0xFFFFFC00, v10;
	[tilespmem:s1+$0x180] =	vst v18  }
0x136: {  	v23 =	vor.u32 $0x280, v16;
	s10 =	sor.u32 s16, s21;
	v10 =	vor.u32 v19, v10;
	v19 =	vor.u32 $0x100, v9;
	v18 =	vld.idx.msk [tilespmem:v21+s4+$0x0], $0xffff  }
0x137: {  	v22 =	vor.u32 $0x280, v15;
	vm1 =	vlt.f32 v20, $0.0e+00;
	vm2 =	vgt.f32 v20, $0.0e+00;
	v20 =	vld [tilespmem:s10+$0x0]  }
0x138: {  	v27 =	vor.u32 $0x300, v15;
	v21 =	vor.u32 $0x100, v7;
	vm1 =	vmor vm2, vm1  }
0x139: {  	s21 =	simm.s32 $0x60;
	v24 =	vnsel vm1, $0x0, v12;
	vm1 =	vlt.f32 v13, $0.0e+00;
	vm2 =	vgt.f32 v13, $0.0e+00  }
0x13a: {  	v25 =	vld [tilespmem:s21+$0x0];
	vm3 =	vlt.f32 v17, $0.0e+00;
	[tilespmem:s23+$0x80] =	vst v24;
	vm1 =	vmor vm2, vm1;
	vm2 =	vgt.f32 v17, $0.0e+00  }
0x13b: {  	v17 =	vld.idx.msk [tilespmem:v19+s4+$0x0], $0xffff;
	v13 =	vnsel vm1, $0x0, v6;
	vm1 =	vmor vm2, vm3;
	vm2 =	vlt.f32 v18, $0.0e+00  }
0x13c: {  	[tilespmem:s2+$0x200] =	vst v13;
	v13 =	vshll.u32 v20, $0x3;
	v19 =	vnsel vm1, $0x0, v12;
	vm1 =	vgt.f32 v18, $0.0e+00  }
0x13d: {  	v20 =	vand.u32 $0x7F, v20;
	v18 =	vld.idx.msk [tilespmem:v23+s4+$0x0], $0xffff;
	v13 =	vand.u32 $0xFFFFFC00, v13;
	[tilespmem:s7+$0x80] =	vst v19;
	vm1 =	vmor vm1, vm2  }
0x13e: {  	v28 =	vor.u32 $0x380, v15;
	v13 =	vor.u32 v20, v13;
	v19 =	vld.idx.msk [tilespmem:v21+s4+$0x0], $0xffff;
	v20 =	vnsel vm1, $0x0, v6  }
0x13f: {  	v24 =	vld.idx.msk [tilespmem:v10+s4+$0x0], $0xffff;
	v23 =	vshll.u32 v25, $0x3;
	v21 =	vand.u32 $0x7F, v25;
	[tilespmem:s1+$0x200] =	vst v20;
	v20 =	vor.u32 $0x180, v9  }
0x140: {  	v25 =	vor.u32 $0x300, v16;
	vm1 =	vlt.f32 v17, $0.0e+00;
	vm2 =	vgt.f32 v17, $0.0e+00;
	v22 =	vld.idx.msk [tilespmem:v22+s4+$0x0], $0xffff  }
0x141: {  	v16 =	vor.u32 $0x380, v16;
	v17 =	vor.u32 $0x180, v7;
	vm1 =	vmor vm2, vm1  }
0x142: {  	vm2 =	vlt.f32 v18, $0.0e+00;
	vm3 =	vgt.f32 v18, $0.0e+00;
	v18 =	vnsel vm1, $0x0, v11  }
0x143: {  	v26 =	vld.idx.msk [tilespmem:v13+s4+$0x0], $0xffff;
	vm1 =	vmor vm3, vm2;
	vm2 =	vlt.f32 v19, $0.0e+00;
	vm3 =	vgt.f32 v19, $0.0e+00;
	[tilespmem:s23+$0x100] =	vst v18  }
0x144: {  	vm4 =	vgt.f32 v24, $0.0e+00;
	v18 =	vnsel vm1, $0x0, v5;
	vm1 =	vmor vm3, vm2;
	v20 =	vld.idx.msk [tilespmem:v20+s4+$0x0], $0xffff  }
0x145: {  	[tilespmem:s2+$0x280] =	vst v18;
	v18 =	vnsel vm1, $0x0, v11;
	vm1 =	vlt.f32 v22, $0.0e+00;
	vm2 =	vgt.f32 v22, $0.0e+00  }
0x146: {  	s10 =	simm.s32 $0x200;
	v19 =	vor.u32 $0x80, v10;
	vm3 =	vlt.f32 v24, $0.0e+00;
	v22 =	vld.idx.msk [tilespmem:v25+s4+$0x0], $0xffff;
	vm1 =	vmor vm2, vm1  }
0x147: {  	s25 =	sand.u32 $0x3C00, s10;
	[tilespmem:s7+$0x100] =	vst v18;
	vm2 =	vmor vm4, vm3;
	v18 =	vor.u32 $0x80, v13;
	v24 =	vnsel vm1, $0x0, v5  }
0x148: {  	s12 =	sadd.s32 $0x18C00, s25;
	v17 =	vld.idx.msk [tilespmem:v17+s4+$0x0], $0xffff;
	v25 =	vnsel vm2, $0x0, v14;
	vm1 =	vlt.f32 v26, $0.0e+00;
	vm3 =	vgt.f32 v26, $0.0e+00  }
0x149: {  	s13 =	sand.u32 $0x3, s0;
	s2 =	sor.u32 s11, s12;
	[tilespmem:s1+$0x280] =	vst v24;
	v24 =	vor.u32 $0x200, v9;
	vm1 =	vmor vm3, vm1;
	vm2 =	vlt.f32 v20, $0.0e+00  }
0x14a: {  	s14 =	sshll.u32 s13, $0x5;
	s8 =	sor.u32 s16, s12;
	[tilespmem:s2+$0x0] =	vst v25;
	v26 =	vld.idx.msk [tilespmem:v27+s4+$0x0], $0xffff;
	vm3 =	vgt.f32 v20, $0.0e+00;
	v27 =	vor.u32 $0x200, v7;
	v20 =	vnsel vm1, $0x0, v14  }
0x14b: {  	s15 =	sadd.s32 $0x0, s14;
	vm1 =	vmor vm3, vm2;
	vm2 =	vlt.f32 v22, $0.0e+00;
	[tilespmem:s8+$0x0] =	vst v20;
	vm3 =	vgt.f32 v22, $0.0e+00;
	v20 =	vld.idx.msk [tilespmem:v19+s4+$0x0], $0xffff  }
0x14c: {  	s29 =	sadd.s32 $0x10, s15;
	v22 =	vnsel vm1, $0x0, v8;
	v19 =	vand.u32 $0xFFFFFC00, v23;
	v18 =	vld.idx.msk [tilespmem:v18+s4+$0x0], $0xffff;
	vm1 =	vmor vm3, vm2  }
0x14d: {  	s16 =	sor.u32 $0x300, s29;
	vm2 =	vlt.f32 v17, $0.0e+00;
	vm3 =	vgt.f32 v17, $0.0e+00;
	[tilespmem:s23+$0x180] =	vst v22;
	v17 =	vnsel vm1, $0x0, v4  }
0x14e: {  	v15 =	vor.u32 v21, v19;
	v22 =	vor.u32 $0x100, v10;
	vm1 =	vmor vm3, vm2;
	v25 =	vld.idx.msk [tilespmem:v24+s4+$0x0], $0xffff;
	[tilespmem:s16+$0x18C00] =	vst v17  }
0x14f: {  	s13 =	sand.u32 $0x60, s21;
	vm2 =	vlt.f32 v26, $0.0e+00;
	vm3 =	vgt.f32 v26, $0.0e+00;
	v23 =	vnsel vm1, $0x0, v8;
	v26 =	vld.idx.msk [tilespmem:v16+s4+$0x0], $0xffff  }
0x150: {  	s14 =	sor.u32 $0x10, s13;
	s25 =	sand.u32 $0x780, s21;
	v21 =	vor.u32 $0x280, v9;
	vm1 =	vmor vm3, vm2;
	[tilespmem:s7+$0x180] =	vst v23;
	v23 =	vor.u32 $0x100, v13  }
0x151: {  	s12 =	sor.u32 $0x300, s15;
	s11 =	sor.u32 s14, s25;
	v16 =	vnsel vm1, $0x0, v4;
	v19 =	vld.idx.msk [tilespmem:v27+s4+$0x0], $0xffff;
	vm1 =	vlt.f32 v18, $0.0e+00;
	vm2 =	vgt.f32 v18, $0.0e+00  }
0x152: {  	v17 =	vor.u32 $0x280, v7;
	vm4 =	vlt.f32 v20, $0.0e+00;
	[tilespmem:s12+$0x18C00] =	vst v16;
	v16 =	vld [tilespmem:s11+$0x0];
	vm1 =	vmor vm2, vm1  }
0x153: {  	s25 =	simm.s32 $0x200;
	vm2 =	vgt.f32 v25, $0.0e+00;
	v24 =	vnsel vm1, $0x0, v12;
	vm1 =	vlt.f32 v25, $0.0e+00  }
0x154: {  	s1 =	sor.u32 $0x380, s15;
	s11 =	simm.s32 $0x6;
	s12 =	simm.s32 $0x80;
	v18 =	vld.idx.msk [tilespmem:v28+s4+$0x0], $0xffff;
	vm3 =	vmor vm2, vm1;
	vm1 =	vlt.f32 v26, $0.0e+00;
	vm2 =	vgt.f32 v26, $0.0e+00  }
.LBB2_5:
0x155: {  	v25 =	vld [tilespmem:s12+$0x0];
	vm5 =	vgt.f32 v20, $0.0e+00;
	[tilespmem:s8+$0x80] =	vst v24;
	v20 =	vnsel vm3, $0x0, v6;
	vm1 =	vmor vm2, vm1  }
0x156: {  	vm3 =	vlt.f32 v19, $0.0e+00;
	s29 =	sor.u32 $0x380, s29;
	vm2 =	vmor vm5, vm4;
	v23 =	vld.idx.msk [tilespmem:v23+s4+$0x0], $0xffff;
	[tilespmem:s23+$0x200] =	vst v20;
	v20 =	vnsel vm1, $0x0, v3  }
0x157: {  	vm1 =	vgt.f32 v19, $0.0e+00;
	v24 =	vshll.u32 v16, $0x3;
	v26 =	vnsel vm2, $0x0, v12;
	v19 =	vld.idx.msk [tilespmem:v21+s4+$0x0], $0xffff;
	[tilespmem:s29+$0x18C00] =	vst v20  }
0x158: {  	v16 =	vand.u32 $0x7F, v16;
	vm1 =	vmor vm1, vm3;
	v20 =	vand.u32 $0xFFFFFC00, v24;
	[tilespmem:s2+$0x80] =	vst v26  }
0x159: {  	v21 =	vnsel vm1, $0x0, v6;
	vm1 =	vlt.f32 v18, $0.0e+00;
	v16 =	vor.u32 v16, v20;
	v20 =	vld.idx.msk [tilespmem:v22+s4+$0x0], $0xffff  }
0x15a: {  	vm2 =	vgt.f32 v18, $0.0e+00;
	v22 =	vand.u32 $0x7F, v25;
	v24 =	vshll.u32 v25, $0x3;
	[tilespmem:s7+$0x200] =	vst v21  }
0x15b: {  	v18 =	vor.u32 $0x180, v10;
	vm1 =	vmor vm2, vm1;
	v21 =	vor.u32 $0x180, v13;
	v17 =	vld.idx.msk [tilespmem:v17+s4+$0x0], $0xffff  }
0x15c: {  	vm2 =	vlt.f32 v23, $0.0e+00;
	vm3 =	vgt.f32 v23, $0.0e+00;
	v23 =	vor.u32 $0x300, v9;
	v25 =	vld.idx.msk [tilespmem:v15+s4+$0x0], $0xffff  }
0x15d: {  	vm2 =	vmor vm3, vm2;
	vm3 =	vlt.f32 v19, $0.0e+00;
	vm4 =	vgt.f32 v19, $0.0e+00  }
0x15e: {  	v27 =	vnsel vm1, $0x0, v3;
	v26 =	vnsel vm2, $0x0, v11;
	vm2 =	vmor vm4, vm3;
	v19 =	vld.idx.msk [tilespmem:v16+s4+$0x0], $0xffff  }
0x15f: {  	vm1 =	vlt.f32 v20, $0.0e+00;
	vm3 =	vgt.f32 v20, $0.0e+00;
	v20 =	vnsel vm2, $0x0, v5;
	[tilespmem:s8+$0x100] =	vst v26  }
0x160: {  	v28 =	vor.u32 $0x300, v7;
	v26 =	vor.u32 $0x80, v15;
	vm1 =	vmor vm3, vm1;
	v21 =	vld.idx.msk [tilespmem:v21+s4+$0x0], $0xffff;
	[tilespmem:s23+$0x280] =	vst v20;
	s23 =	smov.u32 s8  }
0x161: {  	v20 =	vnsel vm1, $0x0, v11;
	vm1 =	vlt.f32 v17, $0.0e+00;
	vm2 =	vgt.f32 v17, $0.0e+00;
	v17 =	vld.idx.msk [tilespmem:v23+s4+$0x0], $0xffff;
	[tilespmem:s1+$0x18C00] =	vst v27  }
0x162: {  	vm3 =	vlt.f32 v25, $0.0e+00;
	vm4 =	vgt.f32 v25, $0.0e+00;
	vm1 =	vmor vm2, vm1;
	[tilespmem:s2+$0x100] =	vst v20  }
0x163: {  	s10 =	sadd.s32 $0x100, s10;
	vm2 =	vmor vm4, vm3;
	v20 =	vor.u32 $0x80, v16;
	v23 =	vnsel vm1, $0x0, v5;
	v18 =	vld.idx.msk [tilespmem:v18+s4+$0x0], $0xffff  }
0x164: {  	s0 =	sadd.s32 $0x1, s0;
	s1 =	sand.u32 $0x3C00, s10;
	v25 =	vnsel vm2, $0x0, v14;
	vm1 =	vlt.f32 v19, $0.0e+00;
	vm2 =	vgt.f32 v19, $0.0e+00;
	[tilespmem:s7+$0x280] =	vst v23;
	s7 =	smov.u32 s2  }
0x165: {  	s29 =	sand.u32 $0x3, s0;
	v27 =	vor.u32 $0x380, v9;
	v9 =	vmovc v13;
	s1 =	sadd.s32 $0x18C00, s1;
	v19 =	vor.u32 $0x200, v13;
	v13 =	vmovc v16;
	vm1 =	vmor vm2, vm1;
	v23 =	vld.idx.msk [tilespmem:v28+s4+$0x0], $0xffff  }
0x166: {  	s8 =	sor.u32 s14, s1;
	s2 =	sor.u32 s13, s1;
	s1 =	sshll.u32 s29, $0x5;
	v16 =	vnsel vm1, $0x0, v14;
	vm1 =	vlt.f32 v21, $0.0e+00;
	vm2 =	vgt.f32 v21, $0.0e+00  }
0x167: {  	s13 =	sadd.s32 s1, s6;
	s6 =	smov.u32 s25;
	s25 =	smov.u32 s10;
	vm1 =	vmor vm2, vm1;
	vm2 =	vlt.f32 v17, $0.0e+00;
	vm3 =	vgt.f32 v17, $0.0e+00;
	[tilespmem:s8+$0x0] =	vst v16  }
0x168: {  	v17 =	vor.u32 $0x200, v10;
	s15 =	sor.u32 $0x300, s13;
	s1 =	sor.u32 $0x380, s13;
	s29 =	sadd.s32 $0x10, s13;
	v21 =	vnsel vm1, $0x0, v8;
	vm1 =	vmor vm3, vm2;
	[tilespmem:s2+$0x0] =	vst v25;
	v16 =	vld.idx.msk [tilespmem:v20+s4+$0x0], $0xffff  }
0x169: {  	s13 =	sor.u32 $0x300, s29;
	vm2 =	vlt.f32 v18, $0.0e+00;
	vm3 =	vgt.f32 v18, $0.0e+00;
	v18 =	vnsel vm1, $0x0, v4;
	v20 =	vld.idx.msk [tilespmem:v26+s4+$0x0], $0xffff;
	[tilespmem:s23+$0x180] =	vst v21  }
0x16a: {  	v21 =	vand.u32 $0xFFFFFC00, v24;
	vm1 =	vmor vm3, vm2;
	v26 =	vor.u32 $0x380, v7;
	v7 =	vmovc v10;
	v10 =	vmovc v15;
	v25 =	vld.idx.msk [tilespmem:v19+s4+$0x0], $0xffff;
	[tilespmem:s13+$0x18C00] =	vst v18  }
0x16b: {  	s21 =	sadd.s32 $0x20, s21;
	s11 =	sadd.s32 $0x2, s11;
	v18 =	vnsel vm1, $0x0, v8;
	vm1 =	vlt.f32 v23, $0.0e+00;
	vm2 =	vgt.f32 v23, $0.0e+00;
	v27 =	vld.idx.msk [tilespmem:v27+s4+$0x0], $0xffff  }
0x16c: {  	p0 =	slt.u32 s11, $0x7E;
	s13 =	sand.u32 $0x60, s21;
	v15 =	vor.u32 v22, v21;
	vm1 =	vmor vm2, vm1;
	[tilespmem:s7+$0x180] =	vst v18  }
.Ltmp1:
0x16d: {  	s16 =	sand.u32 $0x780, s21;
	v22 =	vor.u32 $0x100, v10;
	s14 =	sor.u32 $0x10, s13;
	v18 =	vnsel vm1, $0x0, v4;
	v19 =	vld.idx.msk [tilespmem:v17+s4+$0x0], $0xffff;
	v17 =	vor.u32 $0x280, v7;
	(pc) =	sbr.rel @p0 .LBB2_5-.Ltmp1, $4  }
0x16e: {  	v23 =	vor.u32 $0x100, v13;
	s16 =	sor.u32 s14, s16;
	vm1 =	vlt.f32 v16, $0.0e+00;
	vm2 =	vgt.f32 v16, $0.0e+00;
	[tilespmem:s15+$0x18C00] =	vst v18  }
0x16f: {  	v21 =	vor.u32 $0x280, v9;
	vm4 =	vlt.f32 v20, $0.0e+00;
	vm1 =	vmor vm2, vm1;
	v16 =	vld [tilespmem:s16+$0x0]  }
0x170: {  	v24 =	vnsel vm1, $0x0, v12;
	vm1 =	vlt.f32 v25, $0.0e+00;
	vm2 =	vgt.f32 v25, $0.0e+00;
	v18 =	vld.idx.msk [tilespmem:v26+s4+$0x0], $0xffff  }
0x171: {  	s12 =	sadd.s32 $0x20, s12;
	vm3 =	vmor vm2, vm1;
	vm1 =	vlt.f32 v27, $0.0e+00;
	vm2 =	vgt.f32 v27, $0.0e+00  }
0x172: {  	_ =	sdelay $0x1  }
0x173: {  	v25 =	vshll.u32 v16, $0x3  }
0x174: {  	v16 =	vand.u32 $0x7F, v16;
	v25 =	vand.u32 $0xFFFFFC00, v25  }
0x175: {  	v16 =	vor.u32 v16, v25;
	_ =	sdelay $0x4  }
0x176: {  	v25 =	vld.idx.msk [tilespmem:v16+s4+$0x0], $0xffff  }
0x177: {  	v26 =	vld.idx.msk [tilespmem:v15+s4+$0x0], $0xffff;
	_ =	sdelay $0x2  }
0x178: {  	s10 =	sadd.s32 $0x100, s10;
	v27 =	vor.u32 $0x80, v16  }
0x179: {  	v60 =	vor.u32 $0x80, v15;
	s11 =	sand.u32 $0x3C00, s10;
	vm5 =	vlt.f32 v25, $0.0e+00;
	vm6 =	vgt.f32 v25, $0.0e+00  }
0x17a: {  	s11 =	sadd.s32 $0x18C00, s11;
	vm7 =	vgt.f32 v26, $0.0e+00;
	vm5 =	vmor vm6, vm5;
	vm6 =	vlt.f32 v26, $0.0e+00  }
0x17b: {  	s12 =	sor.u32 s14, s11;
	vm6 =	vmor vm7, vm6;
	v61 =	vnsel vm5, $0x0, v14  }
0x17c: {  	s11 =	sor.u32 s13, s11;
	[tilespmem:s12+$0x0] =	vst v61;
	v14 =	vnsel vm6, $0x0, v14  }
0x17d: {  	[tilespmem:s11+$0x0] =	vst v14;
	v14 =	vld.idx.msk [tilespmem:v27+s4+$0x0], $0xffff  }
0x17e: {  	v25 =	vld.idx.msk [tilespmem:v60+s4+$0x0], $0xffff  }
0x17f: {  	vm5 =	vgt.f32 v20, $0.0e+00  }
0x180: {  	vm4 =	vmor vm5, vm4  }
0x181: {  	[tilespmem:s8+$0x80] =	vst v24;
	v62 =	vor.u32 $0x100, v16;
	v20 =	vnsel vm4, $0x0, v12  }
0x182: {  	v23 =	vld.idx.msk [tilespmem:v23+s4+$0x0], $0xffff;
	[tilespmem:s2+$0x80] =	vst v20;
	v20 =	vor.u32 $0x100, v15;
	vm4 =	vlt.f32 v14, $0.0e+00;
	vm5 =	vgt.f32 v14, $0.0e+00  }
0x183: {  	v14 =	vld.idx.msk [tilespmem:v22+s4+$0x0], $0xffff;
	vm4 =	vmor vm5, vm4;
	vm5 =	vlt.f32 v25, $0.0e+00;
	vm6 =	vgt.f32 v25, $0.0e+00  }
0x184: {  	v22 =	vnsel vm4, $0x0, v12;
	vm4 =	vmor vm6, vm5  }
0x185: {  	[tilespmem:s12+$0x80] =	vst v22;
	v12 =	vnsel vm4, $0x0, v12  }
0x186: {  	v22 =	vor.u32 $0x180, v13;
	v24 =	vld.idx.msk [tilespmem:v62+s4+$0x0], $0xffff;
	[tilespmem:s11+$0x80] =	vst v12  }
0x187: {  	vm5 =	vgt.f32 v23, $0.0e+00;
	vm4 =	vlt.f32 v23, $0.0e+00;
	v12 =	vor.u32 $0x180, v10;
	v20 =	vld.idx.msk [tilespmem:v20+s4+$0x0], $0xffff  }
0x188: {  	vm4 =	vmor vm5, vm4;
	vm5 =	vlt.f32 v14, $0.0e+00;
	vm6 =	vgt.f32 v14, $0.0e+00  }
0x189: {  	v14 =	vnsel vm4, $0x0, v11;
	vm4 =	vmor vm6, vm5  }
0x18a: {  	v63 =	vor.u32 $0x180, v16;
	v23 =	vnsel vm3, $0x0, v6;
	[tilespmem:s8+$0x100] =	vst v14;
	v14 =	vnsel vm4, $0x0, v11  }
0x18b: {  	v22 =	vld.idx.msk [tilespmem:v22+s4+$0x0], $0xffff;
	[tilespmem:s2+$0x100] =	vst v14;
	v14 =	vor.u32 $0x180, v15;
	vm3 =	vlt.f32 v24, $0.0e+00;
	vm4 =	vgt.f32 v24, $0.0e+00  }
0x18c: {  	v12 =	vld.idx.msk [tilespmem:v12+s4+$0x0], $0xffff;
	vm3 =	vmor vm4, vm3;
	vm4 =	vlt.f32 v20, $0.0e+00;
	vm5 =	vgt.f32 v20, $0.0e+00  }
0x18d: {  	[tilespmem:s23+$0x200] =	vst v23;
	v20 =	vnsel vm3, $0x0, v11;
	vm3 =	vmor vm5, vm4  }
0x18e: {  	vm4 =	vlt.f32 v19, $0.0e+00;
	vm5 =	vgt.f32 v19, $0.0e+00;
	v19 =	vld.idx.msk [tilespmem:v21+s4+$0x0], $0xffff;
	[tilespmem:s12+$0x100] =	vst v20;
	v11 =	vnsel vm3, $0x0, v11  }
0x18f: {  	vm1 =	vmor vm2, vm1;
	vm2 =	vmor vm5, vm4;
	v20 =	vor.u32 $0x200, v13;
	v21 =	vld.idx.msk [tilespmem:v63+s4+$0x0], $0xffff;
	[tilespmem:s11+$0x100] =	vst v11  }
0x190: {  	vm3 =	vlt.f32 v22, $0.0e+00;
	vm4 =	vgt.f32 v22, $0.0e+00;
	v11 =	vor.u32 $0x200, v10;
	v14 =	vld.idx.msk [tilespmem:v14+s4+$0x0], $0xffff  }
0x191: {  	vm3 =	vmor vm4, vm3;
	vm4 =	vlt.f32 v12, $0.0e+00;
	vm5 =	vgt.f32 v12, $0.0e+00  }
0x192: {  	v12 =	vnsel vm2, $0x0, v6;
	v22 =	vnsel vm3, $0x0, v8;
	vm2 =	vmor vm5, vm4  }
0x193: {  	v23 =	vor.u32 $0x200, v16;
	vm3 =	vlt.f32 v19, $0.0e+00;
	[tilespmem:s8+$0x180] =	vst v22;
	v22 =	vnsel vm2, $0x0, v8  }
0x194: {  	v20 =	vld.idx.msk [tilespmem:v20+s4+$0x0], $0xffff;
	[tilespmem:s2+$0x180] =	vst v22;
	vm2 =	vlt.f32 v21, $0.0e+00;
	vm4 =	vgt.f32 v21, $0.0e+00;
	v21 =	vor.u32 $0x200, v15  }
0x195: {  	v11 =	vld.idx.msk [tilespmem:v11+s4+$0x0], $0xffff;
	vm2 =	vmor vm4, vm2;
	vm4 =	vlt.f32 v14, $0.0e+00;
	vm5 =	vgt.f32 v14, $0.0e+00  }
0x196: {  	[tilespmem:s7+$0x200] =	vst v12;
	vm6 =	vgt.f32 v19, $0.0e+00;
	v12 =	vnsel vm2, $0x0, v8;
	vm4 =	vmor vm5, vm4  }
0x197: {  	v19 =	vor.u32 $0x280, v13;
	vm3 =	vmor vm6, vm3;
	v14 =	vld.idx.msk [tilespmem:v17+s4+$0x0], $0xffff;
	[tilespmem:s12+$0x180] =	vst v12;
	v8 =	vnsel vm4, $0x0, v8  }
0x198: {  	v17 =	vnsel vm3, $0x0, v5;
	vm2 =	vlt.f32 v18, $0.0e+00;
	v12 =	vor.u32 $0x300, v9;
	v22 =	vld.idx.msk [tilespmem:v23+s4+$0x0], $0xffff;
	[tilespmem:s11+$0x180] =	vst v8  }
0x199: {  	v8 =	vor.u32 $0x280, v10;
	vm3 =	vlt.f32 v20, $0.0e+00;
	vm4 =	vgt.f32 v20, $0.0e+00;
	v20 =	vld.idx.msk [tilespmem:v21+s4+$0x0], $0xffff  }
0x19a: {  	vm3 =	vmor vm4, vm3;
	vm4 =	vlt.f32 v11, $0.0e+00;
	vm5 =	vgt.f32 v11, $0.0e+00  }
0x19b: {  	v23 =	vor.u32 $0x280, v16;
	v21 =	vnsel vm3, $0x0, v6;
	vm3 =	vmor vm5, vm4  }
0x19c: {  	v11 =	vor.u32 $0x300, v7;
	vm4 =	vlt.f32 v14, $0.0e+00;
	[tilespmem:s8+$0x200] =	vst v21;
	v21 =	vnsel vm3, $0x0, v6  }
0x19d: {  	v19 =	vld.idx.msk [tilespmem:v19+s4+$0x0], $0xffff;
	[tilespmem:s2+$0x200] =	vst v21;
	v21 =	vor.u32 $0x280, v15;
	vm3 =	vlt.f32 v22, $0.0e+00;
	vm5 =	vgt.f32 v22, $0.0e+00  }
0x19e: {  	[tilespmem:s23+$0x280] =	vst v17;
	v8 =	vld.idx.msk [tilespmem:v8+s4+$0x0], $0xffff;
	vm3 =	vmor vm5, vm3;
	vm5 =	vlt.f32 v20, $0.0e+00;
	vm6 =	vgt.f32 v20, $0.0e+00  }
0x19f: {  	vm7 =	vgt.f32 v14, $0.0e+00;
	v12 =	vld.idx.msk [tilespmem:v12+s4+$0x0], $0xffff;
	v14 =	vnsel vm3, $0x0, v6;
	vm5 =	vmor vm6, vm5  }
0x1a0: {  	v17 =	vor.u32 $0x300, v13;
	vm4 =	vmor vm7, vm4;
	[tilespmem:s12+$0x200] =	vst v14;
	v6 =	vnsel vm5, $0x0, v6  }
0x1a1: {  	v9 =	vor.u32 $0x380, v9;
	vm3 =	vgt.f32 v18, $0.0e+00;
	v14 =	vnsel vm4, $0x0, v5;
	v18 =	vld.idx.msk [tilespmem:v23+s4+$0x0], $0xffff;
	[tilespmem:s11+$0x200] =	vst v6  }
0x1a2: {  	vm4 =	vlt.f32 v19, $0.0e+00;
	vm5 =	vgt.f32 v19, $0.0e+00;
	v6 =	vor.u32 $0x300, v10;
	v19 =	vld.idx.msk [tilespmem:v21+s4+$0x0], $0xffff  }
0x1a3: {  	[tilespmem:s7+$0x280] =	vst v14;
	vm4 =	vmor vm5, vm4;
	vm5 =	vlt.f32 v8, $0.0e+00;
	vm6 =	vgt.f32 v8, $0.0e+00  }
0x1a4: {  	vm7 =	vlt.f32 v12, $0.0e+00;
	v8 =	vld.idx.msk [tilespmem:v11+s4+$0x0], $0xffff;
	v11 =	vnsel vm4, $0x0, v5;
	vm4 =	vmor vm6, vm5  }
0x1a5: {  	vm5 =	vgt.f32 v12, $0.0e+00;
	v12 =	vor.u32 $0x300, v16;
	[tilespmem:s8+$0x280] =	vst v11;
	v11 =	vnsel vm4, $0x0, v5  }
0x1a6: {  	s23 =	sadd.s32 $0x1, s0;
	v14 =	vld.idx.msk [tilespmem:v17+s4+$0x0], $0xffff;
	[tilespmem:s2+$0x280] =	vst v11;
	v11 =	vor.u32 $0x300, v15;
	vm4 =	vlt.f32 v18, $0.0e+00;
	vm6 =	vgt.f32 v18, $0.0e+00  }
0x1a7: {  	s0 =	sand.u32 $0x3, s23;
	v6 =	vld.idx.msk [tilespmem:v6+s4+$0x0], $0xffff;
	vm4 =	vmor vm6, vm4;
	vm6 =	vlt.f32 v19, $0.0e+00;
	vm8 =	vgt.f32 v19, $0.0e+00  }
0x1a8: {  	s0 =	sshll.u32 s0, $0x5;
	vm5 =	vmor vm5, vm7;
	v17 =	vnsel vm4, $0x0, v5;
	vm4 =	vmor vm8, vm6  }
0x1a9: {  	s0 =	sadd.s32 s0, s6;
	s7 =	sadd.s32 $0x1, s23;
	vm7 =	vgt.f32 v8, $0.0e+00;
	vm6 =	vlt.f32 v8, $0.0e+00;
	[tilespmem:s12+$0x280] =	vst v17;
	v5 =	vnsel vm4, $0x0, v5  }
0x1aa: {  	v7 =	vor.u32 $0x380, v7;
	s6 =	sadd.s32 $0x10, s0;
	s8 =	sand.u32 $0x3, s7;
	v8 =	vnsel vm5, $0x0, v4;
	vm4 =	vmor vm7, vm6;
	v12 =	vld.idx.msk [tilespmem:v12+s4+$0x0], $0xffff;
	[tilespmem:s11+$0x280] =	vst v5  }
0x1ab: {  	s2 =	sshll.u32 s8, $0x5;
	s12 =	sor.u32 $0x300, s6;
	v5 =	vor.u32 $0x380, v13;
	vm5 =	vlt.f32 v14, $0.0e+00;
	vm6 =	vgt.f32 v14, $0.0e+00;
	v11 =	vld.idx.msk [tilespmem:v11+s4+$0x0], $0xffff  }
0x1ac: {  	s7 =	sadd.s32 $0x1, s7;
	s2 =	sadd.s32 s2, s25;
	[tilespmem:s12+$0x18C00] =	vst v8;
	v8 =	vor.u32 $0x380, v10;
	vm7 =	vlt.f32 v6, $0.0e+00;
	vm8 =	vgt.f32 v6, $0.0e+00  }
0x1ad: {  	s13 =	sor.u32 $0x300, s0;
	s7 =	sand.u32 $0x3, s7;
	s14 =	sadd.s32 $0x10, s2;
	v6 =	vld.idx.msk [tilespmem:v9+s4+$0x0], $0xffff;
	v9 =	vnsel vm4, $0x0, v4;
	vm4 =	vmor vm6, vm5;
	vm5 =	vmor vm8, vm7  }
0x1ae: {  	s7 =	sshll.u32 s7, $0x5;
	s15 =	sor.u32 $0x300, s14;
	v13 =	vor.u32 $0x380, v16;
	[tilespmem:s13+$0x18C00] =	vst v9;
	v9 =	vnsel vm4, $0x0, v4;
	v10 =	vnsel vm5, $0x0, v4  }
0x1af: {  	s16 =	sor.u32 $0x300, s2;
	s7 =	sadd.s32 s7, s10;
	v7 =	vld.idx.msk [tilespmem:v7+s4+$0x0], $0xffff;
	[tilespmem:s15+$0x18C00] =	vst v9;
	v9 =	vor.u32 $0x380, v15;
	vm4 =	vlt.f32 v12, $0.0e+00;
	vm5 =	vgt.f32 v12, $0.0e+00  }
0x1b0: {  	s21 =	sadd.s32 $0x10, s7;
	[tilespmem:s16+$0x18C00] =	vst v10;
	v5 =	vld.idx.msk [tilespmem:v5+s4+$0x0], $0xffff;
	vm4 =	vmor vm5, vm4;
	vm5 =	vlt.f32 v11, $0.0e+00;
	vm6 =	vgt.f32 v11, $0.0e+00  }
0x1b1: {  	vm2 =	vmor vm3, vm2;
	s23 =	sor.u32 $0x300, s21;
	v8 =	vld.idx.msk [tilespmem:v8+s4+$0x0], $0xffff;
	v10 =	vnsel vm4, $0x0, v4;
	vm3 =	vmor vm6, vm5  }
0x1b2: {  	s25 =	sor.u32 $0x300, s7;
	vm4 =	vlt.f32 v6, $0.0e+00;
	vm5 =	vgt.f32 v6, $0.0e+00;
	[tilespmem:s23+$0x18C00] =	vst v10;
	v4 =	vnsel vm3, $0x0, v4  }
0x1b3: {  	v6 =	vnsel vm2, $0x0, v3;
	[tilespmem:s25+$0x18C00] =	vst v4;
	v4 =	vnsel vm1, $0x0, v3;
	vm1 =	vmor vm5, vm4;
	v10 =	vld.idx.msk [tilespmem:v13+s4+$0x0], $0xffff  }
0x1b4: {  	vm2 =	vgt.f32 v7, $0.0e+00;
	v11 =	vnsel vm1, $0x0, v3;
	vm1 =	vlt.f32 v7, $0.0e+00;
	v7 =	vld.idx.msk [tilespmem:v9+s4+$0x0], $0xffff  }
0x1b5: {  	s29 =	sor.u32 $0x380, s29;
	[tilespmem:s1+$0x18C00] =	vst v6;
	vm3 =	vgt.f32 v5, $0.0e+00;
	vm1 =	vmor vm2, vm1;
	vm2 =	vlt.f32 v5, $0.0e+00  }
0x1b6: {  	s12 =	sor.u32 $0x380, s6;
	[tilespmem:s29+$0x18C00] =	vst v4;
	vm4 =	vgt.f32 v8, $0.0e+00;
	vm2 =	vmor vm3, vm2;
	vm3 =	vlt.f32 v8, $0.0e+00  }
0x1b7: {  	s0 =	sor.u32 $0x380, s0;
	[tilespmem:s12+$0x18C00] =	vst v11;
	v4 =	vnsel vm1, $0x0, v3;
	v5 =	vnsel vm2, $0x0, v3;
	vm1 =	vmor vm4, vm3  }
0x1b8: {  	s13 =	sor.u32 $0x380, s14;
	[tilespmem:s0+$0x18C00] =	vst v4;
	v4 =	vnsel vm1, $0x0, v3;
	vm1 =	vlt.f32 v10, $0.0e+00;
	vm2 =	vgt.f32 v10, $0.0e+00  }
0x1b9: {  	s14 =	sor.u32 $0x380, s2;
	[tilespmem:s13+$0x18C00] =	vst v5;
	vm1 =	vmor vm2, vm1;
	vm2 =	vlt.f32 v7, $0.0e+00;
	vm3 =	vgt.f32 v7, $0.0e+00  }
0x1ba: {  	s15 =	sor.u32 $0x380, s21;
	[tilespmem:s14+$0x18C00] =	vst v4;
	v4 =	vnsel vm1, $0x0, v3;
	vm1 =	vmor vm3, vm2  }
0x1bb: {  	s16 =	sor.u32 $0x380, s7;
	[tilespmem:s15+$0x18C00] =	vst v4;
	v3 =	vnsel vm1, $0x0, v3  }
0x1bc: {  	[tilespmem:s16+$0x18C00] =	vst v3  }
0x1bd: {  	s21 =	sshll.u32 s9, $0xC;
	s1 =	rddreg [dreg:$0x12]  }
0x1be: {  	p0 =	seq.s32 s9, $0x3;
	s23 =	simm.s32 $0x18C00;
	s0 =	sadd.s32 s21, s1  }
0x1bf: {  	[hbm4b:s0+s5] =	stream.linear.scatter [tilespmem:s23], [sflag:$0x4], $0x4000, $0x38;
	[tilespmem:$0x1D480] =	vst v63  }
0x1c0: {  	s0 =	sshll.u32 @!p0 s9, $0x8  }
0x1c1: {  	s0 =	sand.u32 @!p0 $0x3FFFFF00, s0  }
0x1c2: {  	v3 =	vld.msk @!p0 [tilespmem:s0+$0x900], $0xff;
	_ =	sdelay $0x4  }
0x1c3: {  	v4 =	vshll.u32 @!p0 v3, $0x5  }
0x1c4: {  	v5 =	vlaneseq.u32 @!p0;
	v3 =	vand.u32 @!p0 $0x7, v3;
	v4 =	vand.u32 @!p0 $0xFFFFFF00, v4  }
0x1c5: {  	v3 =	vor.u32 @!p0 v3, v4;
	v4 =	vand.u32 @!p0 $0x7, v5;
	v5 =	vshrl.u32 @!p0 v5, $0x3  }
0x1c6: {  	v3 =	vperm.xlane @!p0 v3, v4;
	v4 =	vmul.u32 @!p0 $0x8, v5;
	_ =	sdelay $0x1  }
0x1c7: {  	v3 =	vadd.s32 @!p0 v4, v3;
	_ =	sdelay $0x3  }
0x1c8: {  	s2 =	rddreg [dreg:$0x0];
	vm1 =	vmmov @!p0 $0xffff;
	s1 =	simm.s32 @!p0 $0x8C00;
	s0 =	simm.s32 @!p0 $0x0  }
0x1c9: {  	[tilespmem:s1], [sflag:$0x2] =	stream.indirect_vreg.gather @!p0 [hbm4b:s2+s0], $0x80, v3, vm1, $0xb8;
	[tilespmem:$0x1D480] =	vst v63  }
0x1ca: {  	s1 =	simm.s32 @!p0 $0x9400;
	s2 =	rddreg [dreg:$0xb]  }
0x1cb: {  	[tilespmem:s1], [sflag:$0x2] =	stream.indirect_vreg.gather @!p0 [hbm4b:s2+s0], $0x80, v3, vm1, $0xb8;
	[tilespmem:$0x1D480] =	vst v63  }
0x1cc: {  	s1 =	simm.s32 @!p0 $0x9C00;
	s2 =	rddreg [dreg:$0xc]  }
0x1cd: {  	[tilespmem:s1], [sflag:$0x2] =	stream.indirect_vreg.gather @!p0 [hbm4b:s2+s0], $0x80, v3, vm1, $0xb8;
	[tilespmem:$0x1D480] =	vst v63  }
0x1ce: {  	s1 =	simm.s32 @!p0 $0xA400;
	s2 =	rddreg [dreg:$0xd]  }
0x1cf: {  	[tilespmem:s1], [sflag:$0x2] =	stream.indirect_vreg.gather @!p0 [hbm4b:s2+s0], $0x80, v3, vm1, $0xb8;
	[tilespmem:$0x1D480] =	vst v63  }
0x1d0: {  	s1 =	simm.s32 @!p0 $0xAC00;
	s2 =	rddreg [dreg:$0xe]  }
0x1d1: {  	[tilespmem:s1], [sflag:$0x2] =	stream.indirect_vreg.gather @!p0 [hbm4b:s2+s0], $0x80, v3, vm1, $0xb8;
	[tilespmem:$0x1D480] =	vst v63  }
0x1d2: {  	s1 =	simm.s32 @!p0 $0xB400;
	s2 =	rddreg [dreg:$0xf]  }
0x1d3: {  	[tilespmem:s1], [sflag:$0x2] =	stream.indirect_vreg.gather @!p0 [hbm4b:s2+s0], $0x80, v3, vm1, $0xb8;
	[tilespmem:$0x1D480] =	vst v63  }
0x1d4: {  	s1 =	simm.s32 @!p0 $0xBC00;
	s2 =	rddreg [dreg:$0x10]  }
0x1d5: {  	[tilespmem:s1], [sflag:$0x2] =	stream.indirect_vreg.gather @!p0 [hbm4b:s2+s0], $0x80, v3, vm1, $0xb8;
	[tilespmem:$0x1D480] =	vst v63  }
0x1d6: {  	s1 =	simm.s32 @!p0 $0xC400;
	s2 =	rddreg [dreg:$0x11]  }
0x1d7: {  	[tilespmem:s1], [sflag:$0x2] =	stream.indirect_vreg.gather @!p0 [hbm4b:s2+s0], $0x80, v3, vm1, $0xb8;
	[tilespmem:$0x1D480] =	vst v63  }
0x1d8: {  	s1 =	simm.s32 @!p0 $0xCC00  }
0x1d9: {  	[tilespmem:s1], [sflag:$0x2] =	stream.indirect_vreg.gather @!p0 [hbm4b:s17+s0], $0x80, v3, vm1, $0xb8;
	[tilespmem:$0x1D480] =	vst v63  }
0x1da: {  	s1 =	simm.s32 @!p0 $0xD400  }
0x1db: {  	[tilespmem:s1], [sflag:$0x2] =	stream.indirect_vreg.gather @!p0 [hbm4b:s18+s0], $0x80, v3, vm1, $0xb8;
	[tilespmem:$0x1D480] =	vst v63  }
0x1dc: {  	s1 =	simm.s32 @!p0 $0xDC00  }
0x1dd: {  	[tilespmem:s1], [sflag:$0x2] =	stream.indirect_vreg.gather @!p0 [hbm4b:s19+s0], $0x80, v3, vm1, $0xb8;
	[tilespmem:$0x1D480] =	vst v63  }
0x1de: {  	s1 =	simm.s32 @!p0 $0xE400  }
0x1df: {  	[tilespmem:s1], [sflag:$0x2] =	stream.indirect_vreg.gather @!p0 [hbm4b:s20+s0], $0x80, v3, vm1, $0xb8;
	[tilespmem:$0x1D480] =	vst v63  }
0x1e0: {  	s1 =	simm.s32 @!p0 $0xEC00  }
0x1e1: {  	[tilespmem:s1], [sflag:$0x2] =	stream.indirect_vreg.gather @!p0 [hbm4b:s22+s0], $0x80, v3, vm1, $0xb8;
	[tilespmem:$0x1D480] =	vst v63  }
0x1e2: {  	s1 =	simm.s32 @!p0 $0xF400  }
0x1e3: {  	[tilespmem:s1], [sflag:$0x2] =	stream.indirect_vreg.gather @!p0 [hbm4b:s24+s0], $0x80, v3, vm1, $0xb8;
	[tilespmem:$0x1D480] =	vst v63  }
0x1e4: {  	s1 =	simm.s32 @!p0 $0xFC00  }
0x1e5: {  	[tilespmem:s1], [sflag:$0x2] =	stream.indirect_vreg.gather @!p0 [hbm4b:s26+s0], $0x80, v3, vm1, $0xb8;
	[tilespmem:$0x1D480] =	vst v63  }
0x1e6: {  	s25 =	simm.s32 $0x3;
	s1 =	simm.s32 @!p0 $0x10400  }
0x1e7: {  	[tilespmem:s1], [sflag:$0x2] =	stream.indirect_vreg.gather @!p0 [hbm4b:s28+s0], $0x80, v3, vm1, $0xb8;
	[tilespmem:$0x1D480] =	vst v63  }
0x1e8: {  	_ =	swait.ge [sflag:s25], $0x8000  }
0x1e9: {  	[sflag:s25] =	ssyncset.done $0x0  }
0x1ea: {  	s29 =	simm.s32 $0x10;
	[sflag:s25] =	ssyncadd.s32 $0xFFFF8000  }
0x1eb: {  	v3 =	vld [tilespmem:s29+$0xFFFFFFF0];
	_ =	sdelay $0x1  }
0x1ec: {  	v4 =	vld [tilespmem:s29+$0x0];
	_ =	sdelay $0x2  }
0x1ed: {  	v5 =	vshll.u32 v3, $0x3  }
0x1ee: {  	v3 =	vand.u32 $0x7F, v3;
	v5 =	vand.u32 $0xFFFFFC00, v5  }
0x1ef: {  	v6 =	vshll.u32 v4, $0x3;
	v5 =	vor.u32 v3, v5  }
0x1f0: {  	v4 =	vand.u32 $0x7F, v4;
	v6 =	vand.u32 $0xFFFFFC00, v6;
	v3 =	vor.u32 $0x100, v5  }
0x1f1: {  	v4 =	vor.u32 v4, v6;
	v7 =	vor.u32 $0x80, v5  }
0x1f2: {  	v12 =	vor.u32 $0x200, v4  }
0x1f3: {  	v8 =	vor.u32 $0x200, v5  }
0x1f4: {  	v6 =	vld.idx.msk [tilespmem:v5+s31+$0x0], $0xffff  }
0x1f5: {  	v9 =	vor.u32 $0x80, v4;
	v11 =	vld.idx.msk [tilespmem:v3+s31+$0x0], $0xffff  }
0x1f6: {  	v10 =	vor.u32 $0x100, v4;
	v7 =	vld.idx.msk [tilespmem:v7+s31+$0x0], $0xffff  }
0x1f7: {  	v13 =	vor.u32 $0x300, v5;
	v12 =	vld.idx.msk [tilespmem:v12+s31+$0x0], $0xffff  }
0x1f8: {  	v15 =	vor.u32 $0x280, v5;
	v14 =	vor.u32 $0x300, v4;
	v17 =	vor.u32 $0x380, v4;
	v8 =	vld.idx.msk [tilespmem:v8+s31+$0x0], $0xffff  }
0x1f9: {  	v20 =	vor.u32 $0x180, v5;
	v18 =	vor.u32 $0x280, v4;
	v16 =	vld.idx.msk [tilespmem:v4+s31+$0x0], $0xffff;
	v3 =	vimm.s32 $0x0  }
0x1fa: {  	v9 =	vld.idx.msk [tilespmem:v9+s31+$0x0], $0xffff;
	vm1 =	vlt.f32 v6, $0.0e+00;
	vm2 =	vgt.f32 v6, $0.0e+00;
	v6 =	vor.u32 $0x380, v5  }
0x1fb: {  	v5 =	vld.idx.msk [tilespmem:v10+s31+$0x0], $0xffff;
	v10 =	vor.u32 $0x180, v4;
	vm1 =	vmor vm2, vm1;
	vm2 =	vlt.f32 v11, $0.0e+00  }
0x1fc: {  	v13 =	vld.idx.msk [tilespmem:v13+s31+$0x0], $0xffff;
	vm3 =	vgt.f32 v11, $0.0e+00;
	vm4 =	vgt.f32 v7, $0.0e+00;
	vm8 =	vlt.f32 v12, $0.0e+00  }
0x1fd: {  	vm9 =	vgt.f32 v8, $0.0e+00;
	vm12 =	vgt.f32 v12, $0.0e+00;
	vm13 =	vlt.f32 v8, $0.0e+00  }
0x1fe: {  	v8 =	vimm.s32 $0x0;
	v19 =	vmpcnt.ones.xlane vm1;
	vm1 =	vlt.f32 v7, $0.0e+00  }
0x1ff: {  	v11 =	vld.idx.msk [tilespmem:v14+s31+$0x0], $0xffff;
	vm2 =	vmor vm3, vm2;
	vm3 =	vlt.f32 v16, $0.0e+00;
	vm1 =	vmor vm4, vm1  }
0x200: {  	v14 =	vmpcnt.ones.xlane vm2;
	vm2 =	vgt.f32 v16, $0.0e+00;
	vm4 =	vgt.f32 v9, $0.0e+00  }
0x201: {  	v4 =	vld.idx.msk [tilespmem:v17+s31+$0x0], $0xffff;
	vm7 =	vmor vm2, vm3;
	v16 =	vmpcnt.ones.xlane vm1;
	vm3 =	vlt.f32 v13, $0.0e+00  }
0x202: {  	v6 =	vld.idx.msk [tilespmem:v6+s31+$0x0], $0xffff;
	vm5 =	vlt.f32 v5, $0.0e+00;
	vm6 =	vgt.f32 v5, $0.0e+00;
	v5 =	vadd.s32 v3, v19  }
0x203: {  	v7 =	vmpcnt.ones.xlane vm7;
	v19 =	vld.idx.msk [tilespmem:v15+s31+$0x0], $0xffff;
	vm7 =	vlt.f32 v9, $0.0e+00;
	v15 =	vimm.s32 $0x0  }
0x204: {  	v17 =	vld.idx.msk [tilespmem:v10+s31+$0x0], $0xffff;
	v10 =	vimm.s32 $0x0;
	vm2 =	vmor vm6, vm5;
	vm1 =	vlt.f32 v11, $0.0e+00  }
0x205: {  	vm5 =	vgt.f32 v11, $0.0e+00;
	vm7 =	vmor vm4, vm7;
	v11 =	vimm.s32 $0x0  }
0x206: {  	v20 =	vld.idx.msk [tilespmem:v20+s31+$0x0], $0xffff;
	vm6 =	vmor vm5, vm1;
	vm1 =	vlt.f32 v4, $0.0e+00;
	vm5 =	vgt.f32 v13, $0.0e+00  }
0x207: {  	v21 =	vmpcnt.ones.xlane vm7;
	v13 =	vimm.s32 $0x0;
	v9 =	vmpcnt.ones.xlane vm6  }
0x208: {  	vm10 =	vlt.f32 v6, $0.0e+00;
	vm11 =	vgt.f32 v6, $0.0e+00;
	vm4 =	vlt.f32 v19, $0.0e+00  }
0x209: {  	v18 =	vld.idx.msk [tilespmem:v18+s31+$0x0], $0xffff;
	v6 =	vimm.s32 $0x0;
	vm6 =	vmor vm11, vm10;
	vm10 =	vmor vm12, vm8  }
0x20a: {  	s0 =	simm.s32 $0x0;
	s1 =	simm.s32 $0x30;
	vm8 =	vmor vm9, vm13;
	vm9 =	vlt.f32 v17, $0.0e+00;
	v12 =	vmpcnt.ones.xlane vm10  }
.LBB2_7:
0x20b: {  	v22 =	vld [tilespmem:s1+$0xFFFFFFF0];
	s0 =	sadd.s32 $0x2, s0;
	vm7 =	vlt.f32 v20, $0.0e+00;
	v23 =	vmpcnt.ones.xlane vm8;
	vm8 =	vgt.f32 v17, $0.0e+00  }
0x20c: {  	vm10 =	vgt.f32 v19, $0.0e+00;
	v19 =	vmpcnt.ones.xlane vm6;
	v17 =	vld [tilespmem:s1+$0x0];
	p0 =	slt.u32 s0, $0x7E;
	vm6 =	vmor vm8, vm9  }
0x20d: {  	v3 =	vadd.s32 v3, v16;
	v14 =	vadd.s32 v15, v14;
	v16 =	vmpcnt.ones.xlane vm6  }
0x20e: {  	vm3 =	vmor vm5, vm3;
	vm5 =	vlt.f32 v18, $0.0e+00;
	v11 =	vadd.s32 v11, v19  }
0x20f: {  	v3 =	vadd.s32 v21, v3;
	vm6 =	vgt.f32 v20, $0.0e+00;
	v13 =	vadd.s32 v13, v23  }
0x210: {  	vm8 =	vgt.f32 v18, $0.0e+00;
	v15 =	vand.u32 $0x7F, v22;
	v19 =	vshll.u32 v22, $0x3  }
0x211: {  	vm5 =	vmor vm8, vm5;
	v18 =	vand.u32 $0xFFFFFC00, v19;
	v19 =	vshll.u32 v17, $0x3  }
0x212: {  	vm4 =	vmor vm10, vm4;
	v15 =	vor.u32 v15, v18;
	v18 =	vand.u32 $0xFFFFFC00, v19  }
0x213: {  	vm6 =	vmor vm6, vm7;
	v19 =	vor.u32 $0x80, v15;
	v20 =	vor.u32 $0x100, v15  }
0x214: {  	v23 =	vmpcnt.ones.xlane vm3;
	v21 =	vor.u32 $0x200, v15;
	v22 =	vor.u32 $0x280, v15  }
0x215: {  	v25 =	vmpcnt.ones.xlane vm5;
	v17 =	vand.u32 $0x7F, v17;
	v24 =	vor.u32 $0x380, v15  }
0x216: {  	v26 =	vor.u32 $0x180, v15;
	v17 =	vor.u32 v17, v18;
	v18 =	vmpcnt.ones.xlane vm2  }
0x217: {  	v30 =	vmpcnt.ones.xlane vm4;
	v28 =	vor.u32 $0x80, v17;
	v29 =	vor.u32 $0x100, v17;
	v27 =	vld.idx.msk [tilespmem:v15+s31+$0x0], $0xffff  }
0x218: {  	vm2 =	vgt.f32 v4, $0.0e+00;
	v31 =	vor.u32 $0x300, v17;
	v32 =	vor.u32 $0x380, v17;
	v20 =	vld.idx.msk [tilespmem:v20+s31+$0x0], $0xffff  }
0x219: {  	v34 =	vmpcnt.ones.xlane vm6;
	v33 =	vor.u32 $0x200, v17;
	v4 =	vld.idx.msk [tilespmem:v19+s31+$0x0], $0xffff;
	v19 =	vor.u32 $0x300, v15  }
0x21a: {  	v10 =	vadd.s32 v10, v30;
	v35 =	vor.u32 $0x180, v17;
	vm1 =	vmor vm2, vm1;
	v21 =	vld.idx.msk [tilespmem:v21+s31+$0x0], $0xffff  }
0x21b: {  	v13 =	vadd.s32 v12, v13;
	v36 =	vor.u32 $0x280, v17;
	v15 =	vadd.s32 v18, v14;
	v30 =	vld.idx.msk [tilespmem:v17+s31+$0x0], $0xffff  }
0x21c: {  	v6 =	vadd.s32 v6, v23;
	v8 =	vadd.s32 v8, v34;
	v14 =	vmpcnt.ones.xlane vm1;
	v12 =	vld.idx.msk [tilespmem:v28+s31+$0x0], $0xffff  }
0x21d: {  	v6 =	vadd.s32 v9, v6;
	vm1 =	vlt.f32 v27, $0.0e+00;
	vm2 =	vgt.f32 v27, $0.0e+00;
	v17 =	vld.idx.msk [tilespmem:v29+s31+$0x0], $0xffff  }
0x21e: {  	v5 =	vadd.s32 v7, v5;
	v11 =	vadd.s32 v14, v11;
	vm1 =	vmor vm2, vm1;
	v9 =	vld.idx.msk [tilespmem:v33+s31+$0x0], $0xffff  }
0x21f: {  	v7 =	vmpcnt.ones.xlane vm1;
	vm1 =	vlt.f32 v4, $0.0e+00;
	vm2 =	vgt.f32 v4, $0.0e+00;
	v23 =	vld.idx.msk [tilespmem:v19+s31+$0x0], $0xffff  }
0x220: {  	v8 =	vadd.s32 v16, v8;
	vm3 =	vlt.f32 v20, $0.0e+00;
	vm4 =	vgt.f32 v20, $0.0e+00;
	v20 =	vld.idx.msk [tilespmem:v31+s31+$0x0], $0xffff  }
0x221: {  	v10 =	vadd.s32 v25, v10;
	vm3 =	vmor vm4, vm3;
	vm5 =	vlt.f32 v30, $0.0e+00;
	v4 =	vld.idx.msk [tilespmem:v32+s31+$0x0], $0xffff  }
0x222: {  	vm1 =	vmor vm2, vm1;
	v14 =	vmpcnt.ones.xlane vm3;
	vm2 =	vgt.f32 v30, $0.0e+00;
	v24 =	vld.idx.msk [tilespmem:v24+s31+$0x0], $0xffff  }
0x223: {  	vm4 =	vgt.f32 v12, $0.0e+00;
	vm6 =	vlt.f32 v17, $0.0e+00;
	vm7 =	vgt.f32 v17, $0.0e+00;
	v17 =	vld.idx.msk [tilespmem:v35+s31+$0x0], $0xffff  }
0x224: {  	v5 =	vadd.s32 v5, v7;
	vm5 =	vmor vm2, vm5;
	vm8 =	vlt.f32 v9, $0.0e+00;
	v19 =	vld.idx.msk [tilespmem:v22+s31+$0x0], $0xffff  }
0x225: {  	v16 =	vmpcnt.ones.xlane vm1;
	vm2 =	vmor vm7, vm6;
	vm3 =	vlt.f32 v23, $0.0e+00  }
0x226: {  	v7 =	vmpcnt.ones.xlane vm5;
	vm1 =	vlt.f32 v20, $0.0e+00;
	vm5 =	vgt.f32 v20, $0.0e+00;
	v18 =	vld.idx.msk [tilespmem:v36+s31+$0x0], $0xffff  }
0x227: {  	vm7 =	vlt.f32 v12, $0.0e+00;
	vm6 =	vmor vm5, vm1;
	vm1 =	vlt.f32 v4, $0.0e+00;
	v20 =	vld.idx.msk [tilespmem:v26+s31+$0x0], $0xffff  }
.Ltmp2:
0x228: {  	vm9 =	vgt.f32 v21, $0.0e+00;
	vm5 =	vgt.f32 v23, $0.0e+00;
	vm10 =	vlt.f32 v24, $0.0e+00;
	(pc) =	sbr.rel @p0 .LBB2_7-.Ltmp2, $4  }
0x229: {  	vm12 =	vgt.f32 v9, $0.0e+00;
	vm11 =	vgt.f32 v24, $0.0e+00;
	v9 =	vmpcnt.ones.xlane vm6  }
0x22a: {  	vm13 =	vlt.f32 v21, $0.0e+00;
	vm6 =	vmor vm11, vm10;
	vm10 =	vmor vm12, vm8  }
0x22b: {  	vm7 =	vmor vm4, vm7;
	vm8 =	vmor vm9, vm13;
	v12 =	vmpcnt.ones.xlane vm10  }
0x22c: {  	s1 =	sadd.s32 $0x20, s1;
	v21 =	vmpcnt.ones.xlane vm7;
	vm9 =	vlt.f32 v17, $0.0e+00;
	vm4 =	vlt.f32 v19, $0.0e+00  }
0x22d: {  	vm7 =	vlt.f32 v20, $0.0e+00;
	v22 =	vmpcnt.ones.xlane vm8  }
0x22e: {  	vm14 =	vgt.f32 v17, $0.0e+00;
	vm10 =	vgt.f32 v19, $0.0e+00;
	v17 =	vmpcnt.ones.xlane vm6  }
0x22f: {  	v3 =	vadd.s32 v3, v16;
	v14 =	vadd.s32 v15, v14;
	vm3 =	vmor vm5, vm3  }
0x230: {  	vm5 =	vlt.f32 v18, $0.0e+00;
	vm15 =	vgt.f32 v18, $0.0e+00;
	vm6 =	vmor vm14, vm9  }
0x231: {  	v16 =	vmpcnt.ones.xlane vm2;
	v15 =	vmpcnt.ones.xlane vm6;
	vm6 =	vgt.f32 v20, $0.0e+00  }
0x232: {  	v5 =	vadd.s32 v7, v5;
	v3 =	vadd.s32 v21, v3;
	vm6 =	vmor vm6, vm7  }
0x233: {  	vm2 =	vmor vm15, vm5;
	vm4 =	vmor vm10, vm4;
	v18 =	vmpcnt.ones.xlane vm6  }
0x234: {  	v7 =	vmpcnt.ones.xlane vm3;
	v19 =	vmpcnt.ones.xlane vm4;
	v16 =	vadd.s32 v16, v14  }
0x235: {  	v14 =	vmpcnt.ones.xlane vm2;
	vm2 =	vgt.f32 v4, $0.0e+00;
	v8 =	vadd.s32 v8, v18  }
0x236: {  	v13 =	vadd.s32 v13, v22;
	vm1 =	vmor vm2, vm1;
	v4 =	vadd.s32 v15, v8  }
0x237: {  	v6 =	vadd.s32 v6, v7;
	v8 =	vadd.s32 v10, v19;
	v10 =	vadd.s32 v12, v13  }
0x238: {  	v7 =	vmpcnt.ones.xlane vm1;
	v9 =	vadd.s32 v9, v6;
	v12 =	vld.idx.msk [tilespmem:v3+s30+$0x0], $0xffff  }
0x239: {  	v13 =	vadd.s32 v14, v8;
	v14 =	vld.idx.msk [tilespmem:v5+s30+$0x0], $0xffff;
	v5 =	vadd.s32 v11, v17  }
0x23a: {  	v11 =	vld.idx.msk [tilespmem:v16+s30+$0x0], $0xffff;
	v3 =	vadd.s32 v7, v5  }
0x23b: {  	v8 =	vld.idx.msk [tilespmem:v4+s30+$0x0], $0xffff  }
0x23c: {  	v6 =	vld.idx.msk [tilespmem:v10+s30+$0x0], $0xffff  }
0x23d: {  	v4 =	vld.idx.msk [tilespmem:v9+s30+$0x0], $0xffff  }
0x23e: {  	s0 =	simm.s32 $0x0;
	s7 =	simm.s32 $0x4;
	v5 =	vld.idx.msk [tilespmem:v13+s30+$0x0], $0xffff  }
0x23f: {  	s1 =	sand.u32 $0x60, s0;
	v3 =	vld.idx.msk [tilespmem:v3+s30+$0x0], $0xffff;
	_ =	swait.ge [sflag:s7], $0x4000  }
0x240: {  	s6 =	sand.u32 $0x780, s0;
	s2 =	sor.u32 $0x10, s1;
	[sflag:s7] =	ssyncset.done $0x0  }
0x241: {  	s6 =	sor.u32 s2, s6;
	[sflag:s7] =	ssyncadd.s32 $0xFFFFC000  }
0x242: {  	v7 =	vld [tilespmem:s6+$0x0];
	_ =	sdelay $0x1  }
0x243: {  	v9 =	vld [tilespmem:s0+$0x0];
	_ =	sdelay $0x2  }
0x244: {  	v10 =	vshll.u32 v7, $0x3  }
0x245: {  	v7 =	vand.u32 $0x7F, v7;
	v10 =	vand.u32 $0xFFFFFC00, v10  }
0x246: {  	v13 =	vshll.u32 v9, $0x3;
	v16 =	vor.u32 v7, v10  }
0x247: {  	v7 =	vand.u32 $0x7F, v9;
	v9 =	vand.u32 $0xFFFFFC00, v13  }
0x248: {  	v15 =	vor.u32 v7, v9;
	_ =	sdelay $0x2  }
0x249: {  	v7 =	vld.idx.msk [tilespmem:v16+s31+$0x0], $0xffff;
	_ =	sdelay $0x1  }
0x24a: {  	v9 =	vld.idx.msk [tilespmem:v15+s31+$0x0], $0xffff;
	_ =	sdelay $0x1  }
0x24b: {  	v10 =	vor.u32 $0x80, v16  }
0x24c: {  	s12 =	sand.u32 $0x3C00, s0;
	vm1 =	vlt.f32 v7, $0.0e+00;
	vm2 =	vgt.f32 v7, $0.0e+00  }
0x24d: {  	s6 =	sadd.s32 $0x18C00, s12;
	v7 =	vor.u32 $0x80, v15;
	vm1 =	vmor vm2, vm1  }
0x24e: {  	s2 =	sor.u32 s2, s6;
	vm2 =	vlt.f32 v9, $0.0e+00;
	vm3 =	vgt.f32 v9, $0.0e+00;
	v9 =	vnsel vm1, $0x0, v14  }
0x24f: {  	vm1 =	vmor vm3, vm2;
	[tilespmem:s2+$0x0] =	vst v9  }
0x250: {  	s8 =	simm.s32 $0x20;
	s1 =	sor.u32 s1, s6;
	v9 =	vnsel vm1, $0x0, v14;
	v10 =	vld.idx.msk [tilespmem:v10+s31+$0x0], $0xffff  }
0x251: {  	s13 =	sand.u32 $0x60, s8;
	[tilespmem:s1+$0x0] =	vst v9  }
0x252: {  	s14 =	sand.u32 $0x780, s8;
	s10 =	sor.u32 $0x10, s13;
	v7 =	vld.idx.msk [tilespmem:v7+s31+$0x0], $0xffff  }
0x253: {  	s6 =	sor.u32 s10, s14;
	v9 =	vld [tilespmem:s8+$0x0]  }
0x254: {  	v17 =	vld [tilespmem:s6+$0x0];
	v13 =	vor.u32 $0x100, v16  }
0x255: {  	vm1 =	vlt.f32 v10, $0.0e+00;
	vm2 =	vgt.f32 v10, $0.0e+00  }
0x256: {  	v18 =	vor.u32 $0x100, v15;
	vm1 =	vmor vm2, vm1  }
0x257: {  	vm2 =	vlt.f32 v7, $0.0e+00;
	v10 =	vnsel vm1, $0x0, v12;
	vm1 =	vgt.f32 v7, $0.0e+00  }
0x258: {  	v7 =	vand.u32 $0x7F, v9;
	v9 =	vshll.u32 v9, $0x3;
	[tilespmem:s2+$0x80] =	vst v10;
	vm1 =	vmor vm1, vm2  }
0x259: {  	v9 =	vand.u32 $0xFFFFFC00, v9;
	v10 =	vshll.u32 v17, $0x3;
	v13 =	vld.idx.msk [tilespmem:v13+s31+$0x0], $0xffff;
	v19 =	vnsel vm1, $0x0, v12  }
0x25a: {  	v7 =	vor.u32 v7, v9;
	v9 =	vand.u32 $0x7F, v17;
	v10 =	vand.u32 $0xFFFFFC00, v10;
	[tilespmem:s1+$0x80] =	vst v19  }
0x25b: {  	v10 =	vor.u32 v9, v10;
	v9 =	vld.idx.msk [tilespmem:v18+s31+$0x0], $0xffff;
	_ =	sdelay $0x1  }
0x25c: {  	v17 =	vor.u32 $0x180, v16  }
0x25d: {  	vm1 =	vlt.f32 v13, $0.0e+00;
	vm2 =	vgt.f32 v13, $0.0e+00  }
0x25e: {  	v13 =	vor.u32 $0x180, v15;
	v18 =	vld.idx.msk [tilespmem:v7+s31+$0x0], $0xffff;
	vm1 =	vmor vm2, vm1  }
0x25f: {  	v19 =	vld.idx.msk [tilespmem:v10+s31+$0x0], $0xffff;
	v20 =	vnsel vm1, $0x0, v11;
	vm1 =	vlt.f32 v9, $0.0e+00;
	vm2 =	vgt.f32 v9, $0.0e+00  }
0x260: {  	[tilespmem:s2+$0x100] =	vst v20;
	vm1 =	vmor vm2, vm1  }
0x261: {  	v9 =	vld.idx.msk [tilespmem:v17+s31+$0x0], $0xffff;
	v17 =	vnsel vm1, $0x0, v11  }
0x262: {  	[tilespmem:s1+$0x100] =	vst v17  }
0x263: {  	s6 =	simm.s32 $0x100;
	v20 =	vor.u32 $0x80, v10;
	v17 =	vor.u32 $0x80, v7;
	v13 =	vld.idx.msk [tilespmem:v13+s31+$0x0], $0xffff  }
0x264: {  	s12 =	simm.s32 $0x40;
	s15 =	sand.u32 $0x3C00, s6;
	vm1 =	vlt.f32 v18, $0.0e+00;
	vm2 =	vlt.f32 v19, $0.0e+00;
	vm3 =	vgt.f32 v19, $0.0e+00  }
0x265: {  	s8 =	sadd.s32 $0x18C00, s15;
	vm4 =	vgt.f32 v18, $0.0e+00;
	v18 =	vor.u32 $0x200, v16;
	v19 =	vld [tilespmem:s12+$0x0];
	vm2 =	vmor vm3, vm2  }
0x266: {  	s23 =	sor.u32 s10, s8;
	v21 =	vnsel vm2, $0x0, v14;
	vm2 =	vlt.f32 v9, $0.0e+00;
	vm3 =	vgt.f32 v9, $0.0e+00  }
0x267: {  	vm1 =	vmor vm4, vm1;
	[tilespmem:s23+$0x0] =	vst v21;
	v21 =	vor.u32 $0x200, v15;
	vm2 =	vmor vm3, vm2  }
0x268: {  	v20 =	vld.idx.msk [tilespmem:v20+s31+$0x0], $0xffff;
	v9 =	vnsel vm2, $0x0, v8;
	vm2 =	vlt.f32 v13, $0.0e+00;
	vm3 =	vgt.f32 v13, $0.0e+00  }
0x269: {  	s7 =	sor.u32 s13, s8;
	v13 =	vnsel vm1, $0x0, v14;
	[tilespmem:s2+$0x180] =	vst v9;
	vm1 =	vmor vm3, vm2  }
0x26a: {  	s11 =	sand.u32 $0x60, s12;
	v9 =	vshll.u32 v19, $0x3;
	[tilespmem:s7+$0x0] =	vst v13;
	v13 =	vld.idx.msk [tilespmem:v18+s31+$0x0], $0xffff;
	v18 =	vnsel vm1, $0x0, v8  }
0x26b: {  	s21 =	sand.u32 $0x780, s12;
	s16 =	sor.u32 $0x10, s11;
	v19 =	vand.u32 $0x7F, v19;
	v17 =	vld.idx.msk [tilespmem:v17+s31+$0x0], $0xffff;
	v9 =	vand.u32 $0xFFFFFC00, v9;
	[tilespmem:s1+$0x180] =	vst v18  }
0x26c: {  	v23 =	vor.u32 $0x280, v16;
	s10 =	sor.u32 s16, s21;
	v9 =	vor.u32 v19, v9;
	v19 =	vor.u32 $0x100, v10;
	v18 =	vld.idx.msk [tilespmem:v21+s31+$0x0], $0xffff  }
0x26d: {  	v22 =	vor.u32 $0x280, v15;
	vm1 =	vlt.f32 v20, $0.0e+00;
	vm2 =	vgt.f32 v20, $0.0e+00;
	v20 =	vld [tilespmem:s10+$0x0]  }
0x26e: {  	v27 =	vor.u32 $0x300, v15;
	v21 =	vor.u32 $0x100, v7;
	vm1 =	vmor vm2, vm1  }
0x26f: {  	s21 =	simm.s32 $0x60;
	v24 =	vnsel vm1, $0x0, v12;
	vm1 =	vlt.f32 v13, $0.0e+00;
	vm2 =	vgt.f32 v13, $0.0e+00  }
0x270: {  	v25 =	vld [tilespmem:s21+$0x0];
	vm3 =	vlt.f32 v17, $0.0e+00;
	[tilespmem:s23+$0x80] =	vst v24;
	vm1 =	vmor vm2, vm1;
	vm2 =	vgt.f32 v17, $0.0e+00  }
0x271: {  	v17 =	vld.idx.msk [tilespmem:v19+s31+$0x0], $0xffff;
	v13 =	vnsel vm1, $0x0, v6;
	vm1 =	vmor vm2, vm3;
	vm2 =	vlt.f32 v18, $0.0e+00  }
0x272: {  	v24 =	vld.idx.msk [tilespmem:v9+s31+$0x0], $0xffff;
	[tilespmem:s2+$0x200] =	vst v13;
	v13 =	vshll.u32 v20, $0x3;
	v19 =	vnsel vm1, $0x0, v12;
	vm1 =	vgt.f32 v18, $0.0e+00  }
0x273: {  	v20 =	vand.u32 $0x7F, v20;
	v18 =	vld.idx.msk [tilespmem:v23+s31+$0x0], $0xffff;
	v13 =	vand.u32 $0xFFFFFC00, v13;
	[tilespmem:s7+$0x80] =	vst v19;
	vm1 =	vmor vm1, vm2  }
0x274: {  	v28 =	vor.u32 $0x380, v15;
	v13 =	vor.u32 v20, v13;
	v19 =	vld.idx.msk [tilespmem:v21+s31+$0x0], $0xffff;
	v20 =	vnsel vm1, $0x0, v6  }
0x275: {  	v23 =	vshll.u32 v25, $0x3;
	v21 =	vand.u32 $0x7F, v25;
	[tilespmem:s1+$0x200] =	vst v20;
	v20 =	vor.u32 $0x180, v10  }
0x276: {  	v25 =	vor.u32 $0x300, v16;
	vm1 =	vlt.f32 v17, $0.0e+00;
	vm2 =	vgt.f32 v17, $0.0e+00;
	v22 =	vld.idx.msk [tilespmem:v22+s31+$0x0], $0xffff  }
0x277: {  	v17 =	vor.u32 $0x180, v7;
	vm4 =	vgt.f32 v24, $0.0e+00;
	vm1 =	vmor vm2, vm1  }
0x278: {  	vm2 =	vlt.f32 v18, $0.0e+00;
	vm3 =	vgt.f32 v18, $0.0e+00;
	v18 =	vnsel vm1, $0x0, v11  }
0x279: {  	v26 =	vld.idx.msk [tilespmem:v13+s31+$0x0], $0xffff;
	vm1 =	vmor vm3, vm2;
	vm2 =	vlt.f32 v19, $0.0e+00;
	vm3 =	vgt.f32 v19, $0.0e+00;
	[tilespmem:s23+$0x100] =	vst v18  }
0x27a: {  	v18 =	vnsel vm1, $0x0, v5;
	vm1 =	vmor vm3, vm2;
	v20 =	vld.idx.msk [tilespmem:v20+s31+$0x0], $0xffff;
	vm3 =	vlt.f32 v24, $0.0e+00  }
0x27b: {  	[tilespmem:s2+$0x280] =	vst v18;
	v18 =	vnsel vm1, $0x0, v11;
	vm1 =	vlt.f32 v22, $0.0e+00;
	vm2 =	vgt.f32 v22, $0.0e+00  }
0x27c: {  	v19 =	vor.u32 $0x80, v9;
	v22 =	vld.idx.msk [tilespmem:v25+s31+$0x0], $0xffff;
	[tilespmem:s7+$0x100] =	vst v18;
	vm1 =	vmor vm2, vm1;
	vm2 =	vmor vm4, vm3  }
0x27d: {  	s10 =	simm.s32 $0x200;
	v18 =	vor.u32 $0x80, v13;
	v17 =	vld.idx.msk [tilespmem:v17+s31+$0x0], $0xffff;
	v24 =	vnsel vm1, $0x0, v5;
	v25 =	vnsel vm2, $0x0, v14  }
0x27e: {  	s25 =	sand.u32 $0x3C00, s10;
	vm1 =	vlt.f32 v26, $0.0e+00;
	vm3 =	vgt.f32 v26, $0.0e+00;
	[tilespmem:s1+$0x280] =	vst v24;
	v24 =	vor.u32 $0x200, v10  }
0x27f: {  	s13 =	sand.u32 $0x3, s0;
	s12 =	sadd.s32 $0x18C00, s25;
	vm1 =	vmor vm3, vm1;
	vm2 =	vlt.f32 v20, $0.0e+00;
	vm3 =	vgt.f32 v20, $0.0e+00  }
0x280: {  	s14 =	sshll.u32 s13, $0x5;
	s8 =	sor.u32 s16, s12;
	v16 =	vor.u32 $0x380, v16;
	v26 =	vld.idx.msk [tilespmem:v27+s31+$0x0], $0xffff;
	v20 =	vnsel vm1, $0x0, v14;
	vm1 =	vmor vm3, vm2  }
0x281: {  	s15 =	sadd.s32 $0x0, s14;
	s2 =	sor.u32 s11, s12;
	vm2 =	vlt.f32 v22, $0.0e+00;
	[tilespmem:s8+$0x0] =	vst v20;
	vm3 =	vgt.f32 v22, $0.0e+00;
	v22 =	vor.u32 $0x200, v7  }
0x282: {  	s29 =	sadd.s32 $0x10, s15;
	[tilespmem:s2+$0x0] =	vst v25;
	v27 =	vnsel vm1, $0x0, v8;
	v25 =	vld.idx.msk [tilespmem:v18+s31+$0x0], $0xffff;
	vm1 =	vmor vm3, vm2;
	vm2 =	vlt.f32 v17, $0.0e+00  }
0x283: {  	s16 =	sor.u32 $0x300, s29;
	v20 =	vld.idx.msk [tilespmem:v19+s31+$0x0], $0xffff;
	vm3 =	vgt.f32 v17, $0.0e+00;
	[tilespmem:s23+$0x180] =	vst v27;
	v18 =	vand.u32 $0xFFFFFC00, v23;
	v17 =	vnsel vm1, $0x0, v4  }
0x284: {  	v23 =	vor.u32 $0x100, v13;
	vm1 =	vmor vm3, vm2;
	v27 =	vld.idx.msk [tilespmem:v24+s31+$0x0], $0xffff;
	v15 =	vor.u32 v21, v18;
	[tilespmem:s16+$0x18C00] =	vst v17  }
0x285: {  	s13 =	sand.u32 $0x60, s21;
	vm2 =	vlt.f32 v26, $0.0e+00;
	vm3 =	vgt.f32 v26, $0.0e+00;
	v17 =	vnsel vm1, $0x0, v8;
	v26 =	vld.idx.msk [tilespmem:v16+s31+$0x0], $0xffff  }
0x286: {  	s14 =	sor.u32 $0x10, s13;
	s25 =	sand.u32 $0x780, s21;
	v21 =	vor.u32 $0x100, v9;
	v18 =	vor.u32 $0x280, v7;
	vm1 =	vmor vm3, vm2;
	[tilespmem:s7+$0x180] =	vst v17  }
0x287: {  	s11 =	sor.u32 s14, s25;
	v16 =	vnsel vm1, $0x0, v4;
	v19 =	vld.idx.msk [tilespmem:v22+s31+$0x0], $0xffff;
	vm1 =	vlt.f32 v25, $0.0e+00;
	vm2 =	vgt.f32 v25, $0.0e+00  }
0x288: {  	s12 =	sor.u32 $0x300, s15;
	v17 =	vld [tilespmem:s11+$0x0];
	vm3 =	vlt.f32 v20, $0.0e+00;
	v22 =	vor.u32 $0x280, v10;
	vm1 =	vmor vm2, vm1  }
0x289: {  	s25 =	simm.s32 $0x200;
	[tilespmem:s12+$0x18C00] =	vst v16;
	vm2 =	vgt.f32 v27, $0.0e+00;
	v24 =	vnsel vm1, $0x0, v12;
	vm1 =	vlt.f32 v27, $0.0e+00  }
0x28a: {  	s1 =	sor.u32 $0x380, s15;
	s11 =	simm.s32 $0x6;
	s12 =	simm.s32 $0x80;
	v16 =	vld.idx.msk [tilespmem:v28+s31+$0x0], $0xffff;
	vm4 =	vmor vm2, vm1;
	vm1 =	vlt.f32 v26, $0.0e+00;
	vm2 =	vgt.f32 v26, $0.0e+00  }
.LBB2_9:
0x28b: {  	v25 =	vld [tilespmem:s12+$0x0];
	vm5 =	vgt.f32 v20, $0.0e+00;
	[tilespmem:s8+$0x80] =	vst v24;
	v20 =	vnsel vm4, $0x0, v6;
	vm1 =	vmor vm2, vm1  }
0x28c: {  	s15 =	sor.u32 $0x380, s29;
	vm2 =	vmor vm5, vm3;
	v23 =	vld.idx.msk [tilespmem:v23+s31+$0x0], $0xffff;
	vm3 =	vlt.f32 v19, $0.0e+00;
	[tilespmem:s23+$0x200] =	vst v20;
	v20 =	vnsel vm1, $0x0, v3  }
0x28d: {  	vm1 =	vgt.f32 v19, $0.0e+00;
	v24 =	vshll.u32 v17, $0x3;
	v26 =	vnsel vm2, $0x0, v12;
	v19 =	vld.idx.msk [tilespmem:v22+s31+$0x0], $0xffff;
	[tilespmem:s15+$0x18C00] =	vst v20  }
0x28e: {  	v17 =	vand.u32 $0x7F, v17;
	vm1 =	vmor vm1, vm3;
	v20 =	vand.u32 $0xFFFFFC00, v24;
	[tilespmem:s2+$0x80] =	vst v26  }
0x28f: {  	v17 =	vor.u32 v17, v20;
	v20 =	vld.idx.msk [tilespmem:v21+s31+$0x0], $0xffff;
	v21 =	vnsel vm1, $0x0, v6;
	vm1 =	vlt.f32 v16, $0.0e+00  }
0x290: {  	vm2 =	vgt.f32 v16, $0.0e+00;
	v22 =	vand.u32 $0x7F, v25;
	v24 =	vshll.u32 v25, $0x3;
	[tilespmem:s7+$0x200] =	vst v21  }
0x291: {  	v16 =	vor.u32 $0x180, v9;
	v21 =	vor.u32 $0x180, v13;
	vm1 =	vmor vm2, vm1;
	v18 =	vld.idx.msk [tilespmem:v18+s31+$0x0], $0xffff  }
0x292: {  	vm2 =	vlt.f32 v23, $0.0e+00;
	vm3 =	vgt.f32 v23, $0.0e+00;
	v23 =	vor.u32 $0x300, v10;
	v25 =	vld.idx.msk [tilespmem:v15+s31+$0x0], $0xffff  }
0x293: {  	vm2 =	vmor vm3, vm2;
	vm3 =	vlt.f32 v19, $0.0e+00;
	vm4 =	vgt.f32 v19, $0.0e+00  }
0x294: {  	v27 =	vnsel vm1, $0x0, v3;
	v26 =	vnsel vm2, $0x0, v11;
	vm2 =	vmor vm4, vm3;
	v19 =	vld.idx.msk [tilespmem:v17+s31+$0x0], $0xffff  }
0x295: {  	vm1 =	vlt.f32 v20, $0.0e+00;
	vm3 =	vgt.f32 v20, $0.0e+00;
	v20 =	vnsel vm2, $0x0, v5;
	[tilespmem:s8+$0x100] =	vst v26  }
0x296: {  	v28 =	vor.u32 $0x300, v7;
	v26 =	vor.u32 $0x80, v15;
	vm1 =	vmor vm3, vm1;
	v21 =	vld.idx.msk [tilespmem:v21+s31+$0x0], $0xffff;
	[tilespmem:s23+$0x280] =	vst v20;
	s23 =	smov.u32 s8  }
0x297: {  	v20 =	vnsel vm1, $0x0, v11;
	vm1 =	vlt.f32 v18, $0.0e+00;
	vm2 =	vgt.f32 v18, $0.0e+00;
	v18 =	vld.idx.msk [tilespmem:v23+s31+$0x0], $0xffff;
	[tilespmem:s1+$0x18C00] =	vst v27  }
0x298: {  	vm3 =	vlt.f32 v25, $0.0e+00;
	vm4 =	vgt.f32 v25, $0.0e+00;
	vm1 =	vmor vm2, vm1;
	[tilespmem:s2+$0x100] =	vst v20  }
0x299: {  	s10 =	sadd.s32 $0x100, s10;
	vm2 =	vmor vm4, vm3;
	v20 =	vor.u32 $0x80, v17;
	v23 =	vnsel vm1, $0x0, v5;
	v16 =	vld.idx.msk [tilespmem:v16+s31+$0x0], $0xffff  }
0x29a: {  	s0 =	sadd.s32 $0x1, s0;
	s1 =	sand.u32 $0x3C00, s10;
	v25 =	vnsel vm2, $0x0, v14;
	vm1 =	vlt.f32 v19, $0.0e+00;
	vm2 =	vgt.f32 v19, $0.0e+00;
	[tilespmem:s7+$0x280] =	vst v23;
	s7 =	smov.u32 s2  }
0x29b: {  	s15 =	sand.u32 $0x3, s0;
	v27 =	vor.u32 $0x380, v10;
	v10 =	vmovc v13;
	s1 =	sadd.s32 $0x18C00, s1;
	v19 =	vor.u32 $0x200, v13;
	v13 =	vmovc v17;
	vm1 =	vmor vm2, vm1;
	v23 =	vld.idx.msk [tilespmem:v28+s31+$0x0], $0xffff  }
0x29c: {  	s8 =	sor.u32 s14, s1;
	s2 =	sor.u32 s13, s1;
	s1 =	sshll.u32 s15, $0x5;
	v17 =	vnsel vm1, $0x0, v14;
	vm1 =	vlt.f32 v21, $0.0e+00;
	vm2 =	vgt.f32 v21, $0.0e+00  }
0x29d: {  	s13 =	sadd.s32 s1, s6;
	s6 =	smov.u32 s25;
	s25 =	smov.u32 s10;
	vm1 =	vmor vm2, vm1;
	vm2 =	vlt.f32 v18, $0.0e+00;
	vm3 =	vgt.f32 v18, $0.0e+00;
	[tilespmem:s8+$0x0] =	vst v17  }
0x29e: {  	v18 =	vor.u32 $0x200, v9;
	s15 =	sor.u32 $0x300, s13;
	s1 =	sor.u32 $0x380, s13;
	s29 =	sadd.s32 $0x10, s13;
	v21 =	vnsel vm1, $0x0, v8;
	vm1 =	vmor vm3, vm2;
	[tilespmem:s2+$0x0] =	vst v25;
	v17 =	vld.idx.msk [tilespmem:v20+s31+$0x0], $0xffff  }
0x29f: {  	s13 =	sor.u32 $0x300, s29;
	vm2 =	vlt.f32 v16, $0.0e+00;
	vm3 =	vgt.f32 v16, $0.0e+00;
	v16 =	vnsel vm1, $0x0, v4;
	v20 =	vld.idx.msk [tilespmem:v26+s31+$0x0], $0xffff;
	[tilespmem:s23+$0x180] =	vst v21  }
0x2a0: {  	v21 =	vand.u32 $0xFFFFFC00, v24;
	vm1 =	vmor vm3, vm2;
	v26 =	vor.u32 $0x380, v7;
	v7 =	vmovc v9;
	v9 =	vmovc v15;
	v25 =	vld.idx.msk [tilespmem:v19+s31+$0x0], $0xffff;
	[tilespmem:s13+$0x18C00] =	vst v16  }
0x2a1: {  	s21 =	sadd.s32 $0x20, s21;
	s11 =	sadd.s32 $0x2, s11;
	v16 =	vnsel vm1, $0x0, v8;
	vm1 =	vlt.f32 v23, $0.0e+00;
	vm2 =	vgt.f32 v23, $0.0e+00;
	v27 =	vld.idx.msk [tilespmem:v27+s31+$0x0], $0xffff  }
0x2a2: {  	p0 =	slt.u32 s11, $0x7E;
	s13 =	sand.u32 $0x60, s21;
	v15 =	vor.u32 v22, v21;
	vm1 =	vmor vm2, vm1;
	[tilespmem:s7+$0x180] =	vst v16  }
.Ltmp3:
0x2a3: {  	s16 =	sand.u32 $0x780, s21;
	v21 =	vor.u32 $0x100, v9;
	s14 =	sor.u32 $0x10, s13;
	v16 =	vnsel vm1, $0x0, v4;
	v19 =	vld.idx.msk [tilespmem:v18+s31+$0x0], $0xffff;
	v18 =	vor.u32 $0x280, v7;
	(pc) =	sbr.rel @p0 .LBB2_9-.Ltmp3, $4  }
0x2a4: {  	v23 =	vor.u32 $0x100, v13;
	s16 =	sor.u32 s14, s16;
	vm1 =	vlt.f32 v17, $0.0e+00;
	vm2 =	vgt.f32 v17, $0.0e+00;
	[tilespmem:s15+$0x18C00] =	vst v16  }
0x2a5: {  	v22 =	vor.u32 $0x280, v10;
	vm3 =	vlt.f32 v20, $0.0e+00;
	vm1 =	vmor vm2, vm1;
	v17 =	vld [tilespmem:s16+$0x0]  }
0x2a6: {  	v24 =	vnsel vm1, $0x0, v12;
	vm1 =	vlt.f32 v25, $0.0e+00;
	vm2 =	vgt.f32 v25, $0.0e+00;
	v16 =	vld.idx.msk [tilespmem:v26+s31+$0x0], $0xffff  }
0x2a7: {  	s12 =	sadd.s32 $0x20, s12;
	vm4 =	vmor vm2, vm1;
	vm1 =	vlt.f32 v27, $0.0e+00;
	vm2 =	vgt.f32 v27, $0.0e+00  }
0x2a8: {  	_ =	sdelay $0x1  }
0x2a9: {  	v25 =	vshll.u32 v17, $0x3  }
0x2aa: {  	v29 =	vand.u32 $0x7F, v17;
	v25 =	vand.u32 $0xFFFFFC00, v25  }
0x2ab: {  	v17 =	vor.u32 v29, v25;
	_ =	sdelay $0x4  }
0x2ac: {  	v25 =	vld.idx.msk [tilespmem:v17+s31+$0x0], $0xffff  }
0x2ad: {  	v26 =	vld.idx.msk [tilespmem:v15+s31+$0x0], $0xffff;
	_ =	sdelay $0x2  }
0x2ae: {  	s10 =	sadd.s32 $0x100, s10;
	v27 =	vor.u32 $0x80, v17  }
0x2af: {  	v30 =	vor.u32 $0x80, v15;
	s11 =	sand.u32 $0x3C00, s10;
	vm5 =	vlt.f32 v25, $0.0e+00;
	vm6 =	vgt.f32 v25, $0.0e+00  }
0x2b0: {  	s11 =	sadd.s32 $0x18C00, s11;
	vm9 =	vlt.f32 v26, $0.0e+00;
	vm7 =	vgt.f32 v26, $0.0e+00;
	vm5 =	vmor vm6, vm5  }
0x2b1: {  	s12 =	sor.u32 s14, s11;
	vm6 =	vmor vm7, vm9;
	v31 =	vnsel vm5, $0x0, v14  }
0x2b2: {  	s11 =	sor.u32 s13, s11;
	v32 =	vnsel vm6, $0x0, v14;
	[tilespmem:s12+$0x0] =	vst v31  }
0x2b3: {  	[tilespmem:s11+$0x0] =	vst v32;
	v33 =	vld.idx.msk [tilespmem:v27+s31+$0x0], $0xffff  }
0x2b4: {  	v25 =	vld.idx.msk [tilespmem:v30+s31+$0x0], $0xffff;
	_ =	sdelay $0x1  }
0x2b5: {  	vm10 =	vgt.f32 v20, $0.0e+00  }
0x2b6: {  	[tilespmem:s8+$0x80] =	vst v24;
	v36 =	vor.u32 $0x100, v15;
	vm3 =	vmor vm10, vm3;
	v35 =	vor.u32 $0x100, v17  }
0x2b7: {  	v23 =	vld.idx.msk [tilespmem:v23+s31+$0x0], $0xffff;
	v34 =	vnsel vm3, $0x0, v12;
	vm3 =	vlt.f32 v33, $0.0e+00;
	vm11 =	vgt.f32 v33, $0.0e+00  }
0x2b8: {  	[tilespmem:s2+$0x80] =	vst v34;
	vm12 =	vlt.f32 v25, $0.0e+00;
	vm13 =	vgt.f32 v25, $0.0e+00;
	vm3 =	vmor vm11, vm3  }
0x2b9: {  	v37 =	vld.idx.msk [tilespmem:v21+s31+$0x0], $0xffff;
	vm5 =	vmor vm13, vm12;
	v38 =	vnsel vm3, $0x0, v12  }
0x2ba: {  	v39 =	vnsel vm5, $0x0, v12;
	[tilespmem:s12+$0x80] =	vst v38  }
0x2bb: {  	v41 =	vor.u32 $0x180, v13;
	[tilespmem:s11+$0x80] =	vst v39;
	v24 =	vld.idx.msk [tilespmem:v35+s31+$0x0], $0xffff  }
0x2bc: {  	vm14 =	vgt.f32 v23, $0.0e+00;
	vm3 =	vlt.f32 v23, $0.0e+00;
	v20 =	vld.idx.msk [tilespmem:v36+s31+$0x0], $0xffff  }
0x2bd: {  	v40 =	vnsel vm4, $0x0, v6;
	v42 =	vor.u32 $0x180, v9;
	vm3 =	vmor vm14, vm3  }
0x2be: {  	vm15 =	vlt.f32 v37, $0.0e+00;
	vm8 =	vgt.f32 v37, $0.0e+00;
	v43 =	vnsel vm3, $0x0, v11  }
0x2bf: {  	v47 =	vor.u32 $0x180, v15;
	v45 =	vor.u32 $0x180, v17;
	vm3 =	vmor vm8, vm15;
	[tilespmem:s8+$0x100] =	vst v43  }
0x2c0: {  	v44 =	vnsel vm3, $0x0, v11;
	v46 =	vld.idx.msk [tilespmem:v41+s31+$0x0], $0xffff;
	vm3 =	vlt.f32 v24, $0.0e+00;
	vm10 =	vgt.f32 v24, $0.0e+00  }
0x2c1: {  	[tilespmem:s2+$0x100] =	vst v44;
	vm11 =	vlt.f32 v20, $0.0e+00;
	vm12 =	vgt.f32 v20, $0.0e+00;
	vm3 =	vmor vm10, vm3  }
0x2c2: {  	[tilespmem:s23+$0x200] =	vst v40;
	v12 =	vld.idx.msk [tilespmem:v42+s31+$0x0], $0xffff;
	vm5 =	vmor vm12, vm11;
	v48 =	vnsel vm3, $0x0, v11  }
0x2c3: {  	v51 =	vor.u32 $0x200, v13;
	v52 =	vor.u32 $0x200, v9;
	v21 =	vld.idx.msk [tilespmem:v22+s31+$0x0], $0xffff;
	v49 =	vnsel vm5, $0x0, v11;
	[tilespmem:s12+$0x100] =	vst v48  }
0x2c4: {  	v57 =	vor.u32 $0x200, v15;
	v58 =	vor.u32 $0x300, v10;
	vm9 =	vlt.f32 v19, $0.0e+00;
	[tilespmem:s11+$0x100] =	vst v49;
	v22 =	vld.idx.msk [tilespmem:v45+s31+$0x0], $0xffff  }
0x2c5: {  	vm3 =	vgt.f32 v19, $0.0e+00;
	vm13 =	vlt.f32 v46, $0.0e+00;
	vm14 =	vgt.f32 v46, $0.0e+00;
	v14 =	vld.idx.msk [tilespmem:v47+s31+$0x0], $0xffff  }
0x2c6: {  	v62 =	vor.u32 $0x280, v13;
	vm3 =	vmor vm3, vm9;
	vm4 =	vmor vm14, vm13  }
0x2c7: {  	vm15 =	vlt.f32 v12, $0.0e+00;
	vm9 =	vgt.f32 v12, $0.0e+00;
	v50 =	vnsel vm3, $0x0, v6  }
0x2c8: {  	v56 =	vor.u32 $0x200, v17;
	v54 =	vnsel vm4, $0x0, v8;
	vm5 =	vmor vm9, vm15;
	[tilespmem:s7+$0x200] =	vst v50  }
0x2c9: {  	[tilespmem:s8+$0x180] =	vst v54;
	v55 =	vnsel vm5, $0x0, v8;
	v53 =	vld.idx.msk [tilespmem:v18+s31+$0x0], $0xffff;
	vm11 =	vlt.f32 v22, $0.0e+00;
	vm12 =	vgt.f32 v22, $0.0e+00  }
0x2ca: {  	v20 =	vld.idx.msk [tilespmem:v51+s31+$0x0], $0xffff;
	[tilespmem:s2+$0x180] =	vst v55;
	vm13 =	vlt.f32 v14, $0.0e+00;
	vm14 =	vgt.f32 v14, $0.0e+00;
	vm4 =	vmor vm12, vm11  }
0x2cb: {  	v63 =	vor.u32 $0x280, v9;
	v11 =	vld.idx.msk [tilespmem:v52+s31+$0x0], $0xffff;
	vm15 =	vmor vm14, vm13;
	v59 =	vnsel vm4, $0x0, v8  }
0x2cc: {  	vm10 =	vgt.f32 v21, $0.0e+00;
	vm3 =	vlt.f32 v21, $0.0e+00;
	v60 =	vnsel vm15, $0x0, v8;
	[tilespmem:s12+$0x180] =	vst v59  }
0x2cd: {  	v29 =	vor.u32 $0x280, v15;
	v28 =	vor.u32 $0x280, v17;
	vm3 =	vmor vm10, vm3;
	[tilespmem:s11+$0x180] =	vst v60;
	v19 =	vld.idx.msk [tilespmem:v56+s31+$0x0], $0xffff  }
0x2ce: {  	v61 =	vnsel vm3, $0x0, v5;
	vm9 =	vlt.f32 v53, $0.0e+00;
	vm10 =	vgt.f32 v53, $0.0e+00;
	v18 =	vld.idx.msk [tilespmem:v57+s31+$0x0], $0xffff  }
0x2cf: {  	vm11 =	vlt.f32 v20, $0.0e+00;
	vm12 =	vgt.f32 v20, $0.0e+00;
	vm3 =	vmor vm10, vm9  }
0x2d0: {  	vm4 =	vmor vm12, vm11;
	vm13 =	vlt.f32 v11, $0.0e+00;
	vm14 =	vgt.f32 v11, $0.0e+00  }
0x2d1: {  	[tilespmem:s23+$0x280] =	vst v61;
	v25 =	vnsel vm4, $0x0, v6;
	vm15 =	vmor vm14, vm13;
	v26 =	vnsel vm3, $0x0, v5  }
0x2d2: {  	v14 =	vld.idx.msk [tilespmem:v58+s31+$0x0], $0xffff;
	[tilespmem:s8+$0x200] =	vst v25;
	v27 =	vnsel vm15, $0x0, v6;
	vm3 =	vlt.f32 v19, $0.0e+00;
	vm8 =	vgt.f32 v19, $0.0e+00  }
0x2d3: {  	v21 =	vld.idx.msk [tilespmem:v62+s31+$0x0], $0xffff;
	[tilespmem:s2+$0x200] =	vst v27;
	vm9 =	vlt.f32 v18, $0.0e+00;
	vm10 =	vgt.f32 v18, $0.0e+00;
	vm3 =	vmor vm8, vm3  }
0x2d4: {  	v24 =	vor.u32 $0x300, v7;
	v8 =	vld.idx.msk [tilespmem:v63+s31+$0x0], $0xffff;
	v30 =	vnsel vm3, $0x0, v6;
	vm3 =	vmor vm10, vm9  }
0x2d5: {  	vm1 =	vmor vm2, vm1;
	v34 =	vor.u32 $0x300, v9;
	[tilespmem:s12+$0x200] =	vst v30;
	v32 =	vnsel vm3, $0x0, v6  }
0x2d6: {  	v37 =	vor.u32 $0x300, v17;
	v31 =	vor.u32 $0x380, v10;
	v33 =	vor.u32 $0x300, v13;
	v18 =	vld.idx.msk [tilespmem:v28+s31+$0x0], $0xffff;
	[tilespmem:s11+$0x200] =	vst v32  }
0x2d7: {  	v38 =	vor.u32 $0x300, v15;
	v42 =	vor.u32 $0x380, v7;
	vm2 =	vlt.f32 v14, $0.0e+00;
	v12 =	vld.idx.msk [tilespmem:v29+s31+$0x0], $0xffff  }
0x2d8: {  	[tilespmem:s7+$0x280] =	vst v26;
	vm11 =	vlt.f32 v21, $0.0e+00;
	vm12 =	vgt.f32 v21, $0.0e+00;
	vm3 =	vgt.f32 v14, $0.0e+00  }
0x2d9: {  	v11 =	vld.idx.msk [tilespmem:v24+s31+$0x0], $0xffff;
	vm4 =	vmor vm12, vm11;
	vm13 =	vlt.f32 v8, $0.0e+00;
	vm14 =	vgt.f32 v8, $0.0e+00  }
0x2da: {  	vm3 =	vmor vm3, vm2;
	v35 =	vnsel vm4, $0x0, v5;
	vm2 =	vmor vm14, vm13  }
0x2db: {  	[tilespmem:s8+$0x280] =	vst v35;
	v36 =	vnsel vm2, $0x0, v5;
	s8 =	sadd.s32 $0x1, s0;
	vm2 =	vlt.f32 v18, $0.0e+00;
	vm9 =	vgt.f32 v18, $0.0e+00  }
0x2dc: {  	v14 =	vld.idx.msk [tilespmem:v33+s31+$0x0], $0xffff;
	[tilespmem:s2+$0x280] =	vst v36;
	s0 =	sand.u32 $0x3, s8;
	vm2 =	vmor vm9, vm2;
	vm10 =	vlt.f32 v12, $0.0e+00;
	vm11 =	vgt.f32 v12, $0.0e+00  }
0x2dd: {  	v46 =	vor.u32 $0x380, v9;
	v6 =	vld.idx.msk [tilespmem:v34+s31+$0x0], $0xffff;
	s0 =	sshll.u32 s0, $0x5;
	v39 =	vnsel vm2, $0x0, v5;
	vm5 =	vmor vm11, vm10  }
0x2de: {  	vm15 =	vlt.f32 v11, $0.0e+00;
	vm12 =	vgt.f32 v11, $0.0e+00;
	s7 =	sadd.s32 $0x1, s8;
	s0 =	sadd.s32 s0, s6;
	[tilespmem:s12+$0x280] =	vst v39;
	v40 =	vnsel vm5, $0x0, v5  }
0x2df: {  	v45 =	vor.u32 $0x380, v13;
	v50 =	vor.u32 $0x380, v17;
	vm4 =	vmor vm12, vm15;
	s6 =	sadd.s32 $0x10, s0;
	s12 =	sand.u32 $0x3, s7;
	v44 =	vld.idx.msk [tilespmem:v37+s31+$0x0], $0xffff;
	[tilespmem:s11+$0x280] =	vst v40  }
0x2e0: {  	v51 =	vor.u32 $0x380, v15;
	v41 =	vnsel vm3, $0x0, v4;
	v43 =	vnsel vm4, $0x0, v4;
	s13 =	sor.u32 $0x300, s6;
	s2 =	sshll.u32 s12, $0x5;
	v8 =	vld.idx.msk [tilespmem:v38+s31+$0x0], $0xffff  }
0x2e1: {  	vm9 =	vgt.f32 v16, $0.0e+00;
	vm3 =	vlt.f32 v14, $0.0e+00;
	vm13 =	vgt.f32 v14, $0.0e+00;
	[tilespmem:s13+$0x18C00] =	vst v41;
	s7 =	sadd.s32 $0x1, s7;
	s2 =	sadd.s32 s2, s25  }
0x2e2: {  	s14 =	sor.u32 $0x300, s0;
	vm14 =	vlt.f32 v6, $0.0e+00;
	vm15 =	vgt.f32 v6, $0.0e+00;
	vm3 =	vmor vm13, vm3;
	v47 =	vld.idx.msk [tilespmem:v31+s31+$0x0], $0xffff;
	s7 =	sand.u32 $0x3, s7;
	s11 =	sadd.s32 $0x10, s2  }
0x2e3: {  	[tilespmem:s14+$0x18C00] =	vst v43;
	vm2 =	vlt.f32 v16, $0.0e+00;
	vm5 =	vmor vm15, vm14;
	v48 =	vnsel vm3, $0x0, v4;
	s7 =	sshll.u32 s7, $0x5;
	s15 =	sor.u32 $0x300, s11  }
0x2e4: {  	v7 =	vld.idx.msk [tilespmem:v42+s31+$0x0], $0xffff;
	v49 =	vnsel vm5, $0x0, v4;
	s16 =	sor.u32 $0x300, s2;
	s7 =	sadd.s32 s7, s10;
	[tilespmem:s15+$0x18C00] =	vst v48;
	vm3 =	vlt.f32 v44, $0.0e+00;
	vm10 =	vgt.f32 v44, $0.0e+00  }
0x2e5: {  	[tilespmem:s16+$0x18C00] =	vst v49;
	s21 =	sadd.s32 $0x10, s7;
	v5 =	vld.idx.msk [tilespmem:v45+s31+$0x0], $0xffff;
	vm3 =	vmor vm10, vm3;
	vm11 =	vlt.f32 v8, $0.0e+00;
	vm12 =	vgt.f32 v8, $0.0e+00  }
0x2e6: {  	vm2 =	vmor vm9, vm2;
	v52 =	vld.idx.msk [tilespmem:v46+s31+$0x0], $0xffff;
	s23 =	sor.u32 $0x300, s21;
	v53 =	vnsel vm3, $0x0, v4;
	vm3 =	vmor vm12, vm11  }
0x2e7: {  	s25 =	sor.u32 $0x300, s7;
	vm13 =	vlt.f32 v47, $0.0e+00;
	vm14 =	vgt.f32 v47, $0.0e+00;
	[tilespmem:s23+$0x18C00] =	vst v53;
	v54 =	vnsel vm3, $0x0, v4  }
0x2e8: {  	v55 =	vnsel vm1, $0x0, v3;
	v56 =	vnsel vm2, $0x0, v3;
	vm1 =	vmor vm14, vm13;
	v57 =	vld.idx.msk [tilespmem:v50+s31+$0x0], $0xffff;
	[tilespmem:s25+$0x18C00] =	vst v54  }
0x2e9: {  	s13 =	sor.u32 $0x380, s29;
	vm2 =	vgt.f32 v7, $0.0e+00;
	v58 =	vnsel vm1, $0x0, v3;
	vm1 =	vlt.f32 v7, $0.0e+00;
	v59 =	vld.idx.msk [tilespmem:v51+s31+$0x0], $0xffff  }
0x2ea: {  	[tilespmem:s13+$0x18C00] =	vst v55;
	vm1 =	vmor vm2, vm1;
	vm2 =	vlt.f32 v5, $0.0e+00;
	vm3 =	vgt.f32 v5, $0.0e+00  }
0x2eb: {  	s14 =	sor.u32 $0x380, s6;
	[tilespmem:s1+$0x18C00] =	vst v56;
	vm15 =	vgt.f32 v52, $0.0e+00;
	vm2 =	vmor vm3, vm2;
	vm3 =	vlt.f32 v52, $0.0e+00  }
0x2ec: {  	s0 =	sor.u32 $0x380, s0;
	[tilespmem:s14+$0x18C00] =	vst v58;
	v60 =	vnsel vm1, $0x0, v3;
	v61 =	vnsel vm2, $0x0, v3;
	vm1 =	vmor vm15, vm3  }
0x2ed: {  	s15 =	sor.u32 $0x380, s11;
	[tilespmem:s0+$0x18C00] =	vst v60;
	v62 =	vnsel vm1, $0x0, v3;
	vm1 =	vlt.f32 v57, $0.0e+00;
	vm2 =	vgt.f32 v57, $0.0e+00  }
0x2ee: {  	s9 =	sadd.s32 $0x1, s9;
	s16 =	sor.u32 $0x380, s2;
	[tilespmem:s15+$0x18C00] =	vst v61;
	vm1 =	vmor vm2, vm1;
	vm2 =	vlt.f32 v59, $0.0e+00;
	vm3 =	vgt.f32 v59, $0.0e+00  }
0x2ef: {  	p0 =	sne.s32 s9, $0x4;
	s21 =	sor.u32 $0x380, s21;
	[tilespmem:s16+$0x18C00] =	vst v62;
	v63 =	vnsel vm1, $0x0, v3;
	vm1 =	vmor vm3, vm2  }
.Ltmp4:
0x2f0: {  	s23 =	sor.u32 $0x380, s7;
	[tilespmem:s21+$0x18C00] =	vst v63;
	v3 =	vnsel vm1, $0x0, v3;
	(pc) =	sbr.rel @p0 .LBB2_2-.Ltmp4, $4  }
0x2f1: {  	[tilespmem:s23+$0x18C00] =	vst v3  }
0x2f2: {  	s25 =	sshll.u32 s3, $0xB;
	s1 =	rddreg [dreg:$0x12]  }
0x2f3: {  	s29 =	simm.s32 $0x18C00;
	s0 =	sadd.s32 s25, s1  }
0x2f4: {  	[hbm4b:s0+s5] =	stream.linear.scatter [tilespmem:s29], [sflag:$0x4], $0x4000, $0x38;
	[tilespmem:$0x1D480] =	vst v63  }
0x2f5: {  	s0 =	simm.s32 $0x4  }
0x2f6: {  	_ =	swait.ge [sflag:s0], $0x4000  }
0x2f7: {  	[sflag:s0] =	ssyncset.done $0x0  }
0x2f8: {  	s23 =	simm.s32 $0x1;
	[sflag:s0] =	ssyncadd.s32 $0xFFFFC000  }
0x2f9: {  	_ =	swait.ge [sflag:s23], $0x8000  }
0x2fa: {  	s3 =	simm.s32 $0xC00;
	[sflag:s23] =	ssyncset.done $0x0  }
0x2fb: {  	s1 =	simm.s32 $0x5;
	s25 =	rddreg [dreg:$0x13];
	[sflag:s23] =	ssyncadd.s32 $0xFFFF8000  }
0x2fc: {  	[hbm4b:s25+s5] =	stream.linear.scatter [tilespmem:s3], [sflag:$0x5], $0x8000, $0x38;
	[tilespmem:$0x1D480] =	vst v63  }
0x2fd: {  	_ =	swait.ge [sflag:s1], $0x8000  }
0x2fe: {  	s2 =	rddreg [dreg:$0x15]  }
0x2ff: {  	s29 =	rddreg [dreg:$0x14];
	s2 =	sadd.s32 $0x1, s2  }
0x300: {  	p0 =	sne.s32 s2, s29  }
.Ltmp5:
0x301: {  	_ = 	snop;
	(pc) =	sbr.rel @p0 .LBB2_1-.Ltmp5, $3  }
0x302: {  	_ =	sdelay $0x1  }
0x303: {  	[sflag:s1] =	ssyncset.done $0x0  }
0x304: {  	[sflag:s1] =	ssyncadd.s32 $0xFFFF8000  }
0x305: {  	_ =	sfence.sel $0x180000  }
0x306: {  	[bflag:$0x0] =	sbarrier.arrive $0xFFFF  }
0x307: {  	_ =	strace $0x90000047  }
0x308: {  	s0 =	stileid.u32;
	[bflag:$0x2] =	sbarrier.arrive $0xFFFF  }
0x309: {  	p0 =	sne.s32 s0, $0x0;
	s0 =	rddreg [dreg:$0x6]  }
0x30a: {  	s0 =	sadd.s32 @!p0 $0x100000, s0  }
0x30b: {  	[sflag:s0] =	ssyncadd.tile.s32 @!p0 $0x1;
	_ =	shalt  }
.Lfunc_end2:
_tile_overlayer_lowered:
.L_overlay_start_2:
0x30c: {  	(tag) =	ssettag $0x2  }
0x30d: {  	s0 =	rddreg [dreg:$0x0];
	s2 =	stileid.u32  }
0x30e: {  	s1 =	rddreg [dreg:$0x1];
	p0 =	sne.s32 s2, $0x0  }
0x30f: {  	s3 =	rddreg [dreg:$0x2];
	[bflag:$0x3] =	sbarrier.arrive $0xFFFF;
	s2 =	simm.s32 @!p0 $0x1C05  }
0x310: {  	[timem:s3], [sflag:s2] =	dma.local @!p0 [hbm:s0], s1  }
0x311: {  	s0 =	simm.s32 @!p0 $0x5  }
0x312: {  	_ =	swait.ge @!p0 [sflag:s0], s1  }
0x313: {  	s1 =	ssub.s32 @!p0 $0x0, s1;
	[sflag:s0] =	ssyncset.done @!p0 $0x0  }
0x314: {  	[sflag:s0] =	ssyncadd.s32 @!p0 s1  }
0x315: {  	[bflag:$0x3] =	sbarrier.arrive $0xFFFF  }
0x316: {  	_ =	shalt  }

</sc_bundles>
